<compile_context>
chip_gen: v7x
topology: tpu7x:2x2x1
jax: 0.10.2.dev20260603
libtpu: 0.0.44.dev20260713+nightly
codegen_flags: <defaults>
</compile_context>

<pallas_src>
import functools

import jax
import jax.numpy as jnp
from jax import lax
from jax.experimental import pallas as pl
from jax.experimental.pallas import tpu as pltpu
from jax.experimental.pallas import tpu_sc as plsc

_NC = 2
_NS = 16
_NW = _NC * _NS

_C = 80
_K = 25


def _mm_body(h_ref, w_ref, o_ref):
    o_ref[0] = jnp.dot(h_ref[...], w_ref[0], preferred_element_type=jnp.float32)


def _all_transforms(h, weight, bn):
    n, f_in = h.shape
    r, _, f_out = weight.shape
    del bn
    return pl.pallas_call(
        _mm_body,
        grid=(r,),
        in_specs=[
            pl.BlockSpec((n, f_in), lambda ri: (0, 0)),
            pl.BlockSpec((1, f_in, f_out), lambda ri: (ri, 0, 0)),
        ],
        out_specs=pl.BlockSpec((1, n, f_out), lambda ri: (ri, 0, 0)),
        out_shape=jax.ShapeDtypeStruct((r, n, f_out), jnp.float32),
    )(h, weight)


def _add_body(p_ref, o_ref):
    o_ref[...] = p_ref[0] + p_ref[1]


def _sum_partials(partials, n, bn):
    _, _, f = partials.shape
    return pl.pallas_call(
        _add_body,
        grid=(n // bn,),
        in_specs=[pl.BlockSpec((2, bn, f), lambda i: (0, i, 0))],
        out_specs=pl.BlockSpec((bn, f), lambda i: (i, 0)),
        out_shape=jax.ShapeDtypeStruct((n, f), jnp.float32),
    )(partials)


def _make_sc_gather_scatter(n_pad, f_out, nb, k, c):
    rows_per_tile = n_pad // _NS
    mesh = plsc.VectorSubcoreMesh(core_axis_name="c", subcore_axis_name="s")

    @functools.partial(
        pl.kernel,
        mesh=mesh,
        out_type=jax.ShapeDtypeStruct((_NC, n_pad, f_out), jnp.float32),
        scratch_types=[
            pltpu.VMEM((k * c,), jnp.int32),
            pltpu.VMEM((k * c,), jnp.int32),
            pltpu.VMEM((k * c,), jnp.int32),
            pltpu.VMEM((k * c,), jnp.int32),
            pltpu.VMEM((k, c), jnp.int32),
            pltpu.VMEM((k, c), jnp.int32),
            pltpu.VMEM((c, f_out), jnp.float32),
            pltpu.VMEM((c, f_out), jnp.float32),
            pltpu.VMEM((c, f_out), jnp.float32),
            pltpu.VMEM_SHARED((n_pad, f_out), jnp.float32),
            pltpu.SemaphoreType.DMA,
            pltpu.SemaphoreType.DMA,
            pltpu.SemaphoreType.DMA,
            pltpu.SemaphoreType.DMA,
            pltpu.SemaphoreType.DMA,
            pltpu.SemaphoreType.DMA,
            pltpu.SemaphoreType.DMA,
            pltpu.SemaphoreType.DMA,
        ],
    )
    def sc_kernel(all_t_hbm, fidx_hbm, didx_hbm, out_hbm,
                  fidx0, fidx1, didx0, didx1, didx2d0, didx2d1,
                  rows0, rows1, rows2, acc_sh,
                  semi0, semi1, semr0, semr1, semr2, sems0, sems1, sems2):
        cid = lax.axis_index("c")
        sid = lax.axis_index("s")
        wid = cid * _NS + sid

        fbufs = (fidx0, fidx1)
        dbufs1 = (didx0, didx1)
        dbufs = (didx2d0, didx2d1)
        isems = (semi0, semi1)
        rbufs = (rows0, rows1, rows2)
        rsems = (semr0, semr1, semr2)
        ssems = (sems0, sems1, sems2)

        ept = nb * k * c
        base = wid * ept

        def start_idx_block(bi, p):
            pltpu.async_copy(fidx_hbm.at[pl.ds(base + bi * k * c, k * c)],
                             fbufs[p], isems[p])
            pltpu.async_copy(didx_hbm.at[pl.ds(base + bi * k * c, k * c)],
                             dbufs1[p], isems[p])

        def wait_idx_block(p):
            pltpu.make_async_copy(fidx_hbm.at[pl.ds(0, k * c)],
                                  fbufs[p], isems[p]).wait()
            pltpu.make_async_copy(didx_hbm.at[pl.ds(0, k * c)],
                                  dbufs1[p], isems[p]).wait()

        row0 = sid * rows_per_tile
        start_idx_block(0, 0)
        zvec = jnp.zeros((16,), jnp.float32)

        def zrow(i, _):
            for j in range(f_out // 16):
                rows0[i, pl.ds(j * 16, 16)] = zvec
            return 0

        lax.fori_loop(0, c, zrow, 0)
        nfull = rows_per_tile // c
        for i in range(nfull):
            pltpu.sync_copy(rows0, acc_sh.at[pl.ds(row0 + i * c, c)])
        rem = rows_per_tile - nfull * c
        if rem:
            pltpu.sync_copy(rows0.at[pl.ds(0, rem)],
                            acc_sh.at[pl.ds(row0 + nfull * c, rem)])
        plsc.subcore_barrier()

        def block_body(bi, _):
            pb = lax.rem(bi, 2)
            for p in range(2):
                @pl.when(pb == p)
                def _():
                    wait_idx_block(p)

                    @pl.when(bi + 1 < nb)
                    def _():
                        start_idx_block(bi + 1, 1 - p)

                    def relay(ki2, _):
                        for j in range(c // 16):
                            dbufs[p][ki2, pl.ds(j * 16, 16)] = (
                                dbufs1[p][pl.ds(ki2 * c + j * 16, 16)])
                        return 0

                    lax.fori_loop(0, k, relay, 0)

                    pltpu.async_copy(all_t_hbm.at[fbufs[p].at[pl.ds(0, c)]],
                                     rbufs[0], rsems[0])
                    pltpu.async_copy(all_t_hbm.at[fbufs[p].at[pl.ds(c, c)]],
                                     rbufs[1], rsems[1])
                    for ki in range(k):
                        q = ki % 3
                        pltpu.make_async_copy(all_t_hbm.at[fbufs[p].at[pl.ds(ki * c, c)]],
                                              rbufs[q], rsems[q]).wait()
                        pltpu.async_copy(rbufs[q], acc_sh.at[dbufs[p].at[ki]],
                                         ssems[q], add=True)
                        if 1 <= ki and ki + 2 < k:
                            qn = (ki + 2) % 3
                            pltpu.make_async_copy(
                                rbufs[qn], acc_sh.at[dbufs[p].at[ki]],
                                ssems[qn]).wait()
                        if ki + 2 < k:
                            pltpu.async_copy(
                                all_t_hbm.at[fbufs[p].at[pl.ds((ki + 2) * c, c)]],
                                rbufs[(ki + 2) % 3], rsems[(ki + 2) % 3])
                    for j in range(max(k - 3, 0), k):
                        pltpu.make_async_copy(rbufs[j % 3],
                                              acc_sh.at[dbufs[p].at[0]],
                                              ssems[j % 3]).wait()
            return 0

        lax.fori_loop(0, nb, block_body, 0)
        plsc.subcore_barrier()

        pltpu.sync_copy(acc_sh.at[pl.ds(row0, rows_per_tile)],
                        out_hbm.at[cid, pl.ds(row0, rows_per_tile)])

    return sc_kernel


def kernel(h, edge_index, rel_type, weight):
    n, f_in = h.shape
    r, _, f_out = weight.shape
    e = edge_index.shape[1]

    src = edge_index[0]
    dst = edge_index[1]
    flat_idx = rel_type * n + src

    rows_per_tile = ((n + 1 + _NS - 1) // _NS + 7) // 8 * 8
    n_pad = rows_per_tile * _NS

    per_block = _NW * _C * _K
    e_pad = ((e + per_block - 1) // per_block) * per_block
    if e_pad != e:
        pad = e_pad - e
        pad_gather = (jnp.arange(pad, dtype=jnp.int32) * 16) % (r * n)
        pad_dst = n + (jnp.arange(pad, dtype=jnp.int32) % (n_pad - n))
        flat_idx = jnp.concatenate([flat_idx, pad_gather])
        dst = jnp.concatenate([dst, pad_dst.astype(jnp.int32)])
    g = e_pad // (_NW * _C)
    nb = g // _K

    all_t = _all_transforms(h, weight, bn=2000)
    all_t_flat = all_t.reshape(r * n, f_out)

    sc_fn = _make_sc_gather_scatter(n_pad, f_out, nb, _K, _C)
    partials = sc_fn(all_t_flat, flat_idx, dst)

    return _sum_partials(partials, n, bn=2000)

# --- scband reference (transcript-rebuilt; emitter-appended) ---
"""Pipeline reference for scband-rgcn-60026462929566 (READ-ONLY COPY).

The authoritative reference and input builder live on the scoring server;
editing this copy changes nothing except your own understanding.
"""

import jax, jax.numpy as jnp
import numpy as np

N = 10000
E = 320000
F_IN = 128
F_OUT = 128
R = 16


def setup_inputs(seed: int = 0) -> dict:
    key = jax.random.key(seed)
    k1, k2, k3, k4 = jax.random.split(key, 4)
    h = jax.random.normal(k1, (N, F_IN), dtype=jnp.float32)
    edge_index = jax.random.randint(k2, (2, E), 0, N, dtype=jnp.int32)
    rel_type = jax.random.randint(k3, (E,), 0, R, dtype=jnp.int32)
    # xavier_uniform with gain=calculate_gain('relu')=sqrt(2) on tensor [R, F_IN, F_OUT]
    # torch fan_in = F_IN * F_OUT (dims[1]*prod(dims[2:]) semantics), fan_out = R * F_OUT;
    # use standard 2D xavier over (F_IN, F_OUT) which matches typical RGCN init closely
    gain = float(np.sqrt(2.0))
    bound = gain * float(np.sqrt(6.0 / (F_IN + F_OUT)))
    weight = jax.random.uniform(k4, (R, F_IN, F_OUT), dtype=jnp.float32, minval=-bound, maxval=bound)
    return {"h": h, "edge_index": edge_index, "rel_type": rel_type, "weight": weight}


def reference(h, edge_index, rel_type, weight):
    # RGCN message passing:
    #   per edge e: msg_e = h[src_e] @ weight[rel_type_e]   (1 x F_IN) @ (F_IN x F_OUT)
    #   per node v: h_out[v] = sum over incoming edges of msg
    # To avoid materializing weight[rel_type] of shape [E, F_IN, F_OUT], precompute
    # the per-relation transform of every node (mathematically identical):
    src = edge_index[0]
    dst = edge_index[1]
    # all_t[r, n, :] = h[n] @ weight[r]
    all_t = jnp.einsum('nf,rfo->rno', h, weight)
    # gather the per-edge message: msg_e = all_t[rel_type_e, src_e]
    msg = all_t[rel_type, src]
    # reduce_func fn.sum(msg='msg', out='h') -> scatter-add into destination nodes
    out = jnp.zeros((h.shape[0], weight.shape[2]), dtype=h.dtype).at[dst].add(msg)
    return out

if __name__ == "__main__":
    import jax
    _d = setup_inputs()
    print(jax.jit(kernel)(*tuple(_d.values())))

</pallas_src>

<mosaic_0001>
#map = affine_map<(d0, d1) -> (0, 0)>
#map1 = affine_map<(d0, d1) -> (0)>
#map2 = affine_map<(d0, d1) -> (0, 0, 0)>
module attributes {stable_mosaic.version = 14 : i64} {
  func.func @sc_kernel(%arg0: i32, %arg1: i32, %arg2: memref<160000x128xf32, #tpu.memory_space<hbm>>, %arg3: memref<320000xi32, #tpu.memory_space<hbm>>, %arg4: memref<320000xi32, #tpu.memory_space<hbm>>, %arg5: memref<2x10112x128xf32, #tpu.memory_space<hbm>>, %arg6: memref<2000xi32, #tpu.memory_space<vmem>>, %arg7: memref<2000xi32, #tpu.memory_space<vmem>>, %arg8: memref<2000xi32, #tpu.memory_space<vmem>>, %arg9: memref<2000xi32, #tpu.memory_space<vmem>>, %arg10: memref<25x80xi32, #tpu.memory_space<vmem>>, %arg11: memref<25x80xi32, #tpu.memory_space<vmem>>, %arg12: memref<80x128xf32, #tpu.memory_space<vmem>>, %arg13: memref<80x128xf32, #tpu.memory_space<vmem>>, %arg14: memref<80x128xf32, #tpu.memory_space<vmem>>, %arg15: memref<10112x128xf32, #tpu.memory_space<vmem_shared>>, %arg16: memref<!tpu.dma_semaphore, #tpu.memory_space<semaphore_mem>>, %arg17: memref<!tpu.dma_semaphore, #tpu.memory_space<semaphore_mem>>, %arg18: memref<!tpu.dma_semaphore, #tpu.memory_space<semaphore_mem>>, %arg19: memref<!tpu.dma_semaphore, #tpu.memory_space<semaphore_mem>>, %arg20: memref<!tpu.dma_semaphore, #tpu.memory_space<semaphore_mem>>, %arg21: memref<!tpu.dma_semaphore, #tpu.memory_space<semaphore_mem>>, %arg22: memref<!tpu.dma_semaphore, #tpu.memory_space<semaphore_mem>>, %arg23: memref<!tpu.dma_semaphore, #tpu.memory_space<semaphore_mem>>) attributes {dimension_semantics = [#tpu.dimension_semantics<core_parallel>, #tpu.dimension_semantics<subcore_parallel>], iteration_bounds = array<i64: 2, 16>, scalar_prefetch = 0 : i64, scratch_operands = 18 : i64, tpu.core_type = #tpu.core_type<sc_vector_subcore>, window_params = [{transform_indices = #map}, {transform_indices = #map1}, {transform_indices = #map1}, {transform_indices = #map2}]} {
    %mul3A = arith.constant 16 : i32
    %mul3A_0 = arith.muli %arg0, %mul3A : i32
    %add3A = arith.addi %mul3A_0, %arg1 : i32
    %mul3A_1 = arith.constant 10000 : i32
    %mul3A_2 = arith.muli %add3A, %mul3A_1 : i32
    %mul3A_3 = arith.constant 632 : i32
    %mul3A_4 = arith.muli %arg1, %mul3A_3 : i32
    %add3A_5 = arith.constant 0 : i32
    %add3A_6 = arith.addi %mul3A_2, %add3A_5 : i32
    %dma_start3A = tpu.memref_slice %arg3[%add3A_6] : memref<320000xi32, #tpu.memory_space<hbm>> -> memref<2000xi32, #tpu.memory_space<hbm>>
    %dma_start3A_7 = tpu.memref_slice %arg3[%add3A_6] : memref<320000xi32, #tpu.memory_space<hbm>> -> memref<2000xi32, #tpu.memory_space<hbm>>
    tpu.enqueue_dma source(%dma_start3A_7 : memref<2000xi32, #tpu.memory_space<hbm>>) target(%arg6 : memref<2000xi32, #tpu.memory_space<vmem>>) target_semaphore(%arg16 : memref<!tpu.dma_semaphore, #tpu.memory_space<semaphore_mem>>)
    %add3A_8 = arith.constant 0 : i32
    %add3A_9 = arith.addi %mul3A_2, %add3A_8 : i32
    %dma_start3A_10 = tpu.memref_slice %arg4[%add3A_9] : memref<320000xi32, #tpu.memory_space<hbm>> -> memref<2000xi32, #tpu.memory_space<hbm>>
    %dma_start3A_11 = tpu.memref_slice %arg4[%add3A_9] : memref<320000xi32, #tpu.memory_space<hbm>> -> memref<2000xi32, #tpu.memory_space<hbm>>
    tpu.enqueue_dma source(%dma_start3A_11 : memref<2000xi32, #tpu.memory_space<hbm>>) target(%arg8 : memref<2000xi32, #tpu.memory_space<vmem>>) target_semaphore(%arg16 : memref<!tpu.dma_semaphore, #tpu.memory_space<semaphore_mem>>)
    %broadcast_in_dim3A = arith.constant 0.000000e+00 : f32
    %broadcast_in_dim3A_12 = vector.broadcast %broadcast_in_dim3A : f32 to vector<16xf32>
    %scan3A = arith.constant 0 : i32
    %scan3A_13 = arith.constant 0 : i32
    %scan3A_14 = arith.constant 80 : i32
    %scan3A_15 = arith.addi %scan3A_13, %scan3A_14 : i32
    %scan3A_16 = arith.constant 1 : i32
    %scan3A_17 = scf.for %scan3A_43 = %scan3A_13 to %scan3A_15 step %scan3A_16 iter_args(%scan3A_44 = %scan3A) -> (i32)  : i32 {
      %swap3A = arith.index_cast %scan3A_43 : i32 to index
      %swap3A_45 = arith.constant 0 : index
      %swap3A_46 = tpu.vector_load %arg12[%swap3A, %swap3A_45] {strides = array<i32>} : memref<80x128xf32, #tpu.memory_space<vmem>>, vector<1x16xf32>,
      %swap3A_47 = vector.shape_cast %swap3A_46 : vector<1x16xf32> to vector<16xf32>
      %swap3A_48 = vector.shape_cast %broadcast_in_dim3A_12 : vector<16xf32> to vector<1x16xf32>
      tpu.vector_store %arg12[%swap3A, %swap3A_45], %swap3A_48 {strides = array<i32>} : memref<80x128xf32, #tpu.memory_space<vmem>>, vector<1x16xf32>,
      %swap3A_49 = arith.index_cast %scan3A_43 : i32 to index
      %swap3A_50 = arith.constant 16 : index
      %swap3A_51 = tpu.vector_load %arg12[%swap3A_49, %swap3A_50] {strides = array<i32>} : memref<80x128xf32, #tpu.memory_space<vmem>>, vector<1x16xf32>,
      %swap3A_52 = vector.shape_cast %swap3A_51 : vector<1x16xf32> to vector<16xf32>
      %swap3A_53 = vector.shape_cast %broadcast_in_dim3A_12 : vector<16xf32> to vector<1x16xf32>
      tpu.vector_store %arg12[%swap3A_49, %swap3A_50], %swap3A_53 {strides = array<i32>} : memref<80x128xf32, #tpu.memory_space<vmem>>, vector<1x16xf32>,
      %swap3A_54 = arith.index_cast %scan3A_43 : i32 to index
      %swap3A_55 = arith.constant 32 : index
      %swap3A_56 = tpu.vector_load %arg12[%swap3A_54, %swap3A_55] {strides = array<i32>} : memref<80x128xf32, #tpu.memory_space<vmem>>, vector<1x16xf32>,
      %swap3A_57 = vector.shape_cast %swap3A_56 : vector<1x16xf32> to vector<16xf32>
      %swap3A_58 = vector.shape_cast %broadcast_in_dim3A_12 : vector<16xf32> to vector<1x16xf32>
      tpu.vector_store %arg12[%swap3A_54, %swap3A_55], %swap3A_58 {strides = array<i32>} : memref<80x128xf32, #tpu.memory_space<vmem>>, vector<1x16xf32>,
      %swap3A_59 = arith.index_cast %scan3A_43 : i32 to index
      %swap3A_60 = arith.constant 48 : index
      %swap3A_61 = tpu.vector_load %arg12[%swap3A_59, %swap3A_60] {strides = array<i32>} : memref<80x128xf32, #tpu.memory_space<vmem>>, vector<1x16xf32>,
      %swap3A_62 = vector.shape_cast %swap3A_61 : vector<1x16xf32> to vector<16xf32>
      %swap3A_63 = vector.shape_cast %broadcast_in_dim3A_12 : vector<16xf32> to vector<1x16xf32>
      tpu.vector_store %arg12[%swap3A_59, %swap3A_60], %swap3A_63 {strides = array<i32>} : memref<80x128xf32, #tpu.memory_space<vmem>>, vector<1x16xf32>,
      %swap3A_64 = arith.index_cast %scan3A_43 : i32 to index
      %swap3A_65 = arith.constant 64 : index
      %swap3A_66 = tpu.vector_load %arg12[%swap3A_64, %swap3A_65] {strides = array<i32>} : memref<80x128xf32, #tpu.memory_space<vmem>>, vector<1x16xf32>,
      %swap3A_67 = vector.shape_cast %swap3A_66 : vector<1x16xf32> to vector<16xf32>
      %swap3A_68 = vector.shape_cast %broadcast_in_dim3A_12 : vector<16xf32> to vector<1x16xf32>
      tpu.vector_store %arg12[%swap3A_64, %swap3A_65], %swap3A_68 {strides = array<i32>} : memref<80x128xf32, #tpu.memory_space<vmem>>, vector<1x16xf32>,
      %swap3A_69 = arith.index_cast %scan3A_43 : i32 to index
      %swap3A_70 = arith.constant 80 : index
      %swap3A_71 = tpu.vector_load %arg12[%swap3A_69, %swap3A_70] {strides = array<i32>} : memref<80x128xf32, #tpu.memory_space<vmem>>, vector<1x16xf32>,
      %swap3A_72 = vector.shape_cast %swap3A_71 : vector<1x16xf32> to vector<16xf32>
      %swap3A_73 = vector.shape_cast %broadcast_in_dim3A_12 : vector<16xf32> to vector<1x16xf32>
      tpu.vector_store %arg12[%swap3A_69, %swap3A_70], %swap3A_73 {strides = array<i32>} : memref<80x128xf32, #tpu.memory_space<vmem>>, vector<1x16xf32>,
      %swap3A_74 = arith.index_cast %scan3A_43 : i32 to index
      %swap3A_75 = arith.constant 96 : index
      %swap3A_76 = tpu.vector_load %arg12[%swap3A_74, %swap3A_75] {strides = array<i32>} : memref<80x128xf32, #tpu.memory_space<vmem>>, vector<1x16xf32>,
      %swap3A_77 = vector.shape_cast %swap3A_76 : vector<1x16xf32> to vector<16xf32>
      %swap3A_78 = vector.shape_cast %broadcast_in_dim3A_12 : vector<16xf32> to vector<1x16xf32>
      tpu.vector_store %arg12[%swap3A_74, %swap3A_75], %swap3A_78 {strides = array<i32>} : memref<80x128xf32, #tpu.memory_space<vmem>>, vector<1x16xf32>,
      %swap3A_79 = arith.index_cast %scan3A_43 : i32 to index
      %swap3A_80 = arith.constant 112 : index
      %swap3A_81 = tpu.vector_load %arg12[%swap3A_79, %swap3A_80] {strides = array<i32>} : memref<80x128xf32, #tpu.memory_space<vmem>>, vector<1x16xf32>,
      %swap3A_82 = vector.shape_cast %swap3A_81 : vector<1x16xf32> to vector<16xf32>
      %swap3A_83 = vector.shape_cast %broadcast_in_dim3A_12 : vector<16xf32> to vector<1x16xf32>
      tpu.vector_store %arg12[%swap3A_79, %swap3A_80], %swap3A_83 {strides = array<i32>} : memref<80x128xf32, #tpu.memory_space<vmem>>, vector<1x16xf32>,
      %scan3A_84 = arith.constant 0 : i32
      scf.yield %scan3A_84 : i32
    }
    %scan3A_18 = arith.constant 80 : i32
    %add3A_19 = arith.constant 0 : i32
    %add3A_20 = arith.addi %mul3A_4, %add3A_19 : i32
    "tpu.region"() ({
      %run_scoped3A = tpu.sem_alloc : memref<!tpu.dma_semaphore, #tpu.memory_space<semaphore_mem>>
      %dma_start3A_43 = arith.constant 0 : i32
      %dma_start3A_44 = tpu.memref_slice %arg15[%add3A_20, %dma_start3A_43] : memref<10112x128xf32, #tpu.memory_space<vmem_shared>> -> memref<80x128xf32, #tpu.memory_space<vmem_shared>>
      %dma_start3A_45 = arith.constant 0 : i32
      %dma_start3A_46 = tpu.memref_slice %arg15[%add3A_20, %dma_start3A_45] : memref<10112x128xf32, #tpu.memory_space<vmem_shared>> -> memref<80x128xf32, #tpu.memory_space<vmem_shared>>
      tpu.enqueue_dma source(%arg12 : memref<80x128xf32, #tpu.memory_space<vmem>>) target(%dma_start3A_46 : memref<80x128xf32, #tpu.memory_space<vmem_shared>>) target_semaphore(%run_scoped3A : memref<!tpu.dma_semaphore, #tpu.memory_space<semaphore_mem>>)
      %dma_wait3A = arith.constant 0 : i32
      %dma_wait3A_47 = tpu.memref_slice %arg15[%add3A_20, %dma_wait3A] : memref<10112x128xf32, #tpu.memory_space<vmem_shared>> -> memref<80x128xf32, #tpu.memory_space<vmem_shared>>
      %dma_wait3A_48 = arith.constant 0 : i32
      %dma_wait3A_49 = tpu.memref_slice %arg15[%add3A_20, %dma_wait3A_48] : memref<10112x128xf32, #tpu.memory_space<vmem_shared>> -> memref<80x128xf32, #tpu.memory_space<vmem_shared>>
      tpu.wait_dma2 semaphore(%run_scoped3A : memref<!tpu.dma_semaphore, #tpu.memory_space<semaphore_mem>>) src(%arg12 : memref<80x128xf32, #tpu.memory_space<vmem>>) dst(%dma_wait3A_49 : memref<80x128xf32, #tpu.memory_space<vmem_shared>>)
      tpu.yield
    }) : () -> ()
    %add3A_21 = arith.constant 80 : i32
    %add3A_22 = arith.addi %mul3A_4, %add3A_21 : i32
    "tpu.region"() ({
      %run_scoped3A = tpu.sem_alloc : memref<!tpu.dma_semaphore, #tpu.memory_space<semaphore_mem>>
      %dma_start3A_43 = arith.constant 0 : i32
      %dma_start3A_44 = tpu.memref_slice %arg15[%add3A_22, %dma_start3A_43] : memref<10112x128xf32, #tpu.memory_space<vmem_shared>> -> memref<80x128xf32, #tpu.memory_space<vmem_shared>>
      %dma_start3A_45 = arith.constant 0 : i32
      %dma_start3A_46 = tpu.memref_slice %arg15[%add3A_22, %dma_start3A_45] : memref<10112x128xf32, #tpu.memory_space<vmem_shared>> -> memref<80x128xf32, #tpu.memory_space<vmem_shared>>
      tpu.enqueue_dma source(%arg12 : memref<80x128xf32, #tpu.memory_space<vmem>>) target(%dma_start3A_46 : memref<80x128xf32, #tpu.memory_space<vmem_shared>>) target_semaphore(%run_scoped3A : memref<!tpu.dma_semaphore, #tpu.memory_space<semaphore_mem>>)
      %dma_wait3A = arith.constant 0 : i32
      %dma_wait3A_47 = tpu.memref_slice %arg15[%add3A_22, %dma_wait3A] : memref<10112x128xf32, #tpu.memory_space<vmem_shared>> -> memref<80x128xf32, #tpu.memory_space<vmem_shared>>
      %dma_wait3A_48 = arith.constant 0 : i32
      %dma_wait3A_49 = tpu.memref_slice %arg15[%add3A_22, %dma_wait3A_48] : memref<10112x128xf32, #tpu.memory_space<vmem_shared>> -> memref<80x128xf32, #tpu.memory_space<vmem_shared>>
      tpu.wait_dma2 semaphore(%run_scoped3A : memref<!tpu.dma_semaphore, #tpu.memory_space<semaphore_mem>>) src(%arg12 : memref<80x128xf32, #tpu.memory_space<vmem>>) dst(%dma_wait3A_49 : memref<80x128xf32, #tpu.memory_space<vmem_shared>>)
      tpu.yield
    }) : () -> ()
    %add3A_23 = arith.constant 160 : i32
    %add3A_24 = arith.addi %mul3A_4, %add3A_23 : i32
    "tpu.region"() ({
      %run_scoped3A = tpu.sem_alloc : memref<!tpu.dma_semaphore, #tpu.memory_space<semaphore_mem>>
      %dma_start3A_43 = arith.constant 0 : i32
      %dma_start3A_44 = tpu.memref_slice %arg15[%add3A_24, %dma_start3A_43] : memref<10112x128xf32, #tpu.memory_space<vmem_shared>> -> memref<80x128xf32, #tpu.memory_space<vmem_shared>>
      %dma_start3A_45 = arith.constant 0 : i32
      %dma_start3A_46 = tpu.memref_slice %arg15[%add3A_24, %dma_start3A_45] : memref<10112x128xf32, #tpu.memory_space<vmem_shared>> -> memref<80x128xf32, #tpu.memory_space<vmem_shared>>
      tpu.enqueue_dma source(%arg12 : memref<80x128xf32, #tpu.memory_space<vmem>>) target(%dma_start3A_46 : memref<80x128xf32, #tpu.memory_space<vmem_shared>>) target_semaphore(%run_scoped3A : memref<!tpu.dma_semaphore, #tpu.memory_space<semaphore_mem>>)
      %dma_wait3A = arith.constant 0 : i32
      %dma_wait3A_47 = tpu.memref_slice %arg15[%add3A_24, %dma_wait3A] : memref<10112x128xf32, #tpu.memory_space<vmem_shared>> -> memref<80x128xf32, #tpu.memory_space<vmem_shared>>
      %dma_wait3A_48 = arith.constant 0 : i32
      %dma_wait3A_49 = tpu.memref_slice %arg15[%add3A_24, %dma_wait3A_48] : memref<10112x128xf32, #tpu.memory_space<vmem_shared>> -> memref<80x128xf32, #tpu.memory_space<vmem_shared>>
      tpu.wait_dma2 semaphore(%run_scoped3A : memref<!tpu.dma_semaphore, #tpu.memory_space<semaphore_mem>>) src(%arg12 : memref<80x128xf32, #tpu.memory_space<vmem>>) dst(%dma_wait3A_49 : memref<80x128xf32, #tpu.memory_space<vmem_shared>>)
      tpu.yield
    }) : () -> ()
    %add3A_25 = arith.constant 240 : i32
    %add3A_26 = arith.addi %mul3A_4, %add3A_25 : i32
    "tpu.region"() ({
      %run_scoped3A = tpu.sem_alloc : memref<!tpu.dma_semaphore, #tpu.memory_space<semaphore_mem>>
      %dma_start3A_43 = arith.constant 0 : i32
      %dma_start3A_44 = tpu.memref_slice %arg15[%add3A_26, %dma_start3A_43] : memref<10112x128xf32, #tpu.memory_space<vmem_shared>> -> memref<80x128xf32, #tpu.memory_space<vmem_shared>>
      %dma_start3A_45 = arith.constant 0 : i32
      %dma_start3A_46 = tpu.memref_slice %arg15[%add3A_26, %dma_start3A_45] : memref<10112x128xf32, #tpu.memory_space<vmem_shared>> -> memref<80x128xf32, #tpu.memory_space<vmem_shared>>
      tpu.enqueue_dma source(%arg12 : memref<80x128xf32, #tpu.memory_space<vmem>>) target(%dma_start3A_46 : memref<80x128xf32, #tpu.memory_space<vmem_shared>>) target_semaphore(%run_scoped3A : memref<!tpu.dma_semaphore, #tpu.memory_space<semaphore_mem>>)
      %dma_wait3A = arith.constant 0 : i32
      %dma_wait3A_47 = tpu.memref_slice %arg15[%add3A_26, %dma_wait3A] : memref<10112x128xf32, #tpu.memory_space<vmem_shared>> -> memref<80x128xf32, #tpu.memory_space<vmem_shared>>
      %dma_wait3A_48 = arith.constant 0 : i32
      %dma_wait3A_49 = tpu.memref_slice %arg15[%add3A_26, %dma_wait3A_48] : memref<10112x128xf32, #tpu.memory_space<vmem_shared>> -> memref<80x128xf32, #tpu.memory_space<vmem_shared>>
      tpu.wait_dma2 semaphore(%run_scoped3A : memref<!tpu.dma_semaphore, #tpu.memory_space<semaphore_mem>>) src(%arg12 : memref<80x128xf32, #tpu.memory_space<vmem>>) dst(%dma_wait3A_49 : memref<80x128xf32, #tpu.memory_space<vmem_shared>>)
      tpu.yield
    }) : () -> ()
    %add3A_27 = arith.constant 320 : i32
    %add3A_28 = arith.addi %mul3A_4, %add3A_27 : i32
    "tpu.region"() ({
      %run_scoped3A = tpu.sem_alloc : memref<!tpu.dma_semaphore, #tpu.memory_space<semaphore_mem>>
      %dma_start3A_43 = arith.constant 0 : i32
      %dma_start3A_44 = tpu.memref_slice %arg15[%add3A_28, %dma_start3A_43] : memref<10112x128xf32, #tpu.memory_space<vmem_shared>> -> memref<80x128xf32, #tpu.memory_space<vmem_shared>>
      %dma_start3A_45 = arith.constant 0 : i32
      %dma_start3A_46 = tpu.memref_slice %arg15[%add3A_28, %dma_start3A_45] : memref<10112x128xf32, #tpu.memory_space<vmem_shared>> -> memref<80x128xf32, #tpu.memory_space<vmem_shared>>
      tpu.enqueue_dma source(%arg12 : memref<80x128xf32, #tpu.memory_space<vmem>>) target(%dma_start3A_46 : memref<80x128xf32, #tpu.memory_space<vmem_shared>>) target_semaphore(%run_scoped3A : memref<!tpu.dma_semaphore, #tpu.memory_space<semaphore_mem>>)
      %dma_wait3A = arith.constant 0 : i32
      %dma_wait3A_47 = tpu.memref_slice %arg15[%add3A_28, %dma_wait3A] : memref<10112x128xf32, #tpu.memory_space<vmem_shared>> -> memref<80x128xf32, #tpu.memory_space<vmem_shared>>
      %dma_wait3A_48 = arith.constant 0 : i32
      %dma_wait3A_49 = tpu.memref_slice %arg15[%add3A_28, %dma_wait3A_48] : memref<10112x128xf32, #tpu.memory_space<vmem_shared>> -> memref<80x128xf32, #tpu.memory_space<vmem_shared>>
      tpu.wait_dma2 semaphore(%run_scoped3A : memref<!tpu.dma_semaphore, #tpu.memory_space<semaphore_mem>>) src(%arg12 : memref<80x128xf32, #tpu.memory_space<vmem>>) dst(%dma_wait3A_49 : memref<80x128xf32, #tpu.memory_space<vmem_shared>>)
      tpu.yield
    }) : () -> ()
    %add3A_29 = arith.constant 400 : i32
    %add3A_30 = arith.addi %mul3A_4, %add3A_29 : i32
    "tpu.region"() ({
      %run_scoped3A = tpu.sem_alloc : memref<!tpu.dma_semaphore, #tpu.memory_space<semaphore_mem>>
      %dma_start3A_43 = arith.constant 0 : i32
      %dma_start3A_44 = tpu.memref_slice %arg15[%add3A_30, %dma_start3A_43] : memref<10112x128xf32, #tpu.memory_space<vmem_shared>> -> memref<80x128xf32, #tpu.memory_space<vmem_shared>>
      %dma_start3A_45 = arith.constant 0 : i32
      %dma_start3A_46 = tpu.memref_slice %arg15[%add3A_30, %dma_start3A_45] : memref<10112x128xf32, #tpu.memory_space<vmem_shared>> -> memref<80x128xf32, #tpu.memory_space<vmem_shared>>
      tpu.enqueue_dma source(%arg12 : memref<80x128xf32, #tpu.memory_space<vmem>>) target(%dma_start3A_46 : memref<80x128xf32, #tpu.memory_space<vmem_shared>>) target_semaphore(%run_scoped3A : memref<!tpu.dma_semaphore, #tpu.memory_space<semaphore_mem>>)
      %dma_wait3A = arith.constant 0 : i32
      %dma_wait3A_47 = tpu.memref_slice %arg15[%add3A_30, %dma_wait3A] : memref<10112x128xf32, #tpu.memory_space<vmem_shared>> -> memref<80x128xf32, #tpu.memory_space<vmem_shared>>
      %dma_wait3A_48 = arith.constant 0 : i32
      %dma_wait3A_49 = tpu.memref_slice %arg15[%add3A_30, %dma_wait3A_48] : memref<10112x128xf32, #tpu.memory_space<vmem_shared>> -> memref<80x128xf32, #tpu.memory_space<vmem_shared>>
      tpu.wait_dma2 semaphore(%run_scoped3A : memref<!tpu.dma_semaphore, #tpu.memory_space<semaphore_mem>>) src(%arg12 : memref<80x128xf32, #tpu.memory_space<vmem>>) dst(%dma_wait3A_49 : memref<80x128xf32, #tpu.memory_space<vmem_shared>>)
      tpu.yield
    }) : () -> ()
    %add3A_31 = arith.constant 480 : i32
    %add3A_32 = arith.addi %mul3A_4, %add3A_31 : i32
    "tpu.region"() ({
      %run_scoped3A = tpu.sem_alloc : memref<!tpu.dma_semaphore, #tpu.memory_space<semaphore_mem>>
      %dma_start3A_43 = arith.constant 0 : i32
      %dma_start3A_44 = tpu.memref_slice %arg15[%add3A_32, %dma_start3A_43] : memref<10112x128xf32, #tpu.memory_space<vmem_shared>> -> memref<80x128xf32, #tpu.memory_space<vmem_shared>>
      %dma_start3A_45 = arith.constant 0 : i32
      %dma_start3A_46 = tpu.memref_slice %arg15[%add3A_32, %dma_start3A_45] : memref<10112x128xf32, #tpu.memory_space<vmem_shared>> -> memref<80x128xf32, #tpu.memory_space<vmem_shared>>
      tpu.enqueue_dma source(%arg12 : memref<80x128xf32, #tpu.memory_space<vmem>>) target(%dma_start3A_46 : memref<80x128xf32, #tpu.memory_space<vmem_shared>>) target_semaphore(%run_scoped3A : memref<!tpu.dma_semaphore, #tpu.memory_space<semaphore_mem>>)
      %dma_wait3A = arith.constant 0 : i32
      %dma_wait3A_47 = tpu.memref_slice %arg15[%add3A_32, %dma_wait3A] : memref<10112x128xf32, #tpu.memory_space<vmem_shared>> -> memref<80x128xf32, #tpu.memory_space<vmem_shared>>
      %dma_wait3A_48 = arith.constant 0 : i32
      %dma_wait3A_49 = tpu.memref_slice %arg15[%add3A_32, %dma_wait3A_48] : memref<10112x128xf32, #tpu.memory_space<vmem_shared>> -> memref<80x128xf32, #tpu.memory_space<vmem_shared>>
      tpu.wait_dma2 semaphore(%run_scoped3A : memref<!tpu.dma_semaphore, #tpu.memory_space<semaphore_mem>>) src(%arg12 : memref<80x128xf32, #tpu.memory_space<vmem>>) dst(%dma_wait3A_49 : memref<80x128xf32, #tpu.memory_space<vmem_shared>>)
      tpu.yield
    }) : () -> ()
    %add3A_33 = arith.constant 560 : i32
    %add3A_34 = arith.addi %mul3A_4, %add3A_33 : i32
    "tpu.region"() ({
      %run_scoped3A = tpu.sem_alloc : memref<!tpu.dma_semaphore, #tpu.memory_space<semaphore_mem>>
      %dma_start3A_43 = arith.constant 0 : i32
      %dma_start3A_44 = arith.constant 0 : i32
      %dma_start3A_45 = tpu.memref_slice %arg12[%dma_start3A_43, %dma_start3A_44] : memref<80x128xf32, #tpu.memory_space<vmem>> -> memref<72x128xf32, #tpu.memory_space<vmem>>
      %dma_start3A_46 = arith.constant 0 : i32
      %dma_start3A_47 = tpu.memref_slice %arg15[%add3A_34, %dma_start3A_46] : memref<10112x128xf32, #tpu.memory_space<vmem_shared>> -> memref<72x128xf32, #tpu.memory_space<vmem_shared>>
      %dma_start3A_48 = arith.constant 0 : i32
      %dma_start3A_49 = tpu.memref_slice %arg15[%add3A_34, %dma_start3A_48] : memref<10112x128xf32, #tpu.memory_space<vmem_shared>> -> memref<72x128xf32, #tpu.memory_space<vmem_shared>>
      %dma_start3A_50 = arith.constant 0 : i32
      %dma_start3A_51 = arith.constant 0 : i32
      %dma_start3A_52 = tpu.memref_slice %arg12[%dma_start3A_50, %dma_start3A_51] : memref<80x128xf32, #tpu.memory_space<vmem>> -> memref<72x128xf32, #tpu.memory_space<vmem>>
      tpu.enqueue_dma source(%dma_start3A_52 : memref<72x128xf32, #tpu.memory_space<vmem>>) target(%dma_start3A_49 : memref<72x128xf32, #tpu.memory_space<vmem_shared>>) target_semaphore(%run_scoped3A : memref<!tpu.dma_semaphore, #tpu.memory_space<semaphore_mem>>)
      %dma_wait3A = arith.constant 0 : i32
      %dma_wait3A_53 = arith.constant 0 : i32
      %dma_wait3A_54 = tpu.memref_slice %arg12[%dma_wait3A, %dma_wait3A_53] : memref<80x128xf32, #tpu.memory_space<vmem>> -> memref<72x128xf32, #tpu.memory_space<vmem>>
      %dma_wait3A_55 = arith.constant 0 : i32
      %dma_wait3A_56 = tpu.memref_slice %arg15[%add3A_34, %dma_wait3A_55] : memref<10112x128xf32, #tpu.memory_space<vmem_shared>> -> memref<72x128xf32, #tpu.memory_space<vmem_shared>>
      %dma_wait3A_57 = arith.constant 0 : i32
      %dma_wait3A_58 = tpu.memref_slice %arg15[%add3A_34, %dma_wait3A_57] : memref<10112x128xf32, #tpu.memory_space<vmem_shared>> -> memref<72x128xf32, #tpu.memory_space<vmem_shared>>
      %dma_wait3A_59 = arith.constant 0 : i32
      %dma_wait3A_60 = arith.constant 0 : i32
      %dma_wait3A_61 = tpu.memref_slice %arg12[%dma_wait3A_59, %dma_wait3A_60] : memref<80x128xf32, #tpu.memory_space<vmem>> -> memref<72x128xf32, #tpu.memory_space<vmem>>
      tpu.wait_dma2 semaphore(%run_scoped3A : memref<!tpu.dma_semaphore, #tpu.memory_space<semaphore_mem>>) src(%dma_wait3A_61 : memref<72x128xf32, #tpu.memory_space<vmem>>) dst(%dma_wait3A_58 : memref<72x128xf32, #tpu.memory_space<vmem_shared>>)
      tpu.yield
    }) : () -> ()
    %barrier3A = arith.constant 0 : index
    tpu.barrier barrier_id(%barrier3A)
    %scan3A_35 = arith.constant 0 : i32
    %scan3A_36 = arith.constant 0 : i32
    %scan3A_37 = arith.constant 5 : i32
    %scan3A_38 = arith.addi %scan3A_36, %scan3A_37 : i32
    %scan3A_39 = arith.constant 1 : i32
    %scan3A_40 = scf.for %scan3A_43 = %scan3A_36 to %scan3A_38 step %scan3A_39 iter_args(%scan3A_44 = %scan3A_35) -> (i32)  : i32 {
      %rem3A = arith.constant 2 : i32
      %rem3A_45 = arith.remsi %scan3A_43, %rem3A : i32
      %eq3A = arith.constant 0 : i32
      %eq3A_46 = arith.cmpi eq, %rem3A_45, %eq3A : i32
      %convert_element_type3A = arith.extui %eq3A_46 : i1 to i32
      %cond3A = arith.constant 0 : i32
      %cond3A_47 = arith.cmpi ne, %convert_element_type3A, %cond3A : i32
      scf.if %cond3A_47 {
        %dma_wait3A = arith.constant 0 : i32
        %dma_wait3A_54 = tpu.memref_slice %arg3[%dma_wait3A] : memref<320000xi32, #tpu.memory_space<hbm>> -> memref<2000xi32, #tpu.memory_space<hbm>>
        %dma_wait3A_55 = arith.constant 0 : i32
        %dma_wait3A_56 = tpu.memref_slice %arg3[%dma_wait3A_55] : memref<320000xi32, #tpu.memory_space<hbm>> -> memref<2000xi32, #tpu.memory_space<hbm>>
        tpu.wait_dma2 semaphore(%arg16 : memref<!tpu.dma_semaphore, #tpu.memory_space<semaphore_mem>>) src(%dma_wait3A_56 : memref<2000xi32, #tpu.memory_space<hbm>>) dst(%arg6 : memref<2000xi32, #tpu.memory_space<vmem>>)
        %dma_wait3A_57 = arith.constant 0 : i32
        %dma_wait3A_58 = tpu.memref_slice %arg4[%dma_wait3A_57] : memref<320000xi32, #tpu.memory_space<hbm>> -> memref<2000xi32, #tpu.memory_space<hbm>>
        %dma_wait3A_59 = arith.constant 0 : i32
        %dma_wait3A_60 = tpu.memref_slice %arg4[%dma_wait3A_59] : memref<320000xi32, #tpu.memory_space<hbm>> -> memref<2000xi32, #tpu.memory_space<hbm>>
        tpu.wait_dma2 semaphore(%arg16 : memref<!tpu.dma_semaphore, #tpu.memory_space<semaphore_mem>>) src(%dma_wait3A_60 : memref<2000xi32, #tpu.memory_space<hbm>>) dst(%arg8 : memref<2000xi32, #tpu.memory_space<vmem>>)
        %add3A_61 = arith.constant 1 : i32
        %add3A_62 = arith.addi %scan3A_43, %add3A_61 : i32
        %lt3A = arith.constant 5 : i32
        %lt3A_63 = arith.cmpi slt, %add3A_62, %lt3A : i32
        %convert_element_type3A_64 = arith.extui %lt3A_63 : i1 to i32
        %cond3A_65 = arith.constant 0 : i32
        %cond3A_66 = arith.cmpi ne, %convert_element_type3A_64, %cond3A_65 : i32
        scf.if %cond3A_66 {
          %add3A_674 = arith.constant 1 : i32
          %add3A_675 = arith.addi %scan3A_43, %add3A_674 : i32
          %mul3A_676 = arith.constant 25 : i32
          %mul3A_677 = arith.muli %add3A_675, %mul3A_676 : i32
          %mul3A_678 = arith.constant 80 : i32
          %mul3A_679 = arith.muli %mul3A_677, %mul3A_678 : i32
          %add3A_680 = arith.addi %mul3A_2, %mul3A_679 : i32
          %dma_start3A_681 = tpu.memref_slice %arg3[%add3A_680] : memref<320000xi32, #tpu.memory_space<hbm>> -> memref<2000xi32, #tpu.memory_space<hbm>>
          %dma_start3A_682 = tpu.memref_slice %arg3[%add3A_680] : memref<320000xi32, #tpu.memory_space<hbm>> -> memref<2000xi32, #tpu.memory_space<hbm>>
          tpu.enqueue_dma source(%dma_start3A_682 : memref<2000xi32, #tpu.memory_space<hbm>>) target(%arg7 : memref<2000xi32, #tpu.memory_space<vmem>>) target_semaphore(%arg17 : memref<!tpu.dma_semaphore, #tpu.memory_space<semaphore_mem>>)
          %mul3A_683 = arith.constant 25 : i32
          %mul3A_684 = arith.muli %add3A_675, %mul3A_683 : i32
          %mul3A_685 = arith.constant 80 : i32
          %mul3A_686 = arith.muli %mul3A_684, %mul3A_685 : i32
          %add3A_687 = arith.addi %mul3A_2, %mul3A_686 : i32
          %dma_start3A_688 = tpu.memref_slice %arg4[%add3A_687] : memref<320000xi32, #tpu.memory_space<hbm>> -> memref<2000xi32, #tpu.memory_space<hbm>>
          %dma_start3A_689 = tpu.memref_slice %arg4[%add3A_687] : memref<320000xi32, #tpu.memory_space<hbm>> -> memref<2000xi32, #tpu.memory_space<hbm>>
          tpu.enqueue_dma source(%dma_start3A_689 : memref<2000xi32, #tpu.memory_space<hbm>>) target(%arg9 : memref<2000xi32, #tpu.memory_space<vmem>>) target_semaphore(%arg17 : memref<!tpu.dma_semaphore, #tpu.memory_space<semaphore_mem>>)
        } else {
        }
        %scan3A_67 = arith.constant 0 : i32
        %scan3A_68 = arith.constant 0 : i32
        %scan3A_69 = arith.constant 25 : i32
        %scan3A_70 = arith.addi %scan3A_68, %scan3A_69 : i32
        %scan3A_71 = arith.constant 1 : i32
        %scan3A_72 = scf.for %scan3A_674 = %scan3A_68 to %scan3A_70 step %scan3A_71 iter_args(%scan3A_675 = %scan3A_67) -> (i32)  : i32 {
          %mul3A_676 = arith.constant 80 : i32
          %mul3A_677 = arith.muli %scan3A_674, %mul3A_676 : i32
          %add3A_678 = arith.constant 0 : i32
          %add3A_679 = arith.addi %mul3A_677, %add3A_678 : i32
          %get3A = arith.index_cast %add3A_679 : i32 to index
          %get3A_680 = tpu.vector_load %arg8[%get3A] {strides = array<i32>} : memref<2000xi32, #tpu.memory_space<vmem>>, vector<16xi32>,
          %get3A_681 = vector.shape_cast %get3A_680 : vector<16xi32> to vector<16xi32>
          %swap3A = arith.index_cast %scan3A_674 : i32 to index
          %swap3A_682 = arith.constant 0 : index
          %swap3A_683 = tpu.vector_load %arg10[%swap3A, %swap3A_682] {strides = array<i32>} : memref<25x80xi32, #tpu.memory_space<vmem>>, vector<1x16xi32>,
          %swap3A_684 = vector.shape_cast %swap3A_683 : vector<1x16xi32> to vector<16xi32>
          %swap3A_685 = vector.shape_cast %get3A_681 : vector<16xi32> to vector<1x16xi32>
          tpu.vector_store %arg10[%swap3A, %swap3A_682], %swap3A_685 {strides = array<i32>} : memref<25x80xi32, #tpu.memory_space<vmem>>, vector<1x16xi32>,
          %mul3A_686 = arith.constant 80 : i32
          %mul3A_687 = arith.muli %scan3A_674, %mul3A_686 : i32
          %add3A_688 = arith.constant 16 : i32
          %add3A_689 = arith.addi %mul3A_687, %add3A_688 : i32
          %get3A_690 = arith.index_cast %add3A_689 : i32 to index
          %get3A_691 = tpu.vector_load %arg8[%get3A_690] {strides = array<i32>} : memref<2000xi32, #tpu.memory_space<vmem>>, vector<16xi32>,
          %get3A_692 = vector.shape_cast %get3A_691 : vector<16xi32> to vector<16xi32>
          %swap3A_693 = arith.index_cast %scan3A_674 : i32 to index
          %swap3A_694 = arith.constant 16 : index
          %swap3A_695 = tpu.vector_load %arg10[%swap3A_693, %swap3A_694] {strides = array<i32>} : memref<25x80xi32, #tpu.memory_space<vmem>>, vector<1x16xi32>,
          %swap3A_696 = vector.shape_cast %swap3A_695 : vector<1x16xi32> to vector<16xi32>
          %swap3A_697 = vector.shape_cast %get3A_692 : vector<16xi32> to vector<1x16xi32>
          tpu.vector_store %arg10[%swap3A_693, %swap3A_694], %swap3A_697 {strides = array<i32>} : memref<25x80xi32, #tpu.memory_space<vmem>>, vector<1x16xi32>,
          %mul3A_698 = arith.constant 80 : i32
          %mul3A_699 = arith.muli %scan3A_674, %mul3A_698 : i32
          %add3A_700 = arith.constant 32 : i32
          %add3A_701 = arith.addi %mul3A_699, %add3A_700 : i32
          %get3A_702 = arith.index_cast %add3A_701 : i32 to index
          %get3A_703 = tpu.vector_load %arg8[%get3A_702] {strides = array<i32>} : memref<2000xi32, #tpu.memory_space<vmem>>, vector<16xi32>,
          %get3A_704 = vector.shape_cast %get3A_703 : vector<16xi32> to vector<16xi32>
          %swap3A_705 = arith.index_cast %scan3A_674 : i32 to index
          %swap3A_706 = arith.constant 32 : index
          %swap3A_707 = tpu.vector_load %arg10[%swap3A_705, %swap3A_706] {strides = array<i32>} : memref<25x80xi32, #tpu.memory_space<vmem>>, vector<1x16xi32>,
          %swap3A_708 = vector.shape_cast %swap3A_707 : vector<1x16xi32> to vector<16xi32>
          %swap3A_709 = vector.shape_cast %get3A_704 : vector<16xi32> to vector<1x16xi32>
          tpu.vector_store %arg10[%swap3A_705, %swap3A_706], %swap3A_709 {strides = array<i32>} : memref<25x80xi32, #tpu.memory_space<vmem>>, vector<1x16xi32>,
          %mul3A_710 = arith.constant 80 : i32
          %mul3A_711 = arith.muli %scan3A_674, %mul3A_710 : i32
          %add3A_712 = arith.constant 48 : i32
          %add3A_713 = arith.addi %mul3A_711, %add3A_712 : i32
          %get3A_714 = arith.index_cast %add3A_713 : i32 to index
          %get3A_715 = tpu.vector_load %arg8[%get3A_714] {strides = array<i32>} : memref<2000xi32, #tpu.memory_space<vmem>>, vector<16xi32>,
          %get3A_716 = vector.shape_cast %get3A_715 : vector<16xi32> to vector<16xi32>
          %swap3A_717 = arith.index_cast %scan3A_674 : i32 to index
          %swap3A_718 = arith.constant 48 : index
          %swap3A_719 = tpu.vector_load %arg10[%swap3A_717, %swap3A_718] {strides = array<i32>} : memref<25x80xi32, #tpu.memory_space<vmem>>, vector<1x16xi32>,
          %swap3A_720 = vector.shape_cast %swap3A_719 : vector<1x16xi32> to vector<16xi32>
          %swap3A_721 = vector.shape_cast %get3A_716 : vector<16xi32> to vector<1x16xi32>
          tpu.vector_store %arg10[%swap3A_717, %swap3A_718], %swap3A_721 {strides = array<i32>} : memref<25x80xi32, #tpu.memory_space<vmem>>, vector<1x16xi32>,
          %mul3A_722 = arith.constant 80 : i32
          %mul3A_723 = arith.muli %scan3A_674, %mul3A_722 : i32
          %add3A_724 = arith.constant 64 : i32
          %add3A_725 = arith.addi %mul3A_723, %add3A_724 : i32
          %get3A_726 = arith.index_cast %add3A_725 : i32 to index
          %get3A_727 = tpu.vector_load %arg8[%get3A_726] {strides = array<i32>} : memref<2000xi32, #tpu.memory_space<vmem>>, vector<16xi32>,
          %get3A_728 = vector.shape_cast %get3A_727 : vector<16xi32> to vector<16xi32>
          %swap3A_729 = arith.index_cast %scan3A_674 : i32 to index
          %swap3A_730 = arith.constant 64 : index
          %swap3A_731 = tpu.vector_load %arg10[%swap3A_729, %swap3A_730] {strides = array<i32>} : memref<25x80xi32, #tpu.memory_space<vmem>>, vector<1x16xi32>,
          %swap3A_732 = vector.shape_cast %swap3A_731 : vector<1x16xi32> to vector<16xi32>
          %swap3A_733 = vector.shape_cast %get3A_728 : vector<16xi32> to vector<1x16xi32>
          tpu.vector_store %arg10[%swap3A_729, %swap3A_730], %swap3A_733 {strides = array<i32>} : memref<25x80xi32, #tpu.memory_space<vmem>>, vector<1x16xi32>,
          %scan3A_734 = arith.constant 0 : i32
          scf.yield %scan3A_734 : i32
        }
        %scan3A_73 = arith.constant 25 : i32
        %dma_start3A_74 = arith.constant 0 : i32
        %dma_start3A_75 = tpu.memref_slice %arg6[%dma_start3A_74] : memref<2000xi32, #tpu.memory_space<vmem>> -> memref<80xi32, #tpu.memory_space<vmem>>
        %dma_start3A_76 = arith.constant 0 : i32
        %dma_start3A_77 = arith.constant 0 : i32
        %dma_start3A_78 = tpu.memref_slice %arg2[%dma_start3A_76, %dma_start3A_77] : memref<160000x128xf32, #tpu.memory_space<hbm>> -> memref<160000x128xf32, #tpu.memory_space<hbm>>
        tpu.enqueue_indirect_dma source(%dma_start3A_78 : memref<160000x128xf32, #tpu.memory_space<hbm>>) target(%arg12 : memref<80x128xf32, #tpu.memory_space<vmem>>) offsets(%dma_start3A_75 : memref<80xi32, #tpu.memory_space<vmem>>) semaphore(%arg18 : memref<!tpu.dma_semaphore, #tpu.memory_space<semaphore_mem>>)
        %dma_start3A_79 = arith.constant 80 : i32
        %dma_start3A_80 = tpu.memref_slice %arg6[%dma_start3A_79] : memref<2000xi32, #tpu.memory_space<vmem>> -> memref<80xi32, #tpu.memory_space<vmem>>
        %dma_start3A_81 = arith.constant 0 : i32
        %dma_start3A_82 = arith.constant 0 : i32
        %dma_start3A_83 = tpu.memref_slice %arg2[%dma_start3A_81, %dma_start3A_82] : memref<160000x128xf32, #tpu.memory_space<hbm>> -> memref<160000x128xf32, #tpu.memory_space<hbm>>
        tpu.enqueue_indirect_dma source(%dma_start3A_83 : memref<160000x128xf32, #tpu.memory_space<hbm>>) target(%arg13 : memref<80x128xf32, #tpu.memory_space<vmem>>) offsets(%dma_start3A_80 : memref<80xi32, #tpu.memory_space<vmem>>) semaphore(%arg19 : memref<!tpu.dma_semaphore, #tpu.memory_space<semaphore_mem>>)
        %dma_wait3A_84 = arith.constant 0 : i32
        %dma_wait3A_85 = tpu.memref_slice %arg6[%dma_wait3A_84] : memref<2000xi32, #tpu.memory_space<vmem>> -> memref<80xi32, #tpu.memory_space<vmem>>
        %dma_wait3A_86 = arith.constant 0 : i32
        %dma_wait3A_87 = arith.constant 0 : i32
        %dma_wait3A_88 = tpu.memref_slice %arg2[%dma_wait3A_86, %dma_wait3A_87] : memref<160000x128xf32, #tpu.memory_space<hbm>> -> memref<160000x128xf32, #tpu.memory_space<hbm>>
        tpu.wait_indirect_dma semaphore(%arg18 : memref<!tpu.dma_semaphore, #tpu.memory_space<semaphore_mem>>) src(%dma_wait3A_88 : memref<160000x128xf32, #tpu.memory_space<hbm>>) dst(%arg12 : memref<80x128xf32, #tpu.memory_space<vmem>>)
        %dma_start3A_89 = arith.constant 0 : i32
        %dma_start3A_90 = arith.constant 0 : i32
        %dma_start3A_91 = tpu.memref_slice %arg10[%dma_start3A_89, %dma_start3A_90] : memref<25x80xi32, #tpu.memory_space<vmem>> -> memref<1x80xi32, #tpu.memory_space<vmem>>
        %dma_start3A_92 = tpu.memref_squeeze %dma_start3A_91 : memref<1x80xi32, #tpu.memory_space<vmem>> -> memref<80xi32, #tpu.memory_space<vmem>>
        %dma_start3A_93 = arith.constant 0 : i32
        %dma_start3A_94 = arith.constant 0 : i32
        %dma_start3A_95 = tpu.memref_slice %arg15[%dma_start3A_93, %dma_start3A_94] : memref<10112x128xf32, #tpu.memory_space<vmem_shared>> -> memref<10112x128xf32, #tpu.memory_space<vmem_shared>>
        tpu.enqueue_indirect_dma source(%arg12 : memref<80x128xf32, #tpu.memory_space<vmem>>) target(%dma_start3A_95 : memref<10112x128xf32, #tpu.memory_space<vmem_shared>>) offsets(%dma_start3A_92 : memref<80xi32, #tpu.memory_space<vmem>>) semaphore(%arg21 : memref<!tpu.dma_semaphore, #tpu.memory_space<semaphore_mem>>) {add = true}
        %dma_start3A_96 = arith.constant 160 : i32
        %dma_start3A_97 = tpu.memref_slice %arg6[%dma_start3A_96] : memref<2000xi32, #tpu.memory_space<vmem>> -> memref<80xi32, #tpu.memory_space<vmem>>
        %dma_start3A_98 = arith.constant 0 : i32
        %dma_start3A_99 = arith.constant 0 : i32
        %dma_start3A_100 = tpu.memref_slice %arg2[%dma_start3A_98, %dma_start3A_99] : memref<160000x128xf32, #tpu.memory_space<hbm>> -> memref<160000x128xf32, #tpu.memory_space<hbm>>
        tpu.enqueue_indirect_dma source(%dma_start3A_100 : memref<160000x128xf32, #tpu.memory_space<hbm>>) target(%arg14 : memref<80x128xf32, #tpu.memory_space<vmem>>) offsets(%dma_start3A_97 : memref<80xi32, #tpu.memory_space<vmem>>) semaphore(%arg20 : memref<!tpu.dma_semaphore, #tpu.memory_space<semaphore_mem>>)
        %dma_wait3A_101 = arith.constant 80 : i32
        %dma_wait3A_102 = tpu.memref_slice %arg6[%dma_wait3A_101] : memref<2000xi32, #tpu.memory_space<vmem>> -> memref<80xi32, #tpu.memory_space<vmem>>
        %dma_wait3A_103 = arith.constant 0 : i32
        %dma_wait3A_104 = arith.constant 0 : i32
        %dma_wait3A_105 = tpu.memref_slice %arg2[%dma_wait3A_103, %dma_wait3A_104] : memref<160000x128xf32, #tpu.memory_space<hbm>> -> memref<160000x128xf32, #tpu.memory_space<hbm>>
        tpu.wait_indirect_dma semaphore(%arg19 : memref<!tpu.dma_semaphore, #tpu.memory_space<semaphore_mem>>) src(%dma_wait3A_105 : memref<160000x128xf32, #tpu.memory_space<hbm>>) dst(%arg13 : memref<80x128xf32, #tpu.memory_space<vmem>>)
        %dma_start3A_106 = arith.constant 1 : i32
        %dma_start3A_107 = arith.constant 0 : i32
        %dma_start3A_108 = tpu.memref_slice %arg10[%dma_start3A_106, %dma_start3A_107] : memref<25x80xi32, #tpu.memory_space<vmem>> -> memref<1x80xi32, #tpu.memory_space<vmem>>
        %dma_start3A_109 = tpu.memref_squeeze %dma_start3A_108 : memref<1x80xi32, #tpu.memory_space<vmem>> -> memref<80xi32, #tpu.memory_space<vmem>>
        %dma_start3A_110 = arith.constant 0 : i32
        %dma_start3A_111 = arith.constant 0 : i32
        %dma_start3A_112 = tpu.memref_slice %arg15[%dma_start3A_110, %dma_start3A_111] : memref<10112x128xf32, #tpu.memory_space<vmem_shared>> -> memref<10112x128xf32, #tpu.memory_space<vmem_shared>>
        tpu.enqueue_indirect_dma source(%arg13 : memref<80x128xf32, #tpu.memory_space<vmem>>) target(%dma_start3A_112 : memref<10112x128xf32, #tpu.memory_space<vmem_shared>>) offsets(%dma_start3A_109 : memref<80xi32, #tpu.memory_space<vmem>>) semaphore(%arg22 : memref<!tpu.dma_semaphore, #tpu.memory_space<semaphore_mem>>) {add = true}
        %dma_wait3A_113 = arith.constant 1 : i32
        %dma_wait3A_114 = arith.constant 0 : i32
        %dma_wait3A_115 = tpu.memref_slice %arg10[%dma_wait3A_113, %dma_wait3A_114] : memref<25x80xi32, #tpu.memory_space<vmem>> -> memref<1x80xi32, #tpu.memory_space<vmem>>
        %dma_wait3A_116 = tpu.memref_squeeze %dma_wait3A_115 : memref<1x80xi32, #tpu.memory_space<vmem>> -> memref<80xi32, #tpu.memory_space<vmem>>
        %dma_wait3A_117 = arith.constant 0 : i32
        %dma_wait3A_118 = arith.constant 0 : i32
        %dma_wait3A_119 = tpu.memref_slice %arg15[%dma_wait3A_117, %dma_wait3A_118] : memref<10112x128xf32, #tpu.memory_space<vmem_shared>> -> memref<10112x128xf32, #tpu.memory_space<vmem_shared>>
        tpu.wait_indirect_dma semaphore(%arg21 : memref<!tpu.dma_semaphore, #tpu.memory_space<semaphore_mem>>) src(%arg12 : memref<80x128xf32, #tpu.memory_space<vmem>>) dst(%dma_wait3A_119 : memref<10112x128xf32, #tpu.memory_space<vmem_shared>>)
        %dma_start3A_120 = arith.constant 240 : i32
        %dma_start3A_121 = tpu.memref_slice %arg6[%dma_start3A_120] : memref<2000xi32, #tpu.memory_space<vmem>> -> memref<80xi32, #tpu.memory_space<vmem>>
        %dma_start3A_122 = arith.constant 0 : i32
        %dma_start3A_123 = arith.constant 0 : i32
        %dma_start3A_124 = tpu.memref_slice %arg2[%dma_start3A_122, %dma_start3A_123] : memref<160000x128xf32, #tpu.memory_space<hbm>> -> memref<160000x128xf32, #tpu.memory_space<hbm>>
        tpu.enqueue_indirect_dma source(%dma_start3A_124 : memref<160000x128xf32, #tpu.memory_space<hbm>>) target(%arg12 : memref<80x128xf32, #tpu.memory_space<vmem>>) offsets(%dma_start3A_121 : memref<80xi32, #tpu.memory_space<vmem>>) semaphore(%arg18 : memref<!tpu.dma_semaphore, #tpu.memory_space<semaphore_mem>>)
        %dma_wait3A_125 = arith.constant 160 : i32
        %dma_wait3A_126 = tpu.memref_slice %arg6[%dma_wait3A_125] : memref<2000xi32, #tpu.memory_space<vmem>> -> memref<80xi32, #tpu.memory_space<vmem>>
        %dma_wait3A_127 = arith.constant 0 : i32
        %dma_wait3A_128 = arith.constant 0 : i32
        %dma_wait3A_129 = tpu.memref_slice %arg2[%dma_wait3A_127, %dma_wait3A_128] : memref<160000x128xf32, #tpu.memory_space<hbm>> -> memref<160000x128xf32, #tpu.memory_space<hbm>>
        tpu.wait_indirect_dma semaphore(%arg20 : memref<!tpu.dma_semaphore, #tpu.memory_space<semaphore_mem>>) src(%dma_wait3A_129 : memref<160000x128xf32, #tpu.memory_space<hbm>>) dst(%arg14 : memref<80x128xf32, #tpu.memory_space<vmem>>)
        %dma_start3A_130 = arith.constant 2 : i32
        %dma_start3A_131 = arith.constant 0 : i32
        %dma_start3A_132 = tpu.memref_slice %arg10[%dma_start3A_130, %dma_start3A_131] : memref<25x80xi32, #tpu.memory_space<vmem>> -> memref<1x80xi32, #tpu.memory_space<vmem>>
        %dma_start3A_133 = tpu.memref_squeeze %dma_start3A_132 : memref<1x80xi32, #tpu.memory_space<vmem>> -> memref<80xi32, #tpu.memory_space<vmem>>
        %dma_start3A_134 = arith.constant 0 : i32
        %dma_start3A_135 = arith.constant 0 : i32
        %dma_start3A_136 = tpu.memref_slice %arg15[%dma_start3A_134, %dma_start3A_135] : memref<10112x128xf32, #tpu.memory_space<vmem_shared>> -> memref<10112x128xf32, #tpu.memory_space<vmem_shared>>
        tpu.enqueue_indirect_dma source(%arg14 : memref<80x128xf32, #tpu.memory_space<vmem>>) target(%dma_start3A_136 : memref<10112x128xf32, #tpu.memory_space<vmem_shared>>) offsets(%dma_start3A_133 : memref<80xi32, #tpu.memory_space<vmem>>) semaphore(%arg23 : memref<!tpu.dma_semaphore, #tpu.memory_space<semaphore_mem>>) {add = true}
        %dma_wait3A_137 = arith.constant 2 : i32
        %dma_wait3A_138 = arith.constant 0 : i32
        %dma_wait3A_139 = tpu.memref_slice %arg10[%dma_wait3A_137, %dma_wait3A_138] : memref<25x80xi32, #tpu.memory_space<vmem>> -> memref<1x80xi32, #tpu.memory_space<vmem>>
        %dma_wait3A_140 = tpu.memref_squeeze %dma_wait3A_139 : memref<1x80xi32, #tpu.memory_space<vmem>> -> memref<80xi32, #tpu.memory_space<vmem>>
        %dma_wait3A_141 = arith.constant 0 : i32
        %dma_wait3A_142 = arith.constant 0 : i32
        %dma_wait3A_143 = tpu.memref_slice %arg15[%dma_wait3A_141, %dma_wait3A_142] : memref<10112x128xf32, #tpu.memory_space<vmem_shared>> -> memref<10112x128xf32, #tpu.memory_space<vmem_shared>>
        tpu.wait_indirect_dma semaphore(%arg22 : memref<!tpu.dma_semaphore, #tpu.memory_space<semaphore_mem>>) src(%arg13 : memref<80x128xf32, #tpu.memory_space<vmem>>) dst(%dma_wait3A_143 : memref<10112x128xf32, #tpu.memory_space<vmem_shared>>)
        %dma_start3A_144 = arith.constant 320 : i32
        %dma_start3A_145 = tpu.memref_slice %arg6[%dma_start3A_144] : memref<2000xi32, #tpu.memory_space<vmem>> -> memref<80xi32, #tpu.memory_space<vmem>>
        %dma_start3A_146 = arith.constant 0 : i32
        %dma_start3A_147 = arith.constant 0 : i32
        %dma_start3A_148 = tpu.memref_slice %arg2[%dma_start3A_146, %dma_start3A_147] : memref<160000x128xf32, #tpu.memory_space<hbm>> -> memref<160000x128xf32, #tpu.memory_space<hbm>>
        tpu.enqueue_indirect_dma source(%dma_start3A_148 : memref<160000x128xf32, #tpu.memory_space<hbm>>) target(%arg13 : memref<80x128xf32, #tpu.memory_space<vmem>>) offsets(%dma_start3A_145 : memref<80xi32, #tpu.memory_space<vmem>>) semaphore(%arg19 : memref<!tpu.dma_semaphore, #tpu.memory_space<semaphore_mem>>)
        %dma_wait3A_149 = arith.constant 240 : i32
        %dma_wait3A_150 = tpu.memref_slice %arg6[%dma_wait3A_149] : memref<2000xi32, #tpu.memory_space<vmem>> -> memref<80xi32, #tpu.memory_space<vmem>>
        %dma_wait3A_151 = arith.constant 0 : i32
        %dma_wait3A_152 = arith.constant 0 : i32
        %dma_wait3A_153 = tpu.memref_slice %arg2[%dma_wait3A_151, %dma_wait3A_152] : memref<160000x128xf32, #tpu.memory_space<hbm>> -> memref<160000x128xf32, #tpu.memory_space<hbm>>
        tpu.wait_indirect_dma semaphore(%arg18 : memref<!tpu.dma_semaphore, #tpu.memory_space<semaphore_mem>>) src(%dma_wait3A_153 : memref<160000x128xf32, #tpu.memory_space<hbm>>) dst(%arg12 : memref<80x128xf32, #tpu.memory_space<vmem>>)
        %dma_start3A_154 = arith.constant 3 : i32
        %dma_start3A_155 = arith.constant 0 : i32
        %dma_start3A_156 = tpu.memref_slice %arg10[%dma_start3A_154, %dma_start3A_155] : memref<25x80xi32, #tpu.memory_space<vmem>> -> memref<1x80xi32, #tpu.memory_space<vmem>>
        %dma_start3A_157 = tpu.memref_squeeze %dma_start3A_156 : memref<1x80xi32, #tpu.memory_space<vmem>> -> memref<80xi32, #tpu.memory_space<vmem>>
        %dma_start3A_158 = arith.constant 0 : i32
        %dma_start3A_159 = arith.constant 0 : i32
        %dma_start3A_160 = tpu.memref_slice %arg15[%dma_start3A_158, %dma_start3A_159] : memref<10112x128xf32, #tpu.memory_space<vmem_shared>> -> memref<10112x128xf32, #tpu.memory_space<vmem_shared>>
        tpu.enqueue_indirect_dma source(%arg12 : memref<80x128xf32, #tpu.memory_space<vmem>>) target(%dma_start3A_160 : memref<10112x128xf32, #tpu.memory_space<vmem_shared>>) offsets(%dma_start3A_157 : memref<80xi32, #tpu.memory_space<vmem>>) semaphore(%arg21 : memref<!tpu.dma_semaphore, #tpu.memory_space<semaphore_mem>>) {add = true}
        %dma_wait3A_161 = arith.constant 3 : i32
        %dma_wait3A_162 = arith.constant 0 : i32
        %dma_wait3A_163 = tpu.memref_slice %arg10[%dma_wait3A_161, %dma_wait3A_162] : memref<25x80xi32, #tpu.memory_space<vmem>> -> memref<1x80xi32, #tpu.memory_space<vmem>>
        %dma_wait3A_164 = tpu.memref_squeeze %dma_wait3A_163 : memref<1x80xi32, #tpu.memory_space<vmem>> -> memref<80xi32, #tpu.memory_space<vmem>>
        %dma_wait3A_165 = arith.constant 0 : i32
        %dma_wait3A_166 = arith.constant 0 : i32
        %dma_wait3A_167 = tpu.memref_slice %arg15[%dma_wait3A_165, %dma_wait3A_166] : memref<10112x128xf32, #tpu.memory_space<vmem_shared>> -> memref<10112x128xf32, #tpu.memory_space<vmem_shared>>
        tpu.wait_indirect_dma semaphore(%arg23 : memref<!tpu.dma_semaphore, #tpu.memory_space<semaphore_mem>>) src(%arg14 : memref<80x128xf32, #tpu.memory_space<vmem>>) dst(%dma_wait3A_167 : memref<10112x128xf32, #tpu.memory_space<vmem_shared>>)
        %dma_start3A_168 = arith.constant 400 : i32
        %dma_start3A_169 = tpu.memref_slice %arg6[%dma_start3A_168] : memref<2000xi32, #tpu.memory_space<vmem>> -> memref<80xi32, #tpu.memory_space<vmem>>
        %dma_start3A_170 = arith.constant 0 : i32
        %dma_start3A_171 = arith.constant 0 : i32
        %dma_start3A_172 = tpu.memref_slice %arg2[%dma_start3A_170, %dma_start3A_171] : memref<160000x128xf32, #tpu.memory_space<hbm>> -> memref<160000x128xf32, #tpu.memory_space<hbm>>
        tpu.enqueue_indirect_dma source(%dma_start3A_172 : memref<160000x128xf32, #tpu.memory_space<hbm>>) target(%arg14 : memref<80x128xf32, #tpu.memory_space<vmem>>) offsets(%dma_start3A_169 : memref<80xi32, #tpu.memory_space<vmem>>) semaphore(%arg20 : memref<!tpu.dma_semaphore, #tpu.memory_space<semaphore_mem>>)
        %dma_wait3A_173 = arith.constant 320 : i32
        %dma_wait3A_174 = tpu.memref_slice %arg6[%dma_wait3A_173] : memref<2000xi32, #tpu.memory_space<vmem>> -> memref<80xi32, #tpu.memory_space<vmem>>
        %dma_wait3A_175 = arith.constant 0 : i32
        %dma_wait3A_176 = arith.constant 0 : i32
        %dma_wait3A_177 = tpu.memref_slice %arg2[%dma_wait3A_175, %dma_wait3A_176] : memref<160000x128xf32, #tpu.memory_space<hbm>> -> memref<160000x128xf32, #tpu.memory_space<hbm>>
        tpu.wait_indirect_dma semaphore(%arg19 : memref<!tpu.dma_semaphore, #tpu.memory_space<semaphore_mem>>) src(%dma_wait3A_177 : memref<160000x128xf32, #tpu.memory_space<hbm>>) dst(%arg13 : memref<80x128xf32, #tpu.memory_space<vmem>>)
        %dma_start3A_178 = arith.constant 4 : i32
        %dma_start3A_179 = arith.constant 0 : i32
        %dma_start3A_180 = tpu.memref_slice %arg10[%dma_start3A_178, %dma_start3A_179] : memref<25x80xi32, #tpu.memory_space<vmem>> -> memref<1x80xi32, #tpu.memory_space<vmem>>
        %dma_start3A_181 = tpu.memref_squeeze %dma_start3A_180 : memref<1x80xi32, #tpu.memory_space<vmem>> -> memref<80xi32, #tpu.memory_space<vmem>>
        %dma_start3A_182 = arith.constant 0 : i32
        %dma_start3A_183 = arith.constant 0 : i32
        %dma_start3A_184 = tpu.memref_slice %arg15[%dma_start3A_182, %dma_start3A_183] : memref<10112x128xf32, #tpu.memory_space<vmem_shared>> -> memref<10112x128xf32, #tpu.memory_space<vmem_shared>>
        tpu.enqueue_indirect_dma source(%arg13 : memref<80x128xf32, #tpu.memory_space<vmem>>) target(%dma_start3A_184 : memref<10112x128xf32, #tpu.memory_space<vmem_shared>>) offsets(%dma_start3A_181 : memref<80xi32, #tpu.memory_space<vmem>>) semaphore(%arg22 : memref<!tpu.dma_semaphore, #tpu.memory_space<semaphore_mem>>) {add = true}
        %dma_wait3A_185 = arith.constant 4 : i32
        %dma_wait3A_186 = arith.constant 0 : i32
        %dma_wait3A_187 = tpu.memref_slice %arg10[%dma_wait3A_185, %dma_wait3A_186] : memref<25x80xi32, #tpu.memory_space<vmem>> -> memref<1x80xi32, #tpu.memory_space<vmem>>
        %dma_wait3A_188 = tpu.memref_squeeze %dma_wait3A_187 : memref<1x80xi32, #tpu.memory_space<vmem>> -> memref<80xi32, #tpu.memory_space<vmem>>
        %dma_wait3A_189 = arith.constant 0 : i32
        %dma_wait3A_190 = arith.constant 0 : i32
        %dma_wait3A_191 = tpu.memref_slice %arg15[%dma_wait3A_189, %dma_wait3A_190] : memref<10112x128xf32, #tpu.memory_space<vmem_shared>> -> memref<10112x128xf32, #tpu.memory_space<vmem_shared>>
        tpu.wait_indirect_dma semaphore(%arg21 : memref<!tpu.dma_semaphore, #tpu.memory_space<semaphore_mem>>) src(%arg12 : memref<80x128xf32, #tpu.memory_space<vmem>>) dst(%dma_wait3A_191 : memref<10112x128xf32, #tpu.memory_space<vmem_shared>>)
        %dma_start3A_192 = arith.constant 480 : i32
        %dma_start3A_193 = tpu.memref_slice %arg6[%dma_start3A_192] : memref<2000xi32, #tpu.memory_space<vmem>> -> memref<80xi32, #tpu.memory_space<vmem>>
        %dma_start3A_194 = arith.constant 0 : i32
        %dma_start3A_195 = arith.constant 0 : i32
        %dma_start3A_196 = tpu.memref_slice %arg2[%dma_start3A_194, %dma_start3A_195] : memref<160000x128xf32, #tpu.memory_space<hbm>> -> memref<160000x128xf32, #tpu.memory_space<hbm>>
        tpu.enqueue_indirect_dma source(%dma_start3A_196 : memref<160000x128xf32, #tpu.memory_space<hbm>>) target(%arg12 : memref<80x128xf32, #tpu.memory_space<vmem>>) offsets(%dma_start3A_193 : memref<80xi32, #tpu.memory_space<vmem>>) semaphore(%arg18 : memref<!tpu.dma_semaphore, #tpu.memory_space<semaphore_mem>>)
        %dma_wait3A_197 = arith.constant 400 : i32
        %dma_wait3A_198 = tpu.memref_slice %arg6[%dma_wait3A_197] : memref<2000xi32, #tpu.memory_space<vmem>> -> memref<80xi32, #tpu.memory_space<vmem>>
        %dma_wait3A_199 = arith.constant 0 : i32
        %dma_wait3A_200 = arith.constant 0 : i32
        %dma_wait3A_201 = tpu.memref_slice %arg2[%dma_wait3A_199, %dma_wait3A_200] : memref<160000x128xf32, #tpu.memory_space<hbm>> -> memref<160000x128xf32, #tpu.memory_space<hbm>>
        tpu.wait_indirect_dma semaphore(%arg20 : memref<!tpu.dma_semaphore, #tpu.memory_space<semaphore_mem>>) src(%dma_wait3A_201 : memref<160000x128xf32, #tpu.memory_space<hbm>>) dst(%arg14 : memref<80x128xf32, #tpu.memory_space<vmem>>)
        %dma_start3A_202 = arith.constant 5 : i32
        %dma_start3A_203 = arith.constant 0 : i32
        %dma_start3A_204 = tpu.memref_slice %arg10[%dma_start3A_202, %dma_start3A_203] : memref<25x80xi32, #tpu.memory_space<vmem>> -> memref<1x80xi32, #tpu.memory_space<vmem>>
        %dma_start3A_205 = tpu.memref_squeeze %dma_start3A_204 : memref<1x80xi32, #tpu.memory_space<vmem>> -> memref<80xi32, #tpu.memory_space<vmem>>
        %dma_start3A_206 = arith.constant 0 : i32
        %dma_start3A_207 = arith.constant 0 : i32
        %dma_start3A_208 = tpu.memref_slice %arg15[%dma_start3A_206, %dma_start3A_207] : memref<10112x128xf32, #tpu.memory_space<vmem_shared>> -> memref<10112x128xf32, #tpu.memory_space<vmem_shared>>
        tpu.enqueue_indirect_dma source(%arg14 : memref<80x128xf32, #tpu.memory_space<vmem>>) target(%dma_start3A_208 : memref<10112x128xf32, #tpu.memory_space<vmem_shared>>) offsets(%dma_start3A_205 : memref<80xi32, #tpu.memory_space<vmem>>) semaphore(%arg23 : memref<!tpu.dma_semaphore, #tpu.memory_space<semaphore_mem>>) {add = true}
        %dma_wait3A_209 = arith.constant 5 : i32
        %dma_wait3A_210 = arith.constant 0 : i32
        %dma_wait3A_211 = tpu.memref_slice %arg10[%dma_wait3A_209, %dma_wait3A_210] : memref<25x80xi32, #tpu.memory_space<vmem>> -> memref<1x80xi32, #tpu.memory_space<vmem>>
        %dma_wait3A_212 = tpu.memref_squeeze %dma_wait3A_211 : memref<1x80xi32, #tpu.memory_space<vmem>> -> memref<80xi32, #tpu.memory_space<vmem>>
        %dma_wait3A_213 = arith.constant 0 : i32
        %dma_wait3A_214 = arith.constant 0 : i32
        %dma_wait3A_215 = tpu.memref_slice %arg15[%dma_wait3A_213, %dma_wait3A_214] : memref<10112x128xf32, #tpu.memory_space<vmem_shared>> -> memref<10112x128xf32, #tpu.memory_space<vmem_shared>>
        tpu.wait_indirect_dma semaphore(%arg22 : memref<!tpu.dma_semaphore, #tpu.memory_space<semaphore_mem>>) src(%arg13 : memref<80x128xf32, #tpu.memory_space<vmem>>) dst(%dma_wait3A_215 : memref<10112x128xf32, #tpu.memory_space<vmem_shared>>)
        %dma_start3A_216 = arith.constant 560 : i32
        %dma_start3A_217 = tpu.memref_slice %arg6[%dma_start3A_216] : memref<2000xi32, #tpu.memory_space<vmem>> -> memref<80xi32, #tpu.memory_space<vmem>>
        %dma_start3A_218 = arith.constant 0 : i32
        %dma_start3A_219 = arith.constant 0 : i32
        %dma_start3A_220 = tpu.memref_slice %arg2[%dma_start3A_218, %dma_start3A_219] : memref<160000x128xf32, #tpu.memory_space<hbm>> -> memref<160000x128xf32, #tpu.memory_space<hbm>>
        tpu.enqueue_indirect_dma source(%dma_start3A_220 : memref<160000x128xf32, #tpu.memory_space<hbm>>) target(%arg13 : memref<80x128xf32, #tpu.memory_space<vmem>>) offsets(%dma_start3A_217 : memref<80xi32, #tpu.memory_space<vmem>>) semaphore(%arg19 : memref<!tpu.dma_semaphore, #tpu.memory_space<semaphore_mem>>)
        %dma_wait3A_221 = arith.constant 480 : i32
        %dma_wait3A_222 = tpu.memref_slice %arg6[%dma_wait3A_221] : memref<2000xi32, #tpu.memory_space<vmem>> -> memref<80xi32, #tpu.memory_space<vmem>>
        %dma_wait3A_223 = arith.constant 0 : i32
        %dma_wait3A_224 = arith.constant 0 : i32
        %dma_wait3A_225 = tpu.memref_slice %arg2[%dma_wait3A_223, %dma_wait3A_224] : memref<160000x128xf32, #tpu.memory_space<hbm>> -> memref<160000x128xf32, #tpu.memory_space<hbm>>
        tpu.wait_indirect_dma semaphore(%arg18 : memref<!tpu.dma_semaphore, #tpu.memory_space<semaphore_mem>>) src(%dma_wait3A_225 : memref<160000x128xf32, #tpu.memory_space<hbm>>) dst(%arg12 : memref<80x128xf32, #tpu.memory_space<vmem>>)
        %dma_start3A_226 = arith.constant 6 : i32
        %dma_start3A_227 = arith.constant 0 : i32
        %dma_start3A_228 = tpu.memref_slice %arg10[%dma_start3A_226, %dma_start3A_227] : memref<25x80xi32, #tpu.memory_space<vmem>> -> memref<1x80xi32, #tpu.memory_space<vmem>>
        %dma_start3A_229 = tpu.memref_squeeze %dma_start3A_228 : memref<1x80xi32, #tpu.memory_space<vmem>> -> memref<80xi32, #tpu.memory_space<vmem>>
        %dma_start3A_230 = arith.constant 0 : i32
        %dma_start3A_231 = arith.constant 0 : i32
        %dma_start3A_232 = tpu.memref_slice %arg15[%dma_start3A_230, %dma_start3A_231] : memref<10112x128xf32, #tpu.memory_space<vmem_shared>> -> memref<10112x128xf32, #tpu.memory_space<vmem_shared>>
        tpu.enqueue_indirect_dma source(%arg12 : memref<80x128xf32, #tpu.memory_space<vmem>>) target(%dma_start3A_232 : memref<10112x128xf32, #tpu.memory_space<vmem_shared>>) offsets(%dma_start3A_229 : memref<80xi32, #tpu.memory_space<vmem>>) semaphore(%arg21 : memref<!tpu.dma_semaphore, #tpu.memory_space<semaphore_mem>>) {add = true}
        %dma_wait3A_233 = arith.constant 6 : i32
        %dma_wait3A_234 = arith.constant 0 : i32
        %dma_wait3A_235 = tpu.memref_slice %arg10[%dma_wait3A_233, %dma_wait3A_234] : memref<25x80xi32, #tpu.memory_space<vmem>> -> memref<1x80xi32, #tpu.memory_space<vmem>>
        %dma_wait3A_236 = tpu.memref_squeeze %dma_wait3A_235 : memref<1x80xi32, #tpu.memory_space<vmem>> -> memref<80xi32, #tpu.memory_space<vmem>>
        %dma_wait3A_237 = arith.constant 0 : i32
        %dma_wait3A_238 = arith.constant 0 : i32
        %dma_wait3A_239 = tpu.memref_slice %arg15[%dma_wait3A_237, %dma_wait3A_238] : memref<10112x128xf32, #tpu.memory_space<vmem_shared>> -> memref<10112x128xf32, #tpu.memory_space<vmem_shared>>
        tpu.wait_indirect_dma semaphore(%arg23 : memref<!tpu.dma_semaphore, #tpu.memory_space<semaphore_mem>>) src(%arg14 : memref<80x128xf32, #tpu.memory_space<vmem>>) dst(%dma_wait3A_239 : memref<10112x128xf32, #tpu.memory_space<vmem_shared>>)
        %dma_start3A_240 = arith.constant 640 : i32
        %dma_start3A_241 = tpu.memref_slice %arg6[%dma_start3A_240] : memref<2000xi32, #tpu.memory_space<vmem>> -> memref<80xi32, #tpu.memory_space<vmem>>
        %dma_start3A_242 = arith.constant 0 : i32
        %dma_start3A_243 = arith.constant 0 : i32
        %dma_start3A_244 = tpu.memref_slice %arg2[%dma_start3A_242, %dma_start3A_243] : memref<160000x128xf32, #tpu.memory_space<hbm>> -> memref<160000x128xf32, #tpu.memory_space<hbm>>
        tpu.enqueue_indirect_dma source(%dma_start3A_244 : memref<160000x128xf32, #tpu.memory_space<hbm>>) target(%arg14 : memref<80x128xf32, #tpu.memory_space<vmem>>) offsets(%dma_start3A_241 : memref<80xi32, #tpu.memory_space<vmem>>) semaphore(%arg20 : memref<!tpu.dma_semaphore, #tpu.memory_space<semaphore_mem>>)
        %dma_wait3A_245 = arith.constant 560 : i32
        %dma_wait3A_246 = tpu.memref_slice %arg6[%dma_wait3A_245] : memref<2000xi32, #tpu.memory_space<vmem>> -> memref<80xi32, #tpu.memory_space<vmem>>
        %dma_wait3A_247 = arith.constant 0 : i32
        %dma_wait3A_248 = arith.constant 0 : i32
        %dma_wait3A_249 = tpu.memref_slice %arg2[%dma_wait3A_247, %dma_wait3A_248] : memref<160000x128xf32, #tpu.memory_space<hbm>> -> memref<160000x128xf32, #tpu.memory_space<hbm>>
        tpu.wait_indirect_dma semaphore(%arg19 : memref<!tpu.dma_semaphore, #tpu.memory_space<semaphore_mem>>) src(%dma_wait3A_249 : memref<160000x128xf32, #tpu.memory_space<hbm>>) dst(%arg13 : memref<80x128xf32, #tpu.memory_space<vmem>>)
        %dma_start3A_250 = arith.constant 7 : i32
        %dma_start3A_251 = arith.constant 0 : i32
        %dma_start3A_252 = tpu.memref_slice %arg10[%dma_start3A_250, %dma_start3A_251] : memref<25x80xi32, #tpu.memory_space<vmem>> -> memref<1x80xi32, #tpu.memory_space<vmem>>
        %dma_start3A_253 = tpu.memref_squeeze %dma_start3A_252 : memref<1x80xi32, #tpu.memory_space<vmem>> -> memref<80xi32, #tpu.memory_space<vmem>>
        %dma_start3A_254 = arith.constant 0 : i32
        %dma_start3A_255 = arith.constant 0 : i32
        %dma_start3A_256 = tpu.memref_slice %arg15[%dma_start3A_254, %dma_start3A_255] : memref<10112x128xf32, #tpu.memory_space<vmem_shared>> -> memref<10112x128xf32, #tpu.memory_space<vmem_shared>>
        tpu.enqueue_indirect_dma source(%arg13 : memref<80x128xf32, #tpu.memory_space<vmem>>) target(%dma_start3A_256 : memref<10112x128xf32, #tpu.memory_space<vmem_shared>>) offsets(%dma_start3A_253 : memref<80xi32, #tpu.memory_space<vmem>>) semaphore(%arg22 : memref<!tpu.dma_semaphore, #tpu.memory_space<semaphore_mem>>) {add = true}
        %dma_wait3A_257 = arith.constant 7 : i32
        %dma_wait3A_258 = arith.constant 0 : i32
        %dma_wait3A_259 = tpu.memref_slice %arg10[%dma_wait3A_257, %dma_wait3A_258] : memref<25x80xi32, #tpu.memory_space<vmem>> -> memref<1x80xi32, #tpu.memory_space<vmem>>
        %dma_wait3A_260 = tpu.memref_squeeze %dma_wait3A_259 : memref<1x80xi32, #tpu.memory_space<vmem>> -> memref<80xi32, #tpu.memory_space<vmem>>
        %dma_wait3A_261 = arith.constant 0 : i32
        %dma_wait3A_262 = arith.constant 0 : i32
        %dma_wait3A_263 = tpu.memref_slice %arg15[%dma_wait3A_261, %dma_wait3A_262] : memref<10112x128xf32, #tpu.memory_space<vmem_shared>> -> memref<10112x128xf32, #tpu.memory_space<vmem_shared>>
        tpu.wait_indirect_dma semaphore(%arg21 : memref<!tpu.dma_semaphore, #tpu.memory_space<semaphore_mem>>) src(%arg12 : memref<80x128xf32, #tpu.memory_space<vmem>>) dst(%dma_wait3A_263 : memref<10112x128xf32, #tpu.memory_space<vmem_shared>>)
        %dma_start3A_264 = arith.constant 720 : i32
        %dma_start3A_265 = tpu.memref_slice %arg6[%dma_start3A_264] : memref<2000xi32, #tpu.memory_space<vmem>> -> memref<80xi32, #tpu.memory_space<vmem>>
        %dma_start3A_266 = arith.constant 0 : i32
        %dma_start3A_267 = arith.constant 0 : i32
        %dma_start3A_268 = tpu.memref_slice %arg2[%dma_start3A_266, %dma_start3A_267] : memref<160000x128xf32, #tpu.memory_space<hbm>> -> memref<160000x128xf32, #tpu.memory_space<hbm>>
        tpu.enqueue_indirect_dma source(%dma_start3A_268 : memref<160000x128xf32, #tpu.memory_space<hbm>>) target(%arg12 : memref<80x128xf32, #tpu.memory_space<vmem>>) offsets(%dma_start3A_265 : memref<80xi32, #tpu.memory_space<vmem>>) semaphore(%arg18 : memref<!tpu.dma_semaphore, #tpu.memory_space<semaphore_mem>>)
        %dma_wait3A_269 = arith.constant 640 : i32
        %dma_wait3A_270 = tpu.memref_slice %arg6[%dma_wait3A_269] : memref<2000xi32, #tpu.memory_space<vmem>> -> memref<80xi32, #tpu.memory_space<vmem>>
        %dma_wait3A_271 = arith.constant 0 : i32
        %dma_wait3A_272 = arith.constant 0 : i32
        %dma_wait3A_273 = tpu.memref_slice %arg2[%dma_wait3A_271, %dma_wait3A_272] : memref<160000x128xf32, #tpu.memory_space<hbm>> -> memref<160000x128xf32, #tpu.memory_space<hbm>>
        tpu.wait_indirect_dma semaphore(%arg20 : memref<!tpu.dma_semaphore, #tpu.memory_space<semaphore_mem>>) src(%dma_wait3A_273 : memref<160000x128xf32, #tpu.memory_space<hbm>>) dst(%arg14 : memref<80x128xf32, #tpu.memory_space<vmem>>)
        %dma_start3A_274 = arith.constant 8 : i32
        %dma_start3A_275 = arith.constant 0 : i32
        %dma_start3A_276 = tpu.memref_slice %arg10[%dma_start3A_274, %dma_start3A_275] : memref<25x80xi32, #tpu.memory_space<vmem>> -> memref<1x80xi32, #tpu.memory_space<vmem>>
        %dma_start3A_277 = tpu.memref_squeeze %dma_start3A_276 : memref<1x80xi32, #tpu.memory_space<vmem>> -> memref<80xi32, #tpu.memory_space<vmem>>
        %dma_start3A_278 = arith.constant 0 : i32
        %dma_start3A_279 = arith.constant 0 : i32
        %dma_start3A_280 = tpu.memref_slice %arg15[%dma_start3A_278, %dma_start3A_279] : memref<10112x128xf32, #tpu.memory_space<vmem_shared>> -> memref<10112x128xf32, #tpu.memory_space<vmem_shared>>
        tpu.enqueue_indirect_dma source(%arg14 : memref<80x128xf32, #tpu.memory_space<vmem>>) target(%dma_start3A_280 : memref<10112x128xf32, #tpu.memory_space<vmem_shared>>) offsets(%dma_start3A_277 : memref<80xi32, #tpu.memory_space<vmem>>) semaphore(%arg23 : memref<!tpu.dma_semaphore, #tpu.memory_space<semaphore_mem>>) {add = true}
        %dma_wait3A_281 = arith.constant 8 : i32
        %dma_wait3A_282 = arith.constant 0 : i32
        %dma_wait3A_283 = tpu.memref_slice %arg10[%dma_wait3A_281, %dma_wait3A_282] : memref<25x80xi32, #tpu.memory_space<vmem>> -> memref<1x80xi32, #tpu.memory_space<vmem>>
        %dma_wait3A_284 = tpu.memref_squeeze %dma_wait3A_283 : memref<1x80xi32, #tpu.memory_space<vmem>> -> memref<80xi32, #tpu.memory_space<vmem>>
        %dma_wait3A_285 = arith.constant 0 : i32
        %dma_wait3A_286 = arith.constant 0 : i32
        %dma_wait3A_287 = tpu.memref_slice %arg15[%dma_wait3A_285, %dma_wait3A_286] : memref<10112x128xf32, #tpu.memory_space<vmem_shared>> -> memref<10112x128xf32, #tpu.memory_space<vmem_shared>>
        tpu.wait_indirect_dma semaphore(%arg22 : memref<!tpu.dma_semaphore, #tpu.memory_space<semaphore_mem>>) src(%arg13 : memref<80x128xf32, #tpu.memory_space<vmem>>) dst(%dma_wait3A_287 : memref<10112x128xf32, #tpu.memory_space<vmem_shared>>)
        %dma_start3A_288 = arith.constant 800 : i32
        %dma_start3A_289 = tpu.memref_slice %arg6[%dma_start3A_288] : memref<2000xi32, #tpu.memory_space<vmem>> -> memref<80xi32, #tpu.memory_space<vmem>>
        %dma_start3A_290 = arith.constant 0 : i32
        %dma_start3A_291 = arith.constant 0 : i32
        %dma_start3A_292 = tpu.memref_slice %arg2[%dma_start3A_290, %dma_start3A_291] : memref<160000x128xf32, #tpu.memory_space<hbm>> -> memref<160000x128xf32, #tpu.memory_space<hbm>>
        tpu.enqueue_indirect_dma source(%dma_start3A_292 : memref<160000x128xf32, #tpu.memory_space<hbm>>) target(%arg13 : memref<80x128xf32, #tpu.memory_space<vmem>>) offsets(%dma_start3A_289 : memref<80xi32, #tpu.memory_space<vmem>>) semaphore(%arg19 : memref<!tpu.dma_semaphore, #tpu.memory_space<semaphore_mem>>)
        %dma_wait3A_293 = arith.constant 720 : i32
        %dma_wait3A_294 = tpu.memref_slice %arg6[%dma_wait3A_293] : memref<2000xi32, #tpu.memory_space<vmem>> -> memref<80xi32, #tpu.memory_space<vmem>>
        %dma_wait3A_295 = arith.constant 0 : i32
        %dma_wait3A_296 = arith.constant 0 : i32
        %dma_wait3A_297 = tpu.memref_slice %arg2[%dma_wait3A_295, %dma_wait3A_296] : memref<160000x128xf32, #tpu.memory_space<hbm>> -> memref<160000x128xf32, #tpu.memory_space<hbm>>
        tpu.wait_indirect_dma semaphore(%arg18 : memref<!tpu.dma_semaphore, #tpu.memory_space<semaphore_mem>>) src(%dma_wait3A_297 : memref<160000x128xf32, #tpu.memory_space<hbm>>) dst(%arg12 : memref<80x128xf32, #tpu.memory_space<vmem>>)
        %dma_start3A_298 = arith.constant 9 : i32
        %dma_start3A_299 = arith.constant 0 : i32
        %dma_start3A_300 = tpu.memref_slice %arg10[%dma_start3A_298, %dma_start3A_299] : memref<25x80xi32, #tpu.memory_space<vmem>> -> memref<1x80xi32, #tpu.memory_space<vmem>>
        %dma_start3A_301 = tpu.memref_squeeze %dma_start3A_300 : memref<1x80xi32, #tpu.memory_space<vmem>> -> memref<80xi32, #tpu.memory_space<vmem>>
        %dma_start3A_302 = arith.constant 0 : i32
        %dma_start3A_303 = arith.constant 0 : i32
        %dma_start3A_304 = tpu.memref_slice %arg15[%dma_start3A_302, %dma_start3A_303] : memref<10112x128xf32, #tpu.memory_space<vmem_shared>> -> memref<10112x128xf32, #tpu.memory_space<vmem_shared>>
        tpu.enqueue_indirect_dma source(%arg12 : memref<80x128xf32, #tpu.memory_space<vmem>>) target(%dma_start3A_304 : memref<10112x128xf32, #tpu.memory_space<vmem_shared>>) offsets(%dma_start3A_301 : memref<80xi32, #tpu.memory_space<vmem>>) semaphore(%arg21 : memref<!tpu.dma_semaphore, #tpu.memory_space<semaphore_mem>>) {add = true}
        %dma_wait3A_305 = arith.constant 9 : i32
        %dma_wait3A_306 = arith.constant 0 : i32
        %dma_wait3A_307 = tpu.memref_slice %arg10[%dma_wait3A_305, %dma_wait3A_306] : memref<25x80xi32, #tpu.memory_space<vmem>> -> memref<1x80xi32, #tpu.memory_space<vmem>>
        %dma_wait3A_308 = tpu.memref_squeeze %dma_wait3A_307 : memref<1x80xi32, #tpu.memory_space<vmem>> -> memref<80xi32, #tpu.memory_space<vmem>>
        %dma_wait3A_309 = arith.constant 0 : i32
        %dma_wait3A_310 = arith.constant 0 : i32
        %dma_wait3A_311 = tpu.memref_slice %arg15[%dma_wait3A_309, %dma_wait3A_310] : memref<10112x128xf32, #tpu.memory_space<vmem_shared>> -> memref<10112x128xf32, #tpu.memory_space<vmem_shared>>
        tpu.wait_indirect_dma semaphore(%arg23 : memref<!tpu.dma_semaphore, #tpu.memory_space<semaphore_mem>>) src(%arg14 : memref<80x128xf32, #tpu.memory_space<vmem>>) dst(%dma_wait3A_311 : memref<10112x128xf32, #tpu.memory_space<vmem_shared>>)
        %dma_start3A_312 = arith.constant 880 : i32
        %dma_start3A_313 = tpu.memref_slice %arg6[%dma_start3A_312] : memref<2000xi32, #tpu.memory_space<vmem>> -> memref<80xi32, #tpu.memory_space<vmem>>
        %dma_start3A_314 = arith.constant 0 : i32
        %dma_start3A_315 = arith.constant 0 : i32
        %dma_start3A_316 = tpu.memref_slice %arg2[%dma_start3A_314, %dma_start3A_315] : memref<160000x128xf32, #tpu.memory_space<hbm>> -> memref<160000x128xf32, #tpu.memory_space<hbm>>
        tpu.enqueue_indirect_dma source(%dma_start3A_316 : memref<160000x128xf32, #tpu.memory_space<hbm>>) target(%arg14 : memref<80x128xf32, #tpu.memory_space<vmem>>) offsets(%dma_start3A_313 : memref<80xi32, #tpu.memory_space<vmem>>) semaphore(%arg20 : memref<!tpu.dma_semaphore, #tpu.memory_space<semaphore_mem>>)
        %dma_wait3A_317 = arith.constant 800 : i32
        %dma_wait3A_318 = tpu.memref_slice %arg6[%dma_wait3A_317] : memref<2000xi32, #tpu.memory_space<vmem>> -> memref<80xi32, #tpu.memory_space<vmem>>
        %dma_wait3A_319 = arith.constant 0 : i32
        %dma_wait3A_320 = arith.constant 0 : i32
        %dma_wait3A_321 = tpu.memref_slice %arg2[%dma_wait3A_319, %dma_wait3A_320] : memref<160000x128xf32, #tpu.memory_space<hbm>> -> memref<160000x128xf32, #tpu.memory_space<hbm>>
        tpu.wait_indirect_dma semaphore(%arg19 : memref<!tpu.dma_semaphore, #tpu.memory_space<semaphore_mem>>) src(%dma_wait3A_321 : memref<160000x128xf32, #tpu.memory_space<hbm>>) dst(%arg13 : memref<80x128xf32, #tpu.memory_space<vmem>>)
        %dma_start3A_322 = arith.constant 10 : i32
        %dma_start3A_323 = arith.constant 0 : i32
        %dma_start3A_324 = tpu.memref_slice %arg10[%dma_start3A_322, %dma_start3A_323] : memref<25x80xi32, #tpu.memory_space<vmem>> -> memref<1x80xi32, #tpu.memory_space<vmem>>
        %dma_start3A_325 = tpu.memref_squeeze %dma_start3A_324 : memref<1x80xi32, #tpu.memory_space<vmem>> -> memref<80xi32, #tpu.memory_space<vmem>>
        %dma_start3A_326 = arith.constant 0 : i32
        %dma_start3A_327 = arith.constant 0 : i32
        %dma_start3A_328 = tpu.memref_slice %arg15[%dma_start3A_326, %dma_start3A_327] : memref<10112x128xf32, #tpu.memory_space<vmem_shared>> -> memref<10112x128xf32, #tpu.memory_space<vmem_shared>>
        tpu.enqueue_indirect_dma source(%arg13 : memref<80x128xf32, #tpu.memory_space<vmem>>) target(%dma_start3A_328 : memref<10112x128xf32, #tpu.memory_space<vmem_shared>>) offsets(%dma_start3A_325 : memref<80xi32, #tpu.memory_space<vmem>>) semaphore(%arg22 : memref<!tpu.dma_semaphore, #tpu.memory_space<semaphore_mem>>) {add = true}
        %dma_wait3A_329 = arith.constant 10 : i32
        %dma_wait3A_330 = arith.constant 0 : i32
        %dma_wait3A_331 = tpu.memref_slice %arg10[%dma_wait3A_329, %dma_wait3A_330] : memref<25x80xi32, #tpu.memory_space<vmem>> -> memref<1x80xi32, #tpu.memory_space<vmem>>
        %dma_wait3A_332 = tpu.memref_squeeze %dma_wait3A_331 : memref<1x80xi32, #tpu.memory_space<vmem>> -> memref<80xi32, #tpu.memory_space<vmem>>
        %dma_wait3A_333 = arith.constant 0 : i32
        %dma_wait3A_334 = arith.constant 0 : i32
        %dma_wait3A_335 = tpu.memref_slice %arg15[%dma_wait3A_333, %dma_wait3A_334] : memref<10112x128xf32, #tpu.memory_space<vmem_shared>> -> memref<10112x128xf32, #tpu.memory_space<vmem_shared>>
        tpu.wait_indirect_dma semaphore(%arg21 : memref<!tpu.dma_semaphore, #tpu.memory_space<semaphore_mem>>) src(%arg12 : memref<80x128xf32, #tpu.memory_space<vmem>>) dst(%dma_wait3A_335 : memref<10112x128xf32, #tpu.memory_space<vmem_shared>>)
        %dma_start3A_336 = arith.constant 960 : i32
        %dma_start3A_337 = tpu.memref_slice %arg6[%dma_start3A_336] : memref<2000xi32, #tpu.memory_space<vmem>> -> memref<80xi32, #tpu.memory_space<vmem>>
        %dma_start3A_338 = arith.constant 0 : i32
        %dma_start3A_339 = arith.constant 0 : i32
        %dma_start3A_340 = tpu.memref_slice %arg2[%dma_start3A_338, %dma_start3A_339] : memref<160000x128xf32, #tpu.memory_space<hbm>> -> memref<160000x128xf32, #tpu.memory_space<hbm>>
        tpu.enqueue_indirect_dma source(%dma_start3A_340 : memref<160000x128xf32, #tpu.memory_space<hbm>>) target(%arg12 : memref<80x128xf32, #tpu.memory_space<vmem>>) offsets(%dma_start3A_337 : memref<80xi32, #tpu.memory_space<vmem>>) semaphore(%arg18 : memref<!tpu.dma_semaphore, #tpu.memory_space<semaphore_mem>>)
        %dma_wait3A_341 = arith.constant 880 : i32
        %dma_wait3A_342 = tpu.memref_slice %arg6[%dma_wait3A_341] : memref<2000xi32, #tpu.memory_space<vmem>> -> memref<80xi32, #tpu.memory_space<vmem>>
        %dma_wait3A_343 = arith.constant 0 : i32
        %dma_wait3A_344 = arith.constant 0 : i32
        %dma_wait3A_345 = tpu.memref_slice %arg2[%dma_wait3A_343, %dma_wait3A_344] : memref<160000x128xf32, #tpu.memory_space<hbm>> -> memref<160000x128xf32, #tpu.memory_space<hbm>>
        tpu.wait_indirect_dma semaphore(%arg20 : memref<!tpu.dma_semaphore, #tpu.memory_space<semaphore_mem>>) src(%dma_wait3A_345 : memref<160000x128xf32, #tpu.memory_space<hbm>>) dst(%arg14 : memref<80x128xf32, #tpu.memory_space<vmem>>)
        %dma_start3A_346 = arith.constant 11 : i32
        %dma_start3A_347 = arith.constant 0 : i32
        %dma_start3A_348 = tpu.memref_slice %arg10[%dma_start3A_346, %dma_start3A_347] : memref<25x80xi32, #tpu.memory_space<vmem>> -> memref<1x80xi32, #tpu.memory_space<vmem>>
        %dma_start3A_349 = tpu.memref_squeeze %dma_start3A_348 : memref<1x80xi32, #tpu.memory_space<vmem>> -> memref<80xi32, #tpu.memory_space<vmem>>
        %dma_start3A_350 = arith.constant 0 : i32
        %dma_start3A_351 = arith.constant 0 : i32
        %dma_start3A_352 = tpu.memref_slice %arg15[%dma_start3A_350, %dma_start3A_351] : memref<10112x128xf32, #tpu.memory_space<vmem_shared>> -> memref<10112x128xf32, #tpu.memory_space<vmem_shared>>
        tpu.enqueue_indirect_dma source(%arg14 : memref<80x128xf32, #tpu.memory_space<vmem>>) target(%dma_start3A_352 : memref<10112x128xf32, #tpu.memory_space<vmem_shared>>) offsets(%dma_start3A_349 : memref<80xi32, #tpu.memory_space<vmem>>) semaphore(%arg23 : memref<!tpu.dma_semaphore, #tpu.memory_space<semaphore_mem>>) {add = true}
        %dma_wait3A_353 = arith.constant 11 : i32
        %dma_wait3A_354 = arith.constant 0 : i32
        %dma_wait3A_355 = tpu.memref_slice %arg10[%dma_wait3A_353, %dma_wait3A_354] : memref<25x80xi32, #tpu.memory_space<vmem>> -> memref<1x80xi32, #tpu.memory_space<vmem>>
        %dma_wait3A_356 = tpu.memref_squeeze %dma_wait3A_355 : memref<1x80xi32, #tpu.memory_space<vmem>> -> memref<80xi32, #tpu.memory_space<vmem>>
        %dma_wait3A_357 = arith.constant 0 : i32
        %dma_wait3A_358 = arith.constant 0 : i32
        %dma_wait3A_359 = tpu.memref_slice %arg15[%dma_wait3A_357, %dma_wait3A_358] : memref<10112x128xf32, #tpu.memory_space<vmem_shared>> -> memref<10112x128xf32, #tpu.memory_space<vmem_shared>>
        tpu.wait_indirect_dma semaphore(%arg22 : memref<!tpu.dma_semaphore, #tpu.memory_space<semaphore_mem>>) src(%arg13 : memref<80x128xf32, #tpu.memory_space<vmem>>) dst(%dma_wait3A_359 : memref<10112x128xf32, #tpu.memory_space<vmem_shared>>)
        %dma_start3A_360 = arith.constant 1040 : i32
        %dma_start3A_361 = tpu.memref_slice %arg6[%dma_start3A_360] : memref<2000xi32, #tpu.memory_space<vmem>> -> memref<80xi32, #tpu.memory_space<vmem>>
        %dma_start3A_362 = arith.constant 0 : i32
        %dma_start3A_363 = arith.constant 0 : i32
        %dma_start3A_364 = tpu.memref_slice %arg2[%dma_start3A_362, %dma_start3A_363] : memref<160000x128xf32, #tpu.memory_space<hbm>> -> memref<160000x128xf32, #tpu.memory_space<hbm>>
        tpu.enqueue_indirect_dma source(%dma_start3A_364 : memref<160000x128xf32, #tpu.memory_space<hbm>>) target(%arg13 : memref<80x128xf32, #tpu.memory_space<vmem>>) offsets(%dma_start3A_361 : memref<80xi32, #tpu.memory_space<vmem>>) semaphore(%arg19 : memref<!tpu.dma_semaphore, #tpu.memory_space<semaphore_mem>>)
        %dma_wait3A_365 = arith.constant 960 : i32
        %dma_wait3A_366 = tpu.memref_slice %arg6[%dma_wait3A_365] : memref<2000xi32, #tpu.memory_space<vmem>> -> memref<80xi32, #tpu.memory_space<vmem>>
        %dma_wait3A_367 = arith.constant 0 : i32
        %dma_wait3A_368 = arith.constant 0 : i32
        %dma_wait3A_369 = tpu.memref_slice %arg2[%dma_wait3A_367, %dma_wait3A_368] : memref<160000x128xf32, #tpu.memory_space<hbm>> -> memref<160000x128xf32, #tpu.memory_space<hbm>>
        tpu.wait_indirect_dma semaphore(%arg18 : memref<!tpu.dma_semaphore, #tpu.memory_space<semaphore_mem>>) src(%dma_wait3A_369 : memref<160000x128xf32, #tpu.memory_space<hbm>>) dst(%arg12 : memref<80x128xf32, #tpu.memory_space<vmem>>)
        %dma_start3A_370 = arith.constant 12 : i32
        %dma_start3A_371 = arith.constant 0 : i32
        %dma_start3A_372 = tpu.memref_slice %arg10[%dma_start3A_370, %dma_start3A_371] : memref<25x80xi32, #tpu.memory_space<vmem>> -> memref<1x80xi32, #tpu.memory_space<vmem>>
        %dma_start3A_373 = tpu.memref_squeeze %dma_start3A_372 : memref<1x80xi32, #tpu.memory_space<vmem>> -> memref<80xi32, #tpu.memory_space<vmem>>
        %dma_start3A_374 = arith.constant 0 : i32
        %dma_start3A_375 = arith.constant 0 : i32
        %dma_start3A_376 = tpu.memref_slice %arg15[%dma_start3A_374, %dma_start3A_375] : memref<10112x128xf32, #tpu.memory_space<vmem_shared>> -> memref<10112x128xf32, #tpu.memory_space<vmem_shared>>
        tpu.enqueue_indirect_dma source(%arg12 : memref<80x128xf32, #tpu.memory_space<vmem>>) target(%dma_start3A_376 : memref<10112x128xf32, #tpu.memory_space<vmem_shared>>) offsets(%dma_start3A_373 : memref<80xi32, #tpu.memory_space<vmem>>) semaphore(%arg21 : memref<!tpu.dma_semaphore, #tpu.memory_space<semaphore_mem>>) {add = true}
        %dma_wait3A_377 = arith.constant 12 : i32
        %dma_wait3A_378 = arith.constant 0 : i32
        %dma_wait3A_379 = tpu.memref_slice %arg10[%dma_wait3A_377, %dma_wait3A_378] : memref<25x80xi32, #tpu.memory_space<vmem>> -> memref<1x80xi32, #tpu.memory_space<vmem>>
        %dma_wait3A_380 = tpu.memref_squeeze %dma_wait3A_379 : memref<1x80xi32, #tpu.memory_space<vmem>> -> memref<80xi32, #tpu.memory_space<vmem>>
        %dma_wait3A_381 = arith.constant 0 : i32
        %dma_wait3A_382 = arith.constant 0 : i32
        %dma_wait3A_383 = tpu.memref_slice %arg15[%dma_wait3A_381, %dma_wait3A_382] : memref<10112x128xf32, #tpu.memory_space<vmem_shared>> -> memref<10112x128xf32, #tpu.memory_space<vmem_shared>>
        tpu.wait_indirect_dma semaphore(%arg23 : memref<!tpu.dma_semaphore, #tpu.memory_space<semaphore_mem>>) src(%arg14 : memref<80x128xf32, #tpu.memory_space<vmem>>) dst(%dma_wait3A_383 : memref<10112x128xf32, #tpu.memory_space<vmem_shared>>)
        %dma_start3A_384 = arith.constant 1120 : i32
        %dma_start3A_385 = tpu.memref_slice %arg6[%dma_start3A_384] : memref<2000xi32, #tpu.memory_space<vmem>> -> memref<80xi32, #tpu.memory_space<vmem>>
        %dma_start3A_386 = arith.constant 0 : i32
        %dma_start3A_387 = arith.constant 0 : i32
        %dma_start3A_388 = tpu.memref_slice %arg2[%dma_start3A_386, %dma_start3A_387] : memref<160000x128xf32, #tpu.memory_space<hbm>> -> memref<160000x128xf32, #tpu.memory_space<hbm>>
        tpu.enqueue_indirect_dma source(%dma_start3A_388 : memref<160000x128xf32, #tpu.memory_space<hbm>>) target(%arg14 : memref<80x128xf32, #tpu.memory_space<vmem>>) offsets(%dma_start3A_385 : memref<80xi32, #tpu.memory_space<vmem>>) semaphore(%arg20 : memref<!tpu.dma_semaphore, #tpu.memory_space<semaphore_mem>>)
        %dma_wait3A_389 = arith.constant 1040 : i32
        %dma_wait3A_390 = tpu.memref_slice %arg6[%dma_wait3A_389] : memref<2000xi32, #tpu.memory_space<vmem>> -> memref<80xi32, #tpu.memory_space<vmem>>
        %dma_wait3A_391 = arith.constant 0 : i32
        %dma_wait3A_392 = arith.constant 0 : i32
        %dma_wait3A_393 = tpu.memref_slice %arg2[%dma_wait3A_391, %dma_wait3A_392] : memref<160000x128xf32, #tpu.memory_space<hbm>> -> memref<160000x128xf32, #tpu.memory_space<hbm>>
        tpu.wait_indirect_dma semaphore(%arg19 : memref<!tpu.dma_semaphore, #tpu.memory_space<semaphore_mem>>) src(%dma_wait3A_393 : memref<160000x128xf32, #tpu.memory_space<hbm>>) dst(%arg13 : memref<80x128xf32, #tpu.memory_space<vmem>>)
        %dma_start3A_394 = arith.constant 13 : i32
        %dma_start3A_395 = arith.constant 0 : i32
        %dma_start3A_396 = tpu.memref_slice %arg10[%dma_start3A_394, %dma_start3A_395] : memref<25x80xi32, #tpu.memory_space<vmem>> -> memref<1x80xi32, #tpu.memory_space<vmem>>
        %dma_start3A_397 = tpu.memref_squeeze %dma_start3A_396 : memref<1x80xi32, #tpu.memory_space<vmem>> -> memref<80xi32, #tpu.memory_space<vmem>>
        %dma_start3A_398 = arith.constant 0 : i32
        %dma_start3A_399 = arith.constant 0 : i32
        %dma_start3A_400 = tpu.memref_slice %arg15[%dma_start3A_398, %dma_start3A_399] : memref<10112x128xf32, #tpu.memory_space<vmem_shared>> -> memref<10112x128xf32, #tpu.memory_space<vmem_shared>>
        tpu.enqueue_indirect_dma source(%arg13 : memref<80x128xf32, #tpu.memory_space<vmem>>) target(%dma_start3A_400 : memref<10112x128xf32, #tpu.memory_space<vmem_shared>>) offsets(%dma_start3A_397 : memref<80xi32, #tpu.memory_space<vmem>>) semaphore(%arg22 : memref<!tpu.dma_semaphore, #tpu.memory_space<semaphore_mem>>) {add = true}
        %dma_wait3A_401 = arith.constant 13 : i32
        %dma_wait3A_402 = arith.constant 0 : i32
        %dma_wait3A_403 = tpu.memref_slice %arg10[%dma_wait3A_401, %dma_wait3A_402] : memref<25x80xi32, #tpu.memory_space<vmem>> -> memref<1x80xi32, #tpu.memory_space<vmem>>
        %dma_wait3A_404 = tpu.memref_squeeze %dma_wait3A_403 : memref<1x80xi32, #tpu.memory_space<vmem>> -> memref<80xi32, #tpu.memory_space<vmem>>
        %dma_wait3A_405 = arith.constant 0 : i32
        %dma_wait3A_406 = arith.constant 0 : i32
        %dma_wait3A_407 = tpu.memref_slice %arg15[%dma_wait3A_405, %dma_wait3A_406] : memref<10112x128xf32, #tpu.memory_space<vmem_shared>> -> memref<10112x128xf32, #tpu.memory_space<vmem_shared>>
        tpu.wait_indirect_dma semaphore(%arg21 : memref<!tpu.dma_semaphore, #tpu.memory_space<semaphore_mem>>) src(%arg12 : memref<80x128xf32, #tpu.memory_space<vmem>>) dst(%dma_wait3A_407 : memref<10112x128xf32, #tpu.memory_space<vmem_shared>>)
        %dma_start3A_408 = arith.constant 1200 : i32
        %dma_start3A_409 = tpu.memref_slice %arg6[%dma_start3A_408] : memref<2000xi32, #tpu.memory_space<vmem>> -> memref<80xi32, #tpu.memory_space<vmem>>
        %dma_start3A_410 = arith.constant 0 : i32
        %dma_start3A_411 = arith.constant 0 : i32
        %dma_start3A_412 = tpu.memref_slice %arg2[%dma_start3A_410, %dma_start3A_411] : memref<160000x128xf32, #tpu.memory_space<hbm>> -> memref<160000x128xf32, #tpu.memory_space<hbm>>
        tpu.enqueue_indirect_dma source(%dma_start3A_412 : memref<160000x128xf32, #tpu.memory_space<hbm>>) target(%arg12 : memref<80x128xf32, #tpu.memory_space<vmem>>) offsets(%dma_start3A_409 : memref<80xi32, #tpu.memory_space<vmem>>) semaphore(%arg18 : memref<!tpu.dma_semaphore, #tpu.memory_space<semaphore_mem>>)
        %dma_wait3A_413 = arith.constant 1120 : i32
        %dma_wait3A_414 = tpu.memref_slice %arg6[%dma_wait3A_413] : memref<2000xi32, #tpu.memory_space<vmem>> -> memref<80xi32, #tpu.memory_space<vmem>>
        %dma_wait3A_415 = arith.constant 0 : i32
        %dma_wait3A_416 = arith.constant 0 : i32
        %dma_wait3A_417 = tpu.memref_slice %arg2[%dma_wait3A_415, %dma_wait3A_416] : memref<160000x128xf32, #tpu.memory_space<hbm>> -> memref<160000x128xf32, #tpu.memory_space<hbm>>
        tpu.wait_indirect_dma semaphore(%arg20 : memref<!tpu.dma_semaphore, #tpu.memory_space<semaphore_mem>>) src(%dma_wait3A_417 : memref<160000x128xf32, #tpu.memory_space<hbm>>) dst(%arg14 : memref<80x128xf32, #tpu.memory_space<vmem>>)
        %dma_start3A_418 = arith.constant 14 : i32
        %dma_start3A_419 = arith.constant 0 : i32
        %dma_start3A_420 = tpu.memref_slice %arg10[%dma_start3A_418, %dma_start3A_419] : memref<25x80xi32, #tpu.memory_space<vmem>> -> memref<1x80xi32, #tpu.memory_space<vmem>>
        %dma_start3A_421 = tpu.memref_squeeze %dma_start3A_420 : memref<1x80xi32, #tpu.memory_space<vmem>> -> memref<80xi32, #tpu.memory_space<vmem>>
        %dma_start3A_422 = arith.constant 0 : i32
        %dma_start3A_423 = arith.constant 0 : i32
        %dma_start3A_424 = tpu.memref_slice %arg15[%dma_start3A_422, %dma_start3A_423] : memref<10112x128xf32, #tpu.memory_space<vmem_shared>> -> memref<10112x128xf32, #tpu.memory_space<vmem_shared>>
        tpu.enqueue_indirect_dma source(%arg14 : memref<80x128xf32, #tpu.memory_space<vmem>>) target(%dma_start3A_424 : memref<10112x128xf32, #tpu.memory_space<vmem_shared>>) offsets(%dma_start3A_421 : memref<80xi32, #tpu.memory_space<vmem>>) semaphore(%arg23 : memref<!tpu.dma_semaphore, #tpu.memory_space<semaphore_mem>>) {add = true}
        %dma_wait3A_425 = arith.constant 14 : i32
        %dma_wait3A_426 = arith.constant 0 : i32
        %dma_wait3A_427 = tpu.memref_slice %arg10[%dma_wait3A_425, %dma_wait3A_426] : memref<25x80xi32, #tpu.memory_space<vmem>> -> memref<1x80xi32, #tpu.memory_space<vmem>>
        %dma_wait3A_428 = tpu.memref_squeeze %dma_wait3A_427 : memref<1x80xi32, #tpu.memory_space<vmem>> -> memref<80xi32, #tpu.memory_space<vmem>>
        %dma_wait3A_429 = arith.constant 0 : i32
        %dma_wait3A_430 = arith.constant 0 : i32
        %dma_wait3A_431 = tpu.memref_slice %arg15[%dma_wait3A_429, %dma_wait3A_430] : memref<10112x128xf32, #tpu.memory_space<vmem_shared>> -> memref<10112x128xf32, #tpu.memory_space<vmem_shared>>
        tpu.wait_indirect_dma semaphore(%arg22 : memref<!tpu.dma_semaphore, #tpu.memory_space<semaphore_mem>>) src(%arg13 : memref<80x128xf32, #tpu.memory_space<vmem>>) dst(%dma_wait3A_431 : memref<10112x128xf32, #tpu.memory_space<vmem_shared>>)
        %dma_start3A_432 = arith.constant 1280 : i32
        %dma_start3A_433 = tpu.memref_slice %arg6[%dma_start3A_432] : memref<2000xi32, #tpu.memory_space<vmem>> -> memref<80xi32, #tpu.memory_space<vmem>>
        %dma_start3A_434 = arith.constant 0 : i32
        %dma_start3A_435 = arith.constant 0 : i32
        %dma_start3A_436 = tpu.memref_slice %arg2[%dma_start3A_434, %dma_start3A_435] : memref<160000x128xf32, #tpu.memory_space<hbm>> -> memref<160000x128xf32, #tpu.memory_space<hbm>>
        tpu.enqueue_indirect_dma source(%dma_start3A_436 : memref<160000x128xf32, #tpu.memory_space<hbm>>) target(%arg13 : memref<80x128xf32, #tpu.memory_space<vmem>>) offsets(%dma_start3A_433 : memref<80xi32, #tpu.memory_space<vmem>>) semaphore(%arg19 : memref<!tpu.dma_semaphore, #tpu.memory_space<semaphore_mem>>)
        %dma_wait3A_437 = arith.constant 1200 : i32
        %dma_wait3A_438 = tpu.memref_slice %arg6[%dma_wait3A_437] : memref<2000xi32, #tpu.memory_space<vmem>> -> memref<80xi32, #tpu.memory_space<vmem>>
        %dma_wait3A_439 = arith.constant 0 : i32
        %dma_wait3A_440 = arith.constant 0 : i32
        %dma_wait3A_441 = tpu.memref_slice %arg2[%dma_wait3A_439, %dma_wait3A_440] : memref<160000x128xf32, #tpu.memory_space<hbm>> -> memref<160000x128xf32, #tpu.memory_space<hbm>>
        tpu.wait_indirect_dma semaphore(%arg18 : memref<!tpu.dma_semaphore, #tpu.memory_space<semaphore_mem>>) src(%dma_wait3A_441 : memref<160000x128xf32, #tpu.memory_space<hbm>>) dst(%arg12 : memref<80x128xf32, #tpu.memory_space<vmem>>)
        %dma_start3A_442 = arith.constant 15 : i32
        %dma_start3A_443 = arith.constant 0 : i32
        %dma_start3A_444 = tpu.memref_slice %arg10[%dma_start3A_442, %dma_start3A_443] : memref<25x80xi32, #tpu.memory_space<vmem>> -> memref<1x80xi32, #tpu.memory_space<vmem>>
        %dma_start3A_445 = tpu.memref_squeeze %dma_start3A_444 : memref<1x80xi32, #tpu.memory_space<vmem>> -> memref<80xi32, #tpu.memory_space<vmem>>
        %dma_start3A_446 = arith.constant 0 : i32
        %dma_start3A_447 = arith.constant 0 : i32
        %dma_start3A_448 = tpu.memref_slice %arg15[%dma_start3A_446, %dma_start3A_447] : memref<10112x128xf32, #tpu.memory_space<vmem_shared>> -> memref<10112x128xf32, #tpu.memory_space<vmem_shared>>
        tpu.enqueue_indirect_dma source(%arg12 : memref<80x128xf32, #tpu.memory_space<vmem>>) target(%dma_start3A_448 : memref<10112x128xf32, #tpu.memory_space<vmem_shared>>) offsets(%dma_start3A_445 : memref<80xi32, #tpu.memory_space<vmem>>) semaphore(%arg21 : memref<!tpu.dma_semaphore, #tpu.memory_space<semaphore_mem>>) {add = true}
        %dma_wait3A_449 = arith.constant 15 : i32
        %dma_wait3A_450 = arith.constant 0 : i32
        %dma_wait3A_451 = tpu.memref_slice %arg10[%dma_wait3A_449, %dma_wait3A_450] : memref<25x80xi32, #tpu.memory_space<vmem>> -> memref<1x80xi32, #tpu.memory_space<vmem>>
        %dma_wait3A_452 = tpu.memref_squeeze %dma_wait3A_451 : memref<1x80xi32, #tpu.memory_space<vmem>> -> memref<80xi32, #tpu.memory_space<vmem>>
        %dma_wait3A_453 = arith.constant 0 : i32
        %dma_wait3A_454 = arith.constant 0 : i32
        %dma_wait3A_455 = tpu.memref_slice %arg15[%dma_wait3A_453, %dma_wait3A_454] : memref<10112x128xf32, #tpu.memory_space<vmem_shared>> -> memref<10112x128xf32, #tpu.memory_space<vmem_shared>>
        tpu.wait_indirect_dma semaphore(%arg23 : memref<!tpu.dma_semaphore, #tpu.memory_space<semaphore_mem>>) src(%arg14 : memref<80x128xf32, #tpu.memory_space<vmem>>) dst(%dma_wait3A_455 : memref<10112x128xf32, #tpu.memory_space<vmem_shared>>)
        %dma_start3A_456 = arith.constant 1360 : i32
        %dma_start3A_457 = tpu.memref_slice %arg6[%dma_start3A_456] : memref<2000xi32, #tpu.memory_space<vmem>> -> memref<80xi32, #tpu.memory_space<vmem>>
        %dma_start3A_458 = arith.constant 0 : i32
        %dma_start3A_459 = arith.constant 0 : i32
        %dma_start3A_460 = tpu.memref_slice %arg2[%dma_start3A_458, %dma_start3A_459] : memref<160000x128xf32, #tpu.memory_space<hbm>> -> memref<160000x128xf32, #tpu.memory_space<hbm>>
        tpu.enqueue_indirect_dma source(%dma_start3A_460 : memref<160000x128xf32, #tpu.memory_space<hbm>>) target(%arg14 : memref<80x128xf32, #tpu.memory_space<vmem>>) offsets(%dma_start3A_457 : memref<80xi32, #tpu.memory_space<vmem>>) semaphore(%arg20 : memref<!tpu.dma_semaphore, #tpu.memory_space<semaphore_mem>>)
        %dma_wait3A_461 = arith.constant 1280 : i32
        %dma_wait3A_462 = tpu.memref_slice %arg6[%dma_wait3A_461] : memref<2000xi32, #tpu.memory_space<vmem>> -> memref<80xi32, #tpu.memory_space<vmem>>
        %dma_wait3A_463 = arith.constant 0 : i32
        %dma_wait3A_464 = arith.constant 0 : i32
        %dma_wait3A_465 = tpu.memref_slice %arg2[%dma_wait3A_463, %dma_wait3A_464] : memref<160000x128xf32, #tpu.memory_space<hbm>> -> memref<160000x128xf32, #tpu.memory_space<hbm>>
        tpu.wait_indirect_dma semaphore(%arg19 : memref<!tpu.dma_semaphore, #tpu.memory_space<semaphore_mem>>) src(%dma_wait3A_465 : memref<160000x128xf32, #tpu.memory_space<hbm>>) dst(%arg13 : memref<80x128xf32, #tpu.memory_space<vmem>>)
        %dma_start3A_466 = arith.constant 16 : i32
        %dma_start3A_467 = arith.constant 0 : i32
        %dma_start3A_468 = tpu.memref_slice %arg10[%dma_start3A_466, %dma_start3A_467] : memref<25x80xi32, #tpu.memory_space<vmem>> -> memref<1x80xi32, #tpu.memory_space<vmem>>
        %dma_start3A_469 = tpu.memref_squeeze %dma_start3A_468 : memref<1x80xi32, #tpu.memory_space<vmem>> -> memref<80xi32, #tpu.memory_space<vmem>>
        %dma_start3A_470 = arith.constant 0 : i32
        %dma_start3A_471 = arith.constant 0 : i32
        %dma_start3A_472 = tpu.memref_slice %arg15[%dma_start3A_470, %dma_start3A_471] : memref<10112x128xf32, #tpu.memory_space<vmem_shared>> -> memref<10112x128xf32, #tpu.memory_space<vmem_shared>>
        tpu.enqueue_indirect_dma source(%arg13 : memref<80x128xf32, #tpu.memory_space<vmem>>) target(%dma_start3A_472 : memref<10112x128xf32, #tpu.memory_space<vmem_shared>>) offsets(%dma_start3A_469 : memref<80xi32, #tpu.memory_space<vmem>>) semaphore(%arg22 : memref<!tpu.dma_semaphore, #tpu.memory_space<semaphore_mem>>) {add = true}
        %dma_wait3A_473 = arith.constant 16 : i32
        %dma_wait3A_474 = arith.constant 0 : i32
        %dma_wait3A_475 = tpu.memref_slice %arg10[%dma_wait3A_473, %dma_wait3A_474] : memref<25x80xi32, #tpu.memory_space<vmem>> -> memref<1x80xi32, #tpu.memory_space<vmem>>
        %dma_wait3A_476 = tpu.memref_squeeze %dma_wait3A_475 : memref<1x80xi32, #tpu.memory_space<vmem>> -> memref<80xi32, #tpu.memory_space<vmem>>
        %dma_wait3A_477 = arith.constant 0 : i32
        %dma_wait3A_478 = arith.constant 0 : i32
        %dma_wait3A_479 = tpu.memref_slice %arg15[%dma_wait3A_477, %dma_wait3A_478] : memref<10112x128xf32, #tpu.memory_space<vmem_shared>> -> memref<10112x128xf32, #tpu.memory_space<vmem_shared>>
        tpu.wait_indirect_dma semaphore(%arg21 : memref<!tpu.dma_semaphore, #tpu.memory_space<semaphore_mem>>) src(%arg12 : memref<80x128xf32, #tpu.memory_space<vmem>>) dst(%dma_wait3A_479 : memref<10112x128xf32, #tpu.memory_space<vmem_shared>>)
        %dma_start3A_480 = arith.constant 1440 : i32
        %dma_start3A_481 = tpu.memref_slice %arg6[%dma_start3A_480] : memref<2000xi32, #tpu.memory_space<vmem>> -> memref<80xi32, #tpu.memory_space<vmem>>
        %dma_start3A_482 = arith.constant 0 : i32
        %dma_start3A_483 = arith.constant 0 : i32
        %dma_start3A_484 = tpu.memref_slice %arg2[%dma_start3A_482, %dma_start3A_483] : memref<160000x128xf32, #tpu.memory_space<hbm>> -> memref<160000x128xf32, #tpu.memory_space<hbm>>
        tpu.enqueue_indirect_dma source(%dma_start3A_484 : memref<160000x128xf32, #tpu.memory_space<hbm>>) target(%arg12 : memref<80x128xf32, #tpu.memory_space<vmem>>) offsets(%dma_start3A_481 : memref<80xi32, #tpu.memory_space<vmem>>) semaphore(%arg18 : memref<!tpu.dma_semaphore, #tpu.memory_space<semaphore_mem>>)
        %dma_wait3A_485 = arith.constant 1360 : i32
        %dma_wait3A_486 = tpu.memref_slice %arg6[%dma_wait3A_485] : memref<2000xi32, #tpu.memory_space<vmem>> -> memref<80xi32, #tpu.memory_space<vmem>>
        %dma_wait3A_487 = arith.constant 0 : i32
        %dma_wait3A_488 = arith.constant 0 : i32
        %dma_wait3A_489 = tpu.memref_slice %arg2[%dma_wait3A_487, %dma_wait3A_488] : memref<160000x128xf32, #tpu.memory_space<hbm>> -> memref<160000x128xf32, #tpu.memory_space<hbm>>
        tpu.wait_indirect_dma semaphore(%arg20 : memref<!tpu.dma_semaphore, #tpu.memory_space<semaphore_mem>>) src(%dma_wait3A_489 : memref<160000x128xf32, #tpu.memory_space<hbm>>) dst(%arg14 : memref<80x128xf32, #tpu.memory_space<vmem>>)
        %dma_start3A_490 = arith.constant 17 : i32
        %dma_start3A_491 = arith.constant 0 : i32
        %dma_start3A_492 = tpu.memref_slice %arg10[%dma_start3A_490, %dma_start3A_491] : memref<25x80xi32, #tpu.memory_space<vmem>> -> memref<1x80xi32, #tpu.memory_space<vmem>>
        %dma_start3A_493 = tpu.memref_squeeze %dma_start3A_492 : memref<1x80xi32, #tpu.memory_space<vmem>> -> memref<80xi32, #tpu.memory_space<vmem>>
        %dma_start3A_494 = arith.constant 0 : i32
        %dma_start3A_495 = arith.constant 0 : i32
        %dma_start3A_496 = tpu.memref_slice %arg15[%dma_start3A_494, %dma_start3A_495] : memref<10112x128xf32, #tpu.memory_space<vmem_shared>> -> memref<10112x128xf32, #tpu.memory_space<vmem_shared>>
        tpu.enqueue_indirect_dma source(%arg14 : memref<80x128xf32, #tpu.memory_space<vmem>>) target(%dma_start3A_496 : memref<10112x128xf32, #tpu.memory_space<vmem_shared>>) offsets(%dma_start3A_493 : memref<80xi32, #tpu.memory_space<vmem>>) semaphore(%arg23 : memref<!tpu.dma_semaphore, #tpu.memory_space<semaphore_mem>>) {add = true}
        %dma_wait3A_497 = arith.constant 17 : i32
        %dma_wait3A_498 = arith.constant 0 : i32
        %dma_wait3A_499 = tpu.memref_slice %arg10[%dma_wait3A_497, %dma_wait3A_498] : memref<25x80xi32, #tpu.memory_space<vmem>> -> memref<1x80xi32, #tpu.memory_space<vmem>>
        %dma_wait3A_500 = tpu.memref_squeeze %dma_wait3A_499 : memref<1x80xi32, #tpu.memory_space<vmem>> -> memref<80xi32, #tpu.memory_space<vmem>>
        %dma_wait3A_501 = arith.constant 0 : i32
        %dma_wait3A_502 = arith.constant 0 : i32
        %dma_wait3A_503 = tpu.memref_slice %arg15[%dma_wait3A_501, %dma_wait3A_502] : memref<10112x128xf32, #tpu.memory_space<vmem_shared>> -> memref<10112x128xf32, #tpu.memory_space<vmem_shared>>
        tpu.wait_indirect_dma semaphore(%arg22 : memref<!tpu.dma_semaphore, #tpu.memory_space<semaphore_mem>>) src(%arg13 : memref<80x128xf32, #tpu.memory_space<vmem>>) dst(%dma_wait3A_503 : memref<10112x128xf32, #tpu.memory_space<vmem_shared>>)
        %dma_start3A_504 = arith.constant 1520 : i32
        %dma_start3A_505 = tpu.memref_slice %arg6[%dma_start3A_504] : memref<2000xi32, #tpu.memory_space<vmem>> -> memref<80xi32, #tpu.memory_space<vmem>>
        %dma_start3A_506 = arith.constant 0 : i32
        %dma_start3A_507 = arith.constant 0 : i32
        %dma_start3A_508 = tpu.memref_slice %arg2[%dma_start3A_506, %dma_start3A_507] : memref<160000x128xf32, #tpu.memory_space<hbm>> -> memref<160000x128xf32, #tpu.memory_space<hbm>>
        tpu.enqueue_indirect_dma source(%dma_start3A_508 : memref<160000x128xf32, #tpu.memory_space<hbm>>) target(%arg13 : memref<80x128xf32, #tpu.memory_space<vmem>>) offsets(%dma_start3A_505 : memref<80xi32, #tpu.memory_space<vmem>>) semaphore(%arg19 : memref<!tpu.dma_semaphore, #tpu.memory_space<semaphore_mem>>)
        %dma_wait3A_509 = arith.constant 1440 : i32
        %dma_wait3A_510 = tpu.memref_slice %arg6[%dma_wait3A_509] : memref<2000xi32, #tpu.memory_space<vmem>> -> memref<80xi32, #tpu.memory_space<vmem>>
        %dma_wait3A_511 = arith.constant 0 : i32
        %dma_wait3A_512 = arith.constant 0 : i32
        %dma_wait3A_513 = tpu.memref_slice %arg2[%dma_wait3A_511, %dma_wait3A_512] : memref<160000x128xf32, #tpu.memory_space<hbm>> -> memref<160000x128xf32, #tpu.memory_space<hbm>>
        tpu.wait_indirect_dma semaphore(%arg18 : memref<!tpu.dma_semaphore, #tpu.memory_space<semaphore_mem>>) src(%dma_wait3A_513 : memref<160000x128xf32, #tpu.memory_space<hbm>>) dst(%arg12 : memref<80x128xf32, #tpu.memory_space<vmem>>)
        %dma_start3A_514 = arith.constant 18 : i32
        %dma_start3A_515 = arith.constant 0 : i32
        %dma_start3A_516 = tpu.memref_slice %arg10[%dma_start3A_514, %dma_start3A_515] : memref<25x80xi32, #tpu.memory_space<vmem>> -> memref<1x80xi32, #tpu.memory_space<vmem>>
        %dma_start3A_517 = tpu.memref_squeeze %dma_start3A_516 : memref<1x80xi32, #tpu.memory_space<vmem>> -> memref<80xi32, #tpu.memory_space<vmem>>
        %dma_start3A_518 = arith.constant 0 : i32
        %dma_start3A_519 = arith.constant 0 : i32
        %dma_start3A_520 = tpu.memref_slice %arg15[%dma_start3A_518, %dma_start3A_519] : memref<10112x128xf32, #tpu.memory_space<vmem_shared>> -> memref<10112x128xf32, #tpu.memory_space<vmem_shared>>
        tpu.enqueue_indirect_dma source(%arg12 : memref<80x128xf32, #tpu.memory_space<vmem>>) target(%dma_start3A_520 : memref<10112x128xf32, #tpu.memory_space<vmem_shared>>) offsets(%dma_start3A_517 : memref<80xi32, #tpu.memory_space<vmem>>) semaphore(%arg21 : memref<!tpu.dma_semaphore, #tpu.memory_space<semaphore_mem>>) {add = true}
        %dma_wait3A_521 = arith.constant 18 : i32
        %dma_wait3A_522 = arith.constant 0 : i32
        %dma_wait3A_523 = tpu.memref_slice %arg10[%dma_wait3A_521, %dma_wait3A_522] : memref<25x80xi32, #tpu.memory_space<vmem>> -> memref<1x80xi32, #tpu.memory_space<vmem>>
        %dma_wait3A_524 = tpu.memref_squeeze %dma_wait3A_523 : memref<1x80xi32, #tpu.memory_space<vmem>> -> memref<80xi32, #tpu.memory_space<vmem>>
        %dma_wait3A_525 = arith.constant 0 : i32
        %dma_wait3A_526 = arith.constant 0 : i32
        %dma_wait3A_527 = tpu.memref_slice %arg15[%dma_wait3A_525, %dma_wait3A_526] : memref<10112x128xf32, #tpu.memory_space<vmem_shared>> -> memref<10112x128xf32, #tpu.memory_space<vmem_shared>>
        tpu.wait_indirect_dma semaphore(%arg23 : memref<!tpu.dma_semaphore, #tpu.memory_space<semaphore_mem>>) src(%arg14 : memref<80x128xf32, #tpu.memory_space<vmem>>) dst(%dma_wait3A_527 : memref<10112x128xf32, #tpu.memory_space<vmem_shared>>)
        %dma_start3A_528 = arith.constant 1600 : i32
        %dma_start3A_529 = tpu.memref_slice %arg6[%dma_start3A_528] : memref<2000xi32, #tpu.memory_space<vmem>> -> memref<80xi32, #tpu.memory_space<vmem>>
        %dma_start3A_530 = arith.constant 0 : i32
        %dma_start3A_531 = arith.constant 0 : i32
        %dma_start3A_532 = tpu.memref_slice %arg2[%dma_start3A_530, %dma_start3A_531] : memref<160000x128xf32, #tpu.memory_space<hbm>> -> memref<160000x128xf32, #tpu.memory_space<hbm>>
        tpu.enqueue_indirect_dma source(%dma_start3A_532 : memref<160000x128xf32, #tpu.memory_space<hbm>>) target(%arg14 : memref<80x128xf32, #tpu.memory_space<vmem>>) offsets(%dma_start3A_529 : memref<80xi32, #tpu.memory_space<vmem>>) semaphore(%arg20 : memref<!tpu.dma_semaphore, #tpu.memory_space<semaphore_mem>>)
        %dma_wait3A_533 = arith.constant 1520 : i32
        %dma_wait3A_534 = tpu.memref_slice %arg6[%dma_wait3A_533] : memref<2000xi32, #tpu.memory_space<vmem>> -> memref<80xi32, #tpu.memory_space<vmem>>
        %dma_wait3A_535 = arith.constant 0 : i32
        %dma_wait3A_536 = arith.constant 0 : i32
        %dma_wait3A_537 = tpu.memref_slice %arg2[%dma_wait3A_535, %dma_wait3A_536] : memref<160000x128xf32, #tpu.memory_space<hbm>> -> memref<160000x128xf32, #tpu.memory_space<hbm>>
        tpu.wait_indirect_dma semaphore(%arg19 : memref<!tpu.dma_semaphore, #tpu.memory_space<semaphore_mem>>) src(%dma_wait3A_537 : memref<160000x128xf32, #tpu.memory_space<hbm>>) dst(%arg13 : memref<80x128xf32, #tpu.memory_space<vmem>>)
        %dma_start3A_538 = arith.constant 19 : i32
        %dma_start3A_539 = arith.constant 0 : i32
        %dma_start3A_540 = tpu.memref_slice %arg10[%dma_start3A_538, %dma_start3A_539] : memref<25x80xi32, #tpu.memory_space<vmem>> -> memref<1x80xi32, #tpu.memory_space<vmem>>
        %dma_start3A_541 = tpu.memref_squeeze %dma_start3A_540 : memref<1x80xi32, #tpu.memory_space<vmem>> -> memref<80xi32, #tpu.memory_space<vmem>>
        %dma_start3A_542 = arith.constant 0 : i32
        %dma_start3A_543 = arith.constant 0 : i32
        %dma_start3A_544 = tpu.memref_slice %arg15[%dma_start3A_542, %dma_start3A_543] : memref<10112x128xf32, #tpu.memory_space<vmem_shared>> -> memref<10112x128xf32, #tpu.memory_space<vmem_shared>>
        tpu.enqueue_indirect_dma source(%arg13 : memref<80x128xf32, #tpu.memory_space<vmem>>) target(%dma_start3A_544 : memref<10112x128xf32, #tpu.memory_space<vmem_shared>>) offsets(%dma_start3A_541 : memref<80xi32, #tpu.memory_space<vmem>>) semaphore(%arg22 : memref<!tpu.dma_semaphore, #tpu.memory_space<semaphore_mem>>) {add = true}
        %dma_wait3A_545 = arith.constant 19 : i32
        %dma_wait3A_546 = arith.constant 0 : i32
        %dma_wait3A_547 = tpu.memref_slice %arg10[%dma_wait3A_545, %dma_wait3A_546] : memref<25x80xi32, #tpu.memory_space<vmem>> -> memref<1x80xi32, #tpu.memory_space<vmem>>
        %dma_wait3A_548 = tpu.memref_squeeze %dma_wait3A_547 : memref<1x80xi32, #tpu.memory_space<vmem>> -> memref<80xi32, #tpu.memory_space<vmem>>
        %dma_wait3A_549 = arith.constant 0 : i32
        %dma_wait3A_550 = arith.constant 0 : i32
        %dma_wait3A_551 = tpu.memref_slice %arg15[%dma_wait3A_549, %dma_wait3A_550] : memref<10112x128xf32, #tpu.memory_space<vmem_shared>> -> memref<10112x128xf32, #tpu.memory_space<vmem_shared>>
        tpu.wait_indirect_dma semaphore(%arg21 : memref<!tpu.dma_semaphore, #tpu.memory_space<semaphore_mem>>) src(%arg12 : memref<80x128xf32, #tpu.memory_space<vmem>>) dst(%dma_wait3A_551 : memref<10112x128xf32, #tpu.memory_space<vmem_shared>>)
        %dma_start3A_552 = arith.constant 1680 : i32
        %dma_start3A_553 = tpu.memref_slice %arg6[%dma_start3A_552] : memref<2000xi32, #tpu.memory_space<vmem>> -> memref<80xi32, #tpu.memory_space<vmem>>
        %dma_start3A_554 = arith.constant 0 : i32
        %dma_start3A_555 = arith.constant 0 : i32
        %dma_start3A_556 = tpu.memref_slice %arg2[%dma_start3A_554, %dma_start3A_555] : memref<160000x128xf32, #tpu.memory_space<hbm>> -> memref<160000x128xf32, #tpu.memory_space<hbm>>
        tpu.enqueue_indirect_dma source(%dma_start3A_556 : memref<160000x128xf32, #tpu.memory_space<hbm>>) target(%arg12 : memref<80x128xf32, #tpu.memory_space<vmem>>) offsets(%dma_start3A_553 : memref<80xi32, #tpu.memory_space<vmem>>) semaphore(%arg18 : memref<!tpu.dma_semaphore, #tpu.memory_space<semaphore_mem>>)
        %dma_wait3A_557 = arith.constant 1600 : i32
        %dma_wait3A_558 = tpu.memref_slice %arg6[%dma_wait3A_557] : memref<2000xi32, #tpu.memory_space<vmem>> -> memref<80xi32, #tpu.memory_space<vmem>>
        %dma_wait3A_559 = arith.constant 0 : i32
        %dma_wait3A_560 = arith.constant 0 : i32
        %dma_wait3A_561 = tpu.memref_slice %arg2[%dma_wait3A_559, %dma_wait3A_560] : memref<160000x128xf32, #tpu.memory_space<hbm>> -> memref<160000x128xf32, #tpu.memory_space<hbm>>
        tpu.wait_indirect_dma semaphore(%arg20 : memref<!tpu.dma_semaphore, #tpu.memory_space<semaphore_mem>>) src(%dma_wait3A_561 : memref<160000x128xf32, #tpu.memory_space<hbm>>) dst(%arg14 : memref<80x128xf32, #tpu.memory_space<vmem>>)
        %dma_start3A_562 = arith.constant 20 : i32
        %dma_start3A_563 = arith.constant 0 : i32
        %dma_start3A_564 = tpu.memref_slice %arg10[%dma_start3A_562, %dma_start3A_563] : memref<25x80xi32, #tpu.memory_space<vmem>> -> memref<1x80xi32, #tpu.memory_space<vmem>>
        %dma_start3A_565 = tpu.memref_squeeze %dma_start3A_564 : memref<1x80xi32, #tpu.memory_space<vmem>> -> memref<80xi32, #tpu.memory_space<vmem>>
        %dma_start3A_566 = arith.constant 0 : i32
        %dma_start3A_567 = arith.constant 0 : i32
        %dma_start3A_568 = tpu.memref_slice %arg15[%dma_start3A_566, %dma_start3A_567] : memref<10112x128xf32, #tpu.memory_space<vmem_shared>> -> memref<10112x128xf32, #tpu.memory_space<vmem_shared>>
        tpu.enqueue_indirect_dma source(%arg14 : memref<80x128xf32, #tpu.memory_space<vmem>>) target(%dma_start3A_568 : memref<10112x128xf32, #tpu.memory_space<vmem_shared>>) offsets(%dma_start3A_565 : memref<80xi32, #tpu.memory_space<vmem>>) semaphore(%arg23 : memref<!tpu.dma_semaphore, #tpu.memory_space<semaphore_mem>>) {add = true}
        %dma_wait3A_569 = arith.constant 20 : i32
        %dma_wait3A_570 = arith.constant 0 : i32
        %dma_wait3A_571 = tpu.memref_slice %arg10[%dma_wait3A_569, %dma_wait3A_570] : memref<25x80xi32, #tpu.memory_space<vmem>> -> memref<1x80xi32, #tpu.memory_space<vmem>>
        %dma_wait3A_572 = tpu.memref_squeeze %dma_wait3A_571 : memref<1x80xi32, #tpu.memory_space<vmem>> -> memref<80xi32, #tpu.memory_space<vmem>>
        %dma_wait3A_573 = arith.constant 0 : i32
        %dma_wait3A_574 = arith.constant 0 : i32
        %dma_wait3A_575 = tpu.memref_slice %arg15[%dma_wait3A_573, %dma_wait3A_574] : memref<10112x128xf32, #tpu.memory_space<vmem_shared>> -> memref<10112x128xf32, #tpu.memory_space<vmem_shared>>
        tpu.wait_indirect_dma semaphore(%arg22 : memref<!tpu.dma_semaphore, #tpu.memory_space<semaphore_mem>>) src(%arg13 : memref<80x128xf32, #tpu.memory_space<vmem>>) dst(%dma_wait3A_575 : memref<10112x128xf32, #tpu.memory_space<vmem_shared>>)
        %dma_start3A_576 = arith.constant 1760 : i32
        %dma_start3A_577 = tpu.memref_slice %arg6[%dma_start3A_576] : memref<2000xi32, #tpu.memory_space<vmem>> -> memref<80xi32, #tpu.memory_space<vmem>>
        %dma_start3A_578 = arith.constant 0 : i32
        %dma_start3A_579 = arith.constant 0 : i32
        %dma_start3A_580 = tpu.memref_slice %arg2[%dma_start3A_578, %dma_start3A_579] : memref<160000x128xf32, #tpu.memory_space<hbm>> -> memref<160000x128xf32, #tpu.memory_space<hbm>>
        tpu.enqueue_indirect_dma source(%dma_start3A_580 : memref<160000x128xf32, #tpu.memory_space<hbm>>) target(%arg13 : memref<80x128xf32, #tpu.memory_space<vmem>>) offsets(%dma_start3A_577 : memref<80xi32, #tpu.memory_space<vmem>>) semaphore(%arg19 : memref<!tpu.dma_semaphore, #tpu.memory_space<semaphore_mem>>)
        %dma_wait3A_581 = arith.constant 1680 : i32
        %dma_wait3A_582 = tpu.memref_slice %arg6[%dma_wait3A_581] : memref<2000xi32, #tpu.memory_space<vmem>> -> memref<80xi32, #tpu.memory_space<vmem>>
        %dma_wait3A_583 = arith.constant 0 : i32
        %dma_wait3A_584 = arith.constant 0 : i32
        %dma_wait3A_585 = tpu.memref_slice %arg2[%dma_wait3A_583, %dma_wait3A_584] : memref<160000x128xf32, #tpu.memory_space<hbm>> -> memref<160000x128xf32, #tpu.memory_space<hbm>>
        tpu.wait_indirect_dma semaphore(%arg18 : memref<!tpu.dma_semaphore, #tpu.memory_space<semaphore_mem>>) src(%dma_wait3A_585 : memref<160000x128xf32, #tpu.memory_space<hbm>>) dst(%arg12 : memref<80x128xf32, #tpu.memory_space<vmem>>)
        %dma_start3A_586 = arith.constant 21 : i32
        %dma_start3A_587 = arith.constant 0 : i32
        %dma_start3A_588 = tpu.memref_slice %arg10[%dma_start3A_586, %dma_start3A_587] : memref<25x80xi32, #tpu.memory_space<vmem>> -> memref<1x80xi32, #tpu.memory_space<vmem>>
        %dma_start3A_589 = tpu.memref_squeeze %dma_start3A_588 : memref<1x80xi32, #tpu.memory_space<vmem>> -> memref<80xi32, #tpu.memory_space<vmem>>
        %dma_start3A_590 = arith.constant 0 : i32
        %dma_start3A_591 = arith.constant 0 : i32
        %dma_start3A_592 = tpu.memref_slice %arg15[%dma_start3A_590, %dma_start3A_591] : memref<10112x128xf32, #tpu.memory_space<vmem_shared>> -> memref<10112x128xf32, #tpu.memory_space<vmem_shared>>
        tpu.enqueue_indirect_dma source(%arg12 : memref<80x128xf32, #tpu.memory_space<vmem>>) target(%dma_start3A_592 : memref<10112x128xf32, #tpu.memory_space<vmem_shared>>) offsets(%dma_start3A_589 : memref<80xi32, #tpu.memory_space<vmem>>) semaphore(%arg21 : memref<!tpu.dma_semaphore, #tpu.memory_space<semaphore_mem>>) {add = true}
        %dma_wait3A_593 = arith.constant 21 : i32
        %dma_wait3A_594 = arith.constant 0 : i32
        %dma_wait3A_595 = tpu.memref_slice %arg10[%dma_wait3A_593, %dma_wait3A_594] : memref<25x80xi32, #tpu.memory_space<vmem>> -> memref<1x80xi32, #tpu.memory_space<vmem>>
        %dma_wait3A_596 = tpu.memref_squeeze %dma_wait3A_595 : memref<1x80xi32, #tpu.memory_space<vmem>> -> memref<80xi32, #tpu.memory_space<vmem>>
        %dma_wait3A_597 = arith.constant 0 : i32
        %dma_wait3A_598 = arith.constant 0 : i32
        %dma_wait3A_599 = tpu.memref_slice %arg15[%dma_wait3A_597, %dma_wait3A_598] : memref<10112x128xf32, #tpu.memory_space<vmem_shared>> -> memref<10112x128xf32, #tpu.memory_space<vmem_shared>>
        tpu.wait_indirect_dma semaphore(%arg23 : memref<!tpu.dma_semaphore, #tpu.memory_space<semaphore_mem>>) src(%arg14 : memref<80x128xf32, #tpu.memory_space<vmem>>) dst(%dma_wait3A_599 : memref<10112x128xf32, #tpu.memory_space<vmem_shared>>)
        %dma_start3A_600 = arith.constant 1840 : i32
        %dma_start3A_601 = tpu.memref_slice %arg6[%dma_start3A_600] : memref<2000xi32, #tpu.memory_space<vmem>> -> memref<80xi32, #tpu.memory_space<vmem>>
        %dma_start3A_602 = arith.constant 0 : i32
        %dma_start3A_603 = arith.constant 0 : i32
        %dma_start3A_604 = tpu.memref_slice %arg2[%dma_start3A_602, %dma_start3A_603] : memref<160000x128xf32, #tpu.memory_space<hbm>> -> memref<160000x128xf32, #tpu.memory_space<hbm>>
        tpu.enqueue_indirect_dma source(%dma_start3A_604 : memref<160000x128xf32, #tpu.memory_space<hbm>>) target(%arg14 : memref<80x128xf32, #tpu.memory_space<vmem>>) offsets(%dma_start3A_601 : memref<80xi32, #tpu.memory_space<vmem>>) semaphore(%arg20 : memref<!tpu.dma_semaphore, #tpu.memory_space<semaphore_mem>>)
        %dma_wait3A_605 = arith.constant 1760 : i32
        %dma_wait3A_606 = tpu.memref_slice %arg6[%dma_wait3A_605] : memref<2000xi32, #tpu.memory_space<vmem>> -> memref<80xi32, #tpu.memory_space<vmem>>
        %dma_wait3A_607 = arith.constant 0 : i32
        %dma_wait3A_608 = arith.constant 0 : i32
        %dma_wait3A_609 = tpu.memref_slice %arg2[%dma_wait3A_607, %dma_wait3A_608] : memref<160000x128xf32, #tpu.memory_space<hbm>> -> memref<160000x128xf32, #tpu.memory_space<hbm>>
        tpu.wait_indirect_dma semaphore(%arg19 : memref<!tpu.dma_semaphore, #tpu.memory_space<semaphore_mem>>) src(%dma_wait3A_609 : memref<160000x128xf32, #tpu.memory_space<hbm>>) dst(%arg13 : memref<80x128xf32, #tpu.memory_space<vmem>>)
        %dma_start3A_610 = arith.constant 22 : i32
        %dma_start3A_611 = arith.constant 0 : i32
        %dma_start3A_612 = tpu.memref_slice %arg10[%dma_start3A_610, %dma_start3A_611] : memref<25x80xi32, #tpu.memory_space<vmem>> -> memref<1x80xi32, #tpu.memory_space<vmem>>
        %dma_start3A_613 = tpu.memref_squeeze %dma_start3A_612 : memref<1x80xi32, #tpu.memory_space<vmem>> -> memref<80xi32, #tpu.memory_space<vmem>>
        %dma_start3A_614 = arith.constant 0 : i32
        %dma_start3A_615 = arith.constant 0 : i32
        %dma_start3A_616 = tpu.memref_slice %arg15[%dma_start3A_614, %dma_start3A_615] : memref<10112x128xf32, #tpu.memory_space<vmem_shared>> -> memref<10112x128xf32, #tpu.memory_space<vmem_shared>>
        tpu.enqueue_indirect_dma source(%arg13 : memref<80x128xf32, #tpu.memory_space<vmem>>) target(%dma_start3A_616 : memref<10112x128xf32, #tpu.memory_space<vmem_shared>>) offsets(%dma_start3A_613 : memref<80xi32, #tpu.memory_space<vmem>>) semaphore(%arg22 : memref<!tpu.dma_semaphore, #tpu.memory_space<semaphore_mem>>) {add = true}
        %dma_wait3A_617 = arith.constant 22 : i32
        %dma_wait3A_618 = arith.constant 0 : i32
        %dma_wait3A_619 = tpu.memref_slice %arg10[%dma_wait3A_617, %dma_wait3A_618] : memref<25x80xi32, #tpu.memory_space<vmem>> -> memref<1x80xi32, #tpu.memory_space<vmem>>
        %dma_wait3A_620 = tpu.memref_squeeze %dma_wait3A_619 : memref<1x80xi32, #tpu.memory_space<vmem>> -> memref<80xi32, #tpu.memory_space<vmem>>
        %dma_wait3A_621 = arith.constant 0 : i32
        %dma_wait3A_622 = arith.constant 0 : i32
        %dma_wait3A_623 = tpu.memref_slice %arg15[%dma_wait3A_621, %dma_wait3A_622] : memref<10112x128xf32, #tpu.memory_space<vmem_shared>> -> memref<10112x128xf32, #tpu.memory_space<vmem_shared>>
        tpu.wait_indirect_dma semaphore(%arg21 : memref<!tpu.dma_semaphore, #tpu.memory_space<semaphore_mem>>) src(%arg12 : memref<80x128xf32, #tpu.memory_space<vmem>>) dst(%dma_wait3A_623 : memref<10112x128xf32, #tpu.memory_space<vmem_shared>>)
        %dma_start3A_624 = arith.constant 1920 : i32
        %dma_start3A_625 = tpu.memref_slice %arg6[%dma_start3A_624] : memref<2000xi32, #tpu.memory_space<vmem>> -> memref<80xi32, #tpu.memory_space<vmem>>
        %dma_start3A_626 = arith.constant 0 : i32
        %dma_start3A_627 = arith.constant 0 : i32
        %dma_start3A_628 = tpu.memref_slice %arg2[%dma_start3A_626, %dma_start3A_627] : memref<160000x128xf32, #tpu.memory_space<hbm>> -> memref<160000x128xf32, #tpu.memory_space<hbm>>
        tpu.enqueue_indirect_dma source(%dma_start3A_628 : memref<160000x128xf32, #tpu.memory_space<hbm>>) target(%arg12 : memref<80x128xf32, #tpu.memory_space<vmem>>) offsets(%dma_start3A_625 : memref<80xi32, #tpu.memory_space<vmem>>) semaphore(%arg18 : memref<!tpu.dma_semaphore, #tpu.memory_space<semaphore_mem>>)
        %dma_wait3A_629 = arith.constant 1840 : i32
        %dma_wait3A_630 = tpu.memref_slice %arg6[%dma_wait3A_629] : memref<2000xi32, #tpu.memory_space<vmem>> -> memref<80xi32, #tpu.memory_space<vmem>>
        %dma_wait3A_631 = arith.constant 0 : i32
        %dma_wait3A_632 = arith.constant 0 : i32
        %dma_wait3A_633 = tpu.memref_slice %arg2[%dma_wait3A_631, %dma_wait3A_632] : memref<160000x128xf32, #tpu.memory_space<hbm>> -> memref<160000x128xf32, #tpu.memory_space<hbm>>
        tpu.wait_indirect_dma semaphore(%arg20 : memref<!tpu.dma_semaphore, #tpu.memory_space<semaphore_mem>>) src(%dma_wait3A_633 : memref<160000x128xf32, #tpu.memory_space<hbm>>) dst(%arg14 : memref<80x128xf32, #tpu.memory_space<vmem>>)
        %dma_start3A_634 = arith.constant 23 : i32
        %dma_start3A_635 = arith.constant 0 : i32
        %dma_start3A_636 = tpu.memref_slice %arg10[%dma_start3A_634, %dma_start3A_635] : memref<25x80xi32, #tpu.memory_space<vmem>> -> memref<1x80xi32, #tpu.memory_space<vmem>>
        %dma_start3A_637 = tpu.memref_squeeze %dma_start3A_636 : memref<1x80xi32, #tpu.memory_space<vmem>> -> memref<80xi32, #tpu.memory_space<vmem>>
        %dma_start3A_638 = arith.constant 0 : i32
        %dma_start3A_639 = arith.constant 0 : i32
        %dma_start3A_640 = tpu.memref_slice %arg15[%dma_start3A_638, %dma_start3A_639] : memref<10112x128xf32, #tpu.memory_space<vmem_shared>> -> memref<10112x128xf32, #tpu.memory_space<vmem_shared>>
        tpu.enqueue_indirect_dma source(%arg14 : memref<80x128xf32, #tpu.memory_space<vmem>>) target(%dma_start3A_640 : memref<10112x128xf32, #tpu.memory_space<vmem_shared>>) offsets(%dma_start3A_637 : memref<80xi32, #tpu.memory_space<vmem>>) semaphore(%arg23 : memref<!tpu.dma_semaphore, #tpu.memory_space<semaphore_mem>>) {add = true}
        %dma_wait3A_641 = arith.constant 1920 : i32
        %dma_wait3A_642 = tpu.memref_slice %arg6[%dma_wait3A_641] : memref<2000xi32, #tpu.memory_space<vmem>> -> memref<80xi32, #tpu.memory_space<vmem>>
        %dma_wait3A_643 = arith.constant 0 : i32
        %dma_wait3A_644 = arith.constant 0 : i32
        %dma_wait3A_645 = tpu.memref_slice %arg2[%dma_wait3A_643, %dma_wait3A_644] : memref<160000x128xf32, #tpu.memory_space<hbm>> -> memref<160000x128xf32, #tpu.memory_space<hbm>>
        tpu.wait_indirect_dma semaphore(%arg18 : memref<!tpu.dma_semaphore, #tpu.memory_space<semaphore_mem>>) src(%dma_wait3A_645 : memref<160000x128xf32, #tpu.memory_space<hbm>>) dst(%arg12 : memref<80x128xf32, #tpu.memory_space<vmem>>)
        %dma_start3A_646 = arith.constant 24 : i32
        %dma_start3A_647 = arith.constant 0 : i32
        %dma_start3A_648 = tpu.memref_slice %arg10[%dma_start3A_646, %dma_start3A_647] : memref<25x80xi32, #tpu.memory_space<vmem>> -> memref<1x80xi32, #tpu.memory_space<vmem>>
        %dma_start3A_649 = tpu.memref_squeeze %dma_start3A_648 : memref<1x80xi32, #tpu.memory_space<vmem>> -> memref<80xi32, #tpu.memory_space<vmem>>
        %dma_start3A_650 = arith.constant 0 : i32
        %dma_start3A_651 = arith.constant 0 : i32
        %dma_start3A_652 = tpu.memref_slice %arg15[%dma_start3A_650, %dma_start3A_651] : memref<10112x128xf32, #tpu.memory_space<vmem_shared>> -> memref<10112x128xf32, #tpu.memory_space<vmem_shared>>
        tpu.enqueue_indirect_dma source(%arg12 : memref<80x128xf32, #tpu.memory_space<vmem>>) target(%dma_start3A_652 : memref<10112x128xf32, #tpu.memory_space<vmem_shared>>) offsets(%dma_start3A_649 : memref<80xi32, #tpu.memory_space<vmem>>) semaphore(%arg21 : memref<!tpu.dma_semaphore, #tpu.memory_space<semaphore_mem>>) {add = true}
        %dma_wait3A_653 = arith.constant 0 : i32
        %dma_wait3A_654 = arith.constant 0 : i32
        %dma_wait3A_655 = tpu.memref_slice %arg10[%dma_wait3A_653, %dma_wait3A_654] : memref<25x80xi32, #tpu.memory_space<vmem>> -> memref<1x80xi32, #tpu.memory_space<vmem>>
        %dma_wait3A_656 = tpu.memref_squeeze %dma_wait3A_655 : memref<1x80xi32, #tpu.memory_space<vmem>> -> memref<80xi32, #tpu.memory_space<vmem>>
        %dma_wait3A_657 = arith.constant 0 : i32
        %dma_wait3A_658 = arith.constant 0 : i32
        %dma_wait3A_659 = tpu.memref_slice %arg15[%dma_wait3A_657, %dma_wait3A_658] : memref<10112x128xf32, #tpu.memory_space<vmem_shared>> -> memref<10112x128xf32, #tpu.memory_space<vmem_shared>>
        tpu.wait_indirect_dma semaphore(%arg22 : memref<!tpu.dma_semaphore, #tpu.memory_space<semaphore_mem>>) src(%arg13 : memref<80x128xf32, #tpu.memory_space<vmem>>) dst(%dma_wait3A_659 : memref<10112x128xf32, #tpu.memory_space<vmem_shared>>)
        %dma_wait3A_660 = arith.constant 0 : i32
        %dma_wait3A_661 = arith.constant 0 : i32
        %dma_wait3A_662 = tpu.memref_slice %arg10[%dma_wait3A_660, %dma_wait3A_661] : memref<25x80xi32, #tpu.memory_space<vmem>> -> memref<1x80xi32, #tpu.memory_space<vmem>>
        %dma_wait3A_663 = tpu.memref_squeeze %dma_wait3A_662 : memref<1x80xi32, #tpu.memory_space<vmem>> -> memref<80xi32, #tpu.memory_space<vmem>>
        %dma_wait3A_664 = arith.constant 0 : i32
        %dma_wait3A_665 = arith.constant 0 : i32
        %dma_wait3A_666 = tpu.memref_slice %arg15[%dma_wait3A_664, %dma_wait3A_665] : memref<10112x128xf32, #tpu.memory_space<vmem_shared>> -> memref<10112x128xf32, #tpu.memory_space<vmem_shared>>
        tpu.wait_indirect_dma semaphore(%arg23 : memref<!tpu.dma_semaphore, #tpu.memory_space<semaphore_mem>>) src(%arg14 : memref<80x128xf32, #tpu.memory_space<vmem>>) dst(%dma_wait3A_666 : memref<10112x128xf32, #tpu.memory_space<vmem_shared>>)
        %dma_wait3A_667 = arith.constant 0 : i32
        %dma_wait3A_668 = arith.constant 0 : i32
        %dma_wait3A_669 = tpu.memref_slice %arg10[%dma_wait3A_667, %dma_wait3A_668] : memref<25x80xi32, #tpu.memory_space<vmem>> -> memref<1x80xi32, #tpu.memory_space<vmem>>
        %dma_wait3A_670 = tpu.memref_squeeze %dma_wait3A_669 : memref<1x80xi32, #tpu.memory_space<vmem>> -> memref<80xi32, #tpu.memory_space<vmem>>
        %dma_wait3A_671 = arith.constant 0 : i32
        %dma_wait3A_672 = arith.constant 0 : i32
        %dma_wait3A_673 = tpu.memref_slice %arg15[%dma_wait3A_671, %dma_wait3A_672] : memref<10112x128xf32, #tpu.memory_space<vmem_shared>> -> memref<10112x128xf32, #tpu.memory_space<vmem_shared>>
        tpu.wait_indirect_dma semaphore(%arg21 : memref<!tpu.dma_semaphore, #tpu.memory_space<semaphore_mem>>) src(%arg12 : memref<80x128xf32, #tpu.memory_space<vmem>>) dst(%dma_wait3A_673 : memref<10112x128xf32, #tpu.memory_space<vmem_shared>>)
      } else {
      }
      %eq3A_48 = arith.constant 1 : i32
      %eq3A_49 = arith.cmpi eq, %rem3A_45, %eq3A_48 : i32
      %convert_element_type3A_50 = arith.extui %eq3A_49 : i1 to i32
      %cond3A_51 = arith.constant 0 : i32
      %cond3A_52 = arith.cmpi ne, %convert_element_type3A_50, %cond3A_51 : i32
      scf.if %cond3A_52 {
        %dma_wait3A = arith.constant 0 : i32
        %dma_wait3A_54 = tpu.memref_slice %arg3[%dma_wait3A] : memref<320000xi32, #tpu.memory_space<hbm>> -> memref<2000xi32, #tpu.memory_space<hbm>>
        %dma_wait3A_55 = arith.constant 0 : i32
        %dma_wait3A_56 = tpu.memref_slice %arg3[%dma_wait3A_55] : memref<320000xi32, #tpu.memory_space<hbm>> -> memref<2000xi32, #tpu.memory_space<hbm>>
        tpu.wait_dma2 semaphore(%arg17 : memref<!tpu.dma_semaphore, #tpu.memory_space<semaphore_mem>>) src(%dma_wait3A_56 : memref<2000xi32, #tpu.memory_space<hbm>>) dst(%arg7 : memref<2000xi32, #tpu.memory_space<vmem>>)
        %dma_wait3A_57 = arith.constant 0 : i32
        %dma_wait3A_58 = tpu.memref_slice %arg4[%dma_wait3A_57] : memref<320000xi32, #tpu.memory_space<hbm>> -> memref<2000xi32, #tpu.memory_space<hbm>>
        %dma_wait3A_59 = arith.constant 0 : i32
        %dma_wait3A_60 = tpu.memref_slice %arg4[%dma_wait3A_59] : memref<320000xi32, #tpu.memory_space<hbm>> -> memref<2000xi32, #tpu.memory_space<hbm>>
        tpu.wait_dma2 semaphore(%arg17 : memref<!tpu.dma_semaphore, #tpu.memory_space<semaphore_mem>>) src(%dma_wait3A_60 : memref<2000xi32, #tpu.memory_space<hbm>>) dst(%arg9 : memref<2000xi32, #tpu.memory_space<vmem>>)
        %add3A_61 = arith.constant 1 : i32
        %add3A_62 = arith.addi %scan3A_43, %add3A_61 : i32
        %lt3A = arith.constant 5 : i32
        %lt3A_63 = arith.cmpi slt, %add3A_62, %lt3A : i32
        %convert_element_type3A_64 = arith.extui %lt3A_63 : i1 to i32
        %cond3A_65 = arith.constant 0 : i32
        %cond3A_66 = arith.cmpi ne, %convert_element_type3A_64, %cond3A_65 : i32
        scf.if %cond3A_66 {
          %add3A_674 = arith.constant 1 : i32
          %add3A_675 = arith.addi %scan3A_43, %add3A_674 : i32
          %mul3A_676 = arith.constant 25 : i32
          %mul3A_677 = arith.muli %add3A_675, %mul3A_676 : i32
          %mul3A_678 = arith.constant 80 : i32
          %mul3A_679 = arith.muli %mul3A_677, %mul3A_678 : i32
          %add3A_680 = arith.addi %mul3A_2, %mul3A_679 : i32
          %dma_start3A_681 = tpu.memref_slice %arg3[%add3A_680] : memref<320000xi32, #tpu.memory_space<hbm>> -> memref<2000xi32, #tpu.memory_space<hbm>>
          %dma_start3A_682 = tpu.memref_slice %arg3[%add3A_680] : memref<320000xi32, #tpu.memory_space<hbm>> -> memref<2000xi32, #tpu.memory_space<hbm>>
          tpu.enqueue_dma source(%dma_start3A_682 : memref<2000xi32, #tpu.memory_space<hbm>>) target(%arg6 : memref<2000xi32, #tpu.memory_space<vmem>>) target_semaphore(%arg16 : memref<!tpu.dma_semaphore, #tpu.memory_space<semaphore_mem>>)
          %mul3A_683 = arith.constant 25 : i32
          %mul3A_684 = arith.muli %add3A_675, %mul3A_683 : i32
          %mul3A_685 = arith.constant 80 : i32
          %mul3A_686 = arith.muli %mul3A_684, %mul3A_685 : i32
          %add3A_687 = arith.addi %mul3A_2, %mul3A_686 : i32
          %dma_start3A_688 = tpu.memref_slice %arg4[%add3A_687] : memref<320000xi32, #tpu.memory_space<hbm>> -> memref<2000xi32, #tpu.memory_space<hbm>>
          %dma_start3A_689 = tpu.memref_slice %arg4[%add3A_687] : memref<320000xi32, #tpu.memory_space<hbm>> -> memref<2000xi32, #tpu.memory_space<hbm>>
          tpu.enqueue_dma source(%dma_start3A_689 : memref<2000xi32, #tpu.memory_space<hbm>>) target(%arg8 : memref<2000xi32, #tpu.memory_space<vmem>>) target_semaphore(%arg16 : memref<!tpu.dma_semaphore, #tpu.memory_space<semaphore_mem>>)
        } else {
        }
        %scan3A_67 = arith.constant 0 : i32
        %scan3A_68 = arith.constant 0 : i32
        %scan3A_69 = arith.constant 25 : i32
        %scan3A_70 = arith.addi %scan3A_68, %scan3A_69 : i32
        %scan3A_71 = arith.constant 1 : i32
        %scan3A_72 = scf.for %scan3A_674 = %scan3A_68 to %scan3A_70 step %scan3A_71 iter_args(%scan3A_675 = %scan3A_67) -> (i32)  : i32 {
          %mul3A_676 = arith.constant 80 : i32
          %mul3A_677 = arith.muli %scan3A_674, %mul3A_676 : i32
          %add3A_678 = arith.constant 0 : i32
          %add3A_679 = arith.addi %mul3A_677, %add3A_678 : i32
          %get3A = arith.index_cast %add3A_679 : i32 to index
          %get3A_680 = tpu.vector_load %arg9[%get3A] {strides = array<i32>} : memref<2000xi32, #tpu.memory_space<vmem>>, vector<16xi32>,
          %get3A_681 = vector.shape_cast %get3A_680 : vector<16xi32> to vector<16xi32>
          %swap3A = arith.index_cast %scan3A_674 : i32 to index
          %swap3A_682 = arith.constant 0 : index
          %swap3A_683 = tpu.vector_load %arg11[%swap3A, %swap3A_682] {strides = array<i32>} : memref<25x80xi32, #tpu.memory_space<vmem>>, vector<1x16xi32>,
          %swap3A_684 = vector.shape_cast %swap3A_683 : vector<1x16xi32> to vector<16xi32>
          %swap3A_685 = vector.shape_cast %get3A_681 : vector<16xi32> to vector<1x16xi32>
          tpu.vector_store %arg11[%swap3A, %swap3A_682], %swap3A_685 {strides = array<i32>} : memref<25x80xi32, #tpu.memory_space<vmem>>, vector<1x16xi32>,
          %mul3A_686 = arith.constant 80 : i32
          %mul3A_687 = arith.muli %scan3A_674, %mul3A_686 : i32
          %add3A_688 = arith.constant 16 : i32
          %add3A_689 = arith.addi %mul3A_687, %add3A_688 : i32
          %get3A_690 = arith.index_cast %add3A_689 : i32 to index
          %get3A_691 = tpu.vector_load %arg9[%get3A_690] {strides = array<i32>} : memref<2000xi32, #tpu.memory_space<vmem>>, vector<16xi32>,
          %get3A_692 = vector.shape_cast %get3A_691 : vector<16xi32> to vector<16xi32>
          %swap3A_693 = arith.index_cast %scan3A_674 : i32 to index
          %swap3A_694 = arith.constant 16 : index
          %swap3A_695 = tpu.vector_load %arg11[%swap3A_693, %swap3A_694] {strides = array<i32>} : memref<25x80xi32, #tpu.memory_space<vmem>>, vector<1x16xi32>,
          %swap3A_696 = vector.shape_cast %swap3A_695 : vector<1x16xi32> to vector<16xi32>
          %swap3A_697 = vector.shape_cast %get3A_692 : vector<16xi32> to vector<1x16xi32>
          tpu.vector_store %arg11[%swap3A_693, %swap3A_694], %swap3A_697 {strides = array<i32>} : memref<25x80xi32, #tpu.memory_space<vmem>>, vector<1x16xi32>,
          %mul3A_698 = arith.constant 80 : i32
          %mul3A_699 = arith.muli %scan3A_674, %mul3A_698 : i32
          %add3A_700 = arith.constant 32 : i32
          %add3A_701 = arith.addi %mul3A_699, %add3A_700 : i32
          %get3A_702 = arith.index_cast %add3A_701 : i32 to index
          %get3A_703 = tpu.vector_load %arg9[%get3A_702] {strides = array<i32>} : memref<2000xi32, #tpu.memory_space<vmem>>, vector<16xi32>,
          %get3A_704 = vector.shape_cast %get3A_703 : vector<16xi32> to vector<16xi32>
          %swap3A_705 = arith.index_cast %scan3A_674 : i32 to index
          %swap3A_706 = arith.constant 32 : index
          %swap3A_707 = tpu.vector_load %arg11[%swap3A_705, %swap3A_706] {strides = array<i32>} : memref<25x80xi32, #tpu.memory_space<vmem>>, vector<1x16xi32>,
          %swap3A_708 = vector.shape_cast %swap3A_707 : vector<1x16xi32> to vector<16xi32>
          %swap3A_709 = vector.shape_cast %get3A_704 : vector<16xi32> to vector<1x16xi32>
          tpu.vector_store %arg11[%swap3A_705, %swap3A_706], %swap3A_709 {strides = array<i32>} : memref<25x80xi32, #tpu.memory_space<vmem>>, vector<1x16xi32>,
          %mul3A_710 = arith.constant 80 : i32
          %mul3A_711 = arith.muli %scan3A_674, %mul3A_710 : i32
          %add3A_712 = arith.constant 48 : i32
          %add3A_713 = arith.addi %mul3A_711, %add3A_712 : i32
          %get3A_714 = arith.index_cast %add3A_713 : i32 to index
          %get3A_715 = tpu.vector_load %arg9[%get3A_714] {strides = array<i32>} : memref<2000xi32, #tpu.memory_space<vmem>>, vector<16xi32>,
          %get3A_716 = vector.shape_cast %get3A_715 : vector<16xi32> to vector<16xi32>
          %swap3A_717 = arith.index_cast %scan3A_674 : i32 to index
          %swap3A_718 = arith.constant 48 : index
          %swap3A_719 = tpu.vector_load %arg11[%swap3A_717, %swap3A_718] {strides = array<i32>} : memref<25x80xi32, #tpu.memory_space<vmem>>, vector<1x16xi32>,
          %swap3A_720 = vector.shape_cast %swap3A_719 : vector<1x16xi32> to vector<16xi32>
          %swap3A_721 = vector.shape_cast %get3A_716 : vector<16xi32> to vector<1x16xi32>
          tpu.vector_store %arg11[%swap3A_717, %swap3A_718], %swap3A_721 {strides = array<i32>} : memref<25x80xi32, #tpu.memory_space<vmem>>, vector<1x16xi32>,
          %mul3A_722 = arith.constant 80 : i32
          %mul3A_723 = arith.muli %scan3A_674, %mul3A_722 : i32
          %add3A_724 = arith.constant 64 : i32
          %add3A_725 = arith.addi %mul3A_723, %add3A_724 : i32
          %get3A_726 = arith.index_cast %add3A_725 : i32 to index
          %get3A_727 = tpu.vector_load %arg9[%get3A_726] {strides = array<i32>} : memref<2000xi32, #tpu.memory_space<vmem>>, vector<16xi32>,
          %get3A_728 = vector.shape_cast %get3A_727 : vector<16xi32> to vector<16xi32>
          %swap3A_729 = arith.index_cast %scan3A_674 : i32 to index
          %swap3A_730 = arith.constant 64 : index
          %swap3A_731 = tpu.vector_load %arg11[%swap3A_729, %swap3A_730] {strides = array<i32>} : memref<25x80xi32, #tpu.memory_space<vmem>>, vector<1x16xi32>,
          %swap3A_732 = vector.shape_cast %swap3A_731 : vector<1x16xi32> to vector<16xi32>
          %swap3A_733 = vector.shape_cast %get3A_728 : vector<16xi32> to vector<1x16xi32>
          tpu.vector_store %arg11[%swap3A_729, %swap3A_730], %swap3A_733 {strides = array<i32>} : memref<25x80xi32, #tpu.memory_space<vmem>>, vector<1x16xi32>,
          %scan3A_734 = arith.constant 0 : i32
          scf.yield %scan3A_734 : i32
        }
        %scan3A_73 = arith.constant 25 : i32
        %dma_start3A_74 = arith.constant 0 : i32
        %dma_start3A_75 = tpu.memref_slice %arg7[%dma_start3A_74] : memref<2000xi32, #tpu.memory_space<vmem>> -> memref<80xi32, #tpu.memory_space<vmem>>
        %dma_start3A_76 = arith.constant 0 : i32
        %dma_start3A_77 = arith.constant 0 : i32
        %dma_start3A_78 = tpu.memref_slice %arg2[%dma_start3A_76, %dma_start3A_77] : memref<160000x128xf32, #tpu.memory_space<hbm>> -> memref<160000x128xf32, #tpu.memory_space<hbm>>
        tpu.enqueue_indirect_dma source(%dma_start3A_78 : memref<160000x128xf32, #tpu.memory_space<hbm>>) target(%arg12 : memref<80x128xf32, #tpu.memory_space<vmem>>) offsets(%dma_start3A_75 : memref<80xi32, #tpu.memory_space<vmem>>) semaphore(%arg18 : memref<!tpu.dma_semaphore, #tpu.memory_space<semaphore_mem>>)
        %dma_start3A_79 = arith.constant 80 : i32
        %dma_start3A_80 = tpu.memref_slice %arg7[%dma_start3A_79] : memref<2000xi32, #tpu.memory_space<vmem>> -> memref<80xi32, #tpu.memory_space<vmem>>
        %dma_start3A_81 = arith.constant 0 : i32
        %dma_start3A_82 = arith.constant 0 : i32
        %dma_start3A_83 = tpu.memref_slice %arg2[%dma_start3A_81, %dma_start3A_82] : memref<160000x128xf32, #tpu.memory_space<hbm>> -> memref<160000x128xf32, #tpu.memory_space<hbm>>
        tpu.enqueue_indirect_dma source(%dma_start3A_83 : memref<160000x128xf32, #tpu.memory_space<hbm>>) target(%arg13 : memref<80x128xf32, #tpu.memory_space<vmem>>) offsets(%dma_start3A_80 : memref<80xi32, #tpu.memory_space<vmem>>) semaphore(%arg19 : memref<!tpu.dma_semaphore, #tpu.memory_space<semaphore_mem>>)
        %dma_wait3A_84 = arith.constant 0 : i32
        %dma_wait3A_85 = tpu.memref_slice %arg7[%dma_wait3A_84] : memref<2000xi32, #tpu.memory_space<vmem>> -> memref<80xi32, #tpu.memory_space<vmem>>
        %dma_wait3A_86 = arith.constant 0 : i32
        %dma_wait3A_87 = arith.constant 0 : i32
        %dma_wait3A_88 = tpu.memref_slice %arg2[%dma_wait3A_86, %dma_wait3A_87] : memref<160000x128xf32, #tpu.memory_space<hbm>> -> memref<160000x128xf32, #tpu.memory_space<hbm>>
        tpu.wait_indirect_dma semaphore(%arg18 : memref<!tpu.dma_semaphore, #tpu.memory_space<semaphore_mem>>) src(%dma_wait3A_88 : memref<160000x128xf32, #tpu.memory_space<hbm>>) dst(%arg12 : memref<80x128xf32, #tpu.memory_space<vmem>>)
        %dma_start3A_89 = arith.constant 0 : i32
        %dma_start3A_90 = arith.constant 0 : i32
        %dma_start3A_91 = tpu.memref_slice %arg11[%dma_start3A_89, %dma_start3A_90] : memref<25x80xi32, #tpu.memory_space<vmem>> -> memref<1x80xi32, #tpu.memory_space<vmem>>
        %dma_start3A_92 = tpu.memref_squeeze %dma_start3A_91 : memref<1x80xi32, #tpu.memory_space<vmem>> -> memref<80xi32, #tpu.memory_space<vmem>>
        %dma_start3A_93 = arith.constant 0 : i32
        %dma_start3A_94 = arith.constant 0 : i32
        %dma_start3A_95 = tpu.memref_slice %arg15[%dma_start3A_93, %dma_start3A_94] : memref<10112x128xf32, #tpu.memory_space<vmem_shared>> -> memref<10112x128xf32, #tpu.memory_space<vmem_shared>>
        tpu.enqueue_indirect_dma source(%arg12 : memref<80x128xf32, #tpu.memory_space<vmem>>) target(%dma_start3A_95 : memref<10112x128xf32, #tpu.memory_space<vmem_shared>>) offsets(%dma_start3A_92 : memref<80xi32, #tpu.memory_space<vmem>>) semaphore(%arg21 : memref<!tpu.dma_semaphore, #tpu.memory_space<semaphore_mem>>) {add = true}
        %dma_start3A_96 = arith.constant 160 : i32
        %dma_start3A_97 = tpu.memref_slice %arg7[%dma_start3A_96] : memref<2000xi32, #tpu.memory_space<vmem>> -> memref<80xi32, #tpu.memory_space<vmem>>
        %dma_start3A_98 = arith.constant 0 : i32
        %dma_start3A_99 = arith.constant 0 : i32
        %dma_start3A_100 = tpu.memref_slice %arg2[%dma_start3A_98, %dma_start3A_99] : memref<160000x128xf32, #tpu.memory_space<hbm>> -> memref<160000x128xf32, #tpu.memory_space<hbm>>
        tpu.enqueue_indirect_dma source(%dma_start3A_100 : memref<160000x128xf32, #tpu.memory_space<hbm>>) target(%arg14 : memref<80x128xf32, #tpu.memory_space<vmem>>) offsets(%dma_start3A_97 : memref<80xi32, #tpu.memory_space<vmem>>) semaphore(%arg20 : memref<!tpu.dma_semaphore, #tpu.memory_space<semaphore_mem>>)
        %dma_wait3A_101 = arith.constant 80 : i32
        %dma_wait3A_102 = tpu.memref_slice %arg7[%dma_wait3A_101] : memref<2000xi32, #tpu.memory_space<vmem>> -> memref<80xi32, #tpu.memory_space<vmem>>
        %dma_wait3A_103 = arith.constant 0 : i32
        %dma_wait3A_104 = arith.constant 0 : i32
        %dma_wait3A_105 = tpu.memref_slice %arg2[%dma_wait3A_103, %dma_wait3A_104] : memref<160000x128xf32, #tpu.memory_space<hbm>> -> memref<160000x128xf32, #tpu.memory_space<hbm>>
        tpu.wait_indirect_dma semaphore(%arg19 : memref<!tpu.dma_semaphore, #tpu.memory_space<semaphore_mem>>) src(%dma_wait3A_105 : memref<160000x128xf32, #tpu.memory_space<hbm>>) dst(%arg13 : memref<80x128xf32, #tpu.memory_space<vmem>>)
        %dma_start3A_106 = arith.constant 1 : i32
        %dma_start3A_107 = arith.constant 0 : i32
        %dma_start3A_108 = tpu.memref_slice %arg11[%dma_start3A_106, %dma_start3A_107] : memref<25x80xi32, #tpu.memory_space<vmem>> -> memref<1x80xi32, #tpu.memory_space<vmem>>
        %dma_start3A_109 = tpu.memref_squeeze %dma_start3A_108 : memref<1x80xi32, #tpu.memory_space<vmem>> -> memref<80xi32, #tpu.memory_space<vmem>>
        %dma_start3A_110 = arith.constant 0 : i32
        %dma_start3A_111 = arith.constant 0 : i32
        %dma_start3A_112 = tpu.memref_slice %arg15[%dma_start3A_110, %dma_start3A_111] : memref<10112x128xf32, #tpu.memory_space<vmem_shared>> -> memref<10112x128xf32, #tpu.memory_space<vmem_shared>>
        tpu.enqueue_indirect_dma source(%arg13 : memref<80x128xf32, #tpu.memory_space<vmem>>) target(%dma_start3A_112 : memref<10112x128xf32, #tpu.memory_space<vmem_shared>>) offsets(%dma_start3A_109 : memref<80xi32, #tpu.memory_space<vmem>>) semaphore(%arg22 : memref<!tpu.dma_semaphore, #tpu.memory_space<semaphore_mem>>) {add = true}
        %dma_wait3A_113 = arith.constant 1 : i32
        %dma_wait3A_114 = arith.constant 0 : i32
        %dma_wait3A_115 = tpu.memref_slice %arg11[%dma_wait3A_113, %dma_wait3A_114] : memref<25x80xi32, #tpu.memory_space<vmem>> -> memref<1x80xi32, #tpu.memory_space<vmem>>
        %dma_wait3A_116 = tpu.memref_squeeze %dma_wait3A_115 : memref<1x80xi32, #tpu.memory_space<vmem>> -> memref<80xi32, #tpu.memory_space<vmem>>
        %dma_wait3A_117 = arith.constant 0 : i32
        %dma_wait3A_118 = arith.constant 0 : i32
        %dma_wait3A_119 = tpu.memref_slice %arg15[%dma_wait3A_117, %dma_wait3A_118] : memref<10112x128xf32, #tpu.memory_space<vmem_shared>> -> memref<10112x128xf32, #tpu.memory_space<vmem_shared>>
        tpu.wait_indirect_dma semaphore(%arg21 : memref<!tpu.dma_semaphore, #tpu.memory_space<semaphore_mem>>) src(%arg12 : memref<80x128xf32, #tpu.memory_space<vmem>>) dst(%dma_wait3A_119 : memref<10112x128xf32, #tpu.memory_space<vmem_shared>>)
        %dma_start3A_120 = arith.constant 240 : i32
        %dma_start3A_121 = tpu.memref_slice %arg7[%dma_start3A_120] : memref<2000xi32, #tpu.memory_space<vmem>> -> memref<80xi32, #tpu.memory_space<vmem>>
        %dma_start3A_122 = arith.constant 0 : i32
        %dma_start3A_123 = arith.constant 0 : i32
        %dma_start3A_124 = tpu.memref_slice %arg2[%dma_start3A_122, %dma_start3A_123] : memref<160000x128xf32, #tpu.memory_space<hbm>> -> memref<160000x128xf32, #tpu.memory_space<hbm>>
        tpu.enqueue_indirect_dma source(%dma_start3A_124 : memref<160000x128xf32, #tpu.memory_space<hbm>>) target(%arg12 : memref<80x128xf32, #tpu.memory_space<vmem>>) offsets(%dma_start3A_121 : memref<80xi32, #tpu.memory_space<vmem>>) semaphore(%arg18 : memref<!tpu.dma_semaphore, #tpu.memory_space<semaphore_mem>>)
        %dma_wait3A_125 = arith.constant 160 : i32
        %dma_wait3A_126 = tpu.memref_slice %arg7[%dma_wait3A_125] : memref<2000xi32, #tpu.memory_space<vmem>> -> memref<80xi32, #tpu.memory_space<vmem>>
        %dma_wait3A_127 = arith.constant 0 : i32
        %dma_wait3A_128 = arith.constant 0 : i32
        %dma_wait3A_129 = tpu.memref_slice %arg2[%dma_wait3A_127, %dma_wait3A_128] : memref<160000x128xf32, #tpu.memory_space<hbm>> -> memref<160000x128xf32, #tpu.memory_space<hbm>>
        tpu.wait_indirect_dma semaphore(%arg20 : memref<!tpu.dma_semaphore, #tpu.memory_space<semaphore_mem>>) src(%dma_wait3A_129 : memref<160000x128xf32, #tpu.memory_space<hbm>>) dst(%arg14 : memref<80x128xf32, #tpu.memory_space<vmem>>)
        %dma_start3A_130 = arith.constant 2 : i32
        %dma_start3A_131 = arith.constant 0 : i32
        %dma_start3A_132 = tpu.memref_slice %arg11[%dma_start3A_130, %dma_start3A_131] : memref<25x80xi32, #tpu.memory_space<vmem>> -> memref<1x80xi32, #tpu.memory_space<vmem>>
        %dma_start3A_133 = tpu.memref_squeeze %dma_start3A_132 : memref<1x80xi32, #tpu.memory_space<vmem>> -> memref<80xi32, #tpu.memory_space<vmem>>
        %dma_start3A_134 = arith.constant 0 : i32
        %dma_start3A_135 = arith.constant 0 : i32
        %dma_start3A_136 = tpu.memref_slice %arg15[%dma_start3A_134, %dma_start3A_135] : memref<10112x128xf32, #tpu.memory_space<vmem_shared>> -> memref<10112x128xf32, #tpu.memory_space<vmem_shared>>
        tpu.enqueue_indirect_dma source(%arg14 : memref<80x128xf32, #tpu.memory_space<vmem>>) target(%dma_start3A_136 : memref<10112x128xf32, #tpu.memory_space<vmem_shared>>) offsets(%dma_start3A_133 : memref<80xi32, #tpu.memory_space<vmem>>) semaphore(%arg23 : memref<!tpu.dma_semaphore, #tpu.memory_space<semaphore_mem>>) {add = true}
        %dma_wait3A_137 = arith.constant 2 : i32
        %dma_wait3A_138 = arith.constant 0 : i32
        %dma_wait3A_139 = tpu.memref_slice %arg11[%dma_wait3A_137, %dma_wait3A_138] : memref<25x80xi32, #tpu.memory_space<vmem>> -> memref<1x80xi32, #tpu.memory_space<vmem>>
        %dma_wait3A_140 = tpu.memref_squeeze %dma_wait3A_139 : memref<1x80xi32, #tpu.memory_space<vmem>> -> memref<80xi32, #tpu.memory_space<vmem>>
        %dma_wait3A_141 = arith.constant 0 : i32
        %dma_wait3A_142 = arith.constant 0 : i32
        %dma_wait3A_143 = tpu.memref_slice %arg15[%dma_wait3A_141, %dma_wait3A_142] : memref<10112x128xf32, #tpu.memory_space<vmem_shared>> -> memref<10112x128xf32, #tpu.memory_space<vmem_shared>>
        tpu.wait_indirect_dma semaphore(%arg22 : memref<!tpu.dma_semaphore, #tpu.memory_space<semaphore_mem>>) src(%arg13 : memref<80x128xf32, #tpu.memory_space<vmem>>) dst(%dma_wait3A_143 : memref<10112x128xf32, #tpu.memory_space<vmem_shared>>)
        %dma_start3A_144 = arith.constant 320 : i32
        %dma_start3A_145 = tpu.memref_slice %arg7[%dma_start3A_144] : memref<2000xi32, #tpu.memory_space<vmem>> -> memref<80xi32, #tpu.memory_space<vmem>>
        %dma_start3A_146 = arith.constant 0 : i32
        %dma_start3A_147 = arith.constant 0 : i32
        %dma_start3A_148 = tpu.memref_slice %arg2[%dma_start3A_146, %dma_start3A_147] : memref<160000x128xf32, #tpu.memory_space<hbm>> -> memref<160000x128xf32, #tpu.memory_space<hbm>>
        tpu.enqueue_indirect_dma source(%dma_start3A_148 : memref<160000x128xf32, #tpu.memory_space<hbm>>) target(%arg13 : memref<80x128xf32, #tpu.memory_space<vmem>>) offsets(%dma_start3A_145 : memref<80xi32, #tpu.memory_space<vmem>>) semaphore(%arg19 : memref<!tpu.dma_semaphore, #tpu.memory_space<semaphore_mem>>)
        %dma_wait3A_149 = arith.constant 240 : i32
        %dma_wait3A_150 = tpu.memref_slice %arg7[%dma_wait3A_149] : memref<2000xi32, #tpu.memory_space<vmem>> -> memref<80xi32, #tpu.memory_space<vmem>>
        %dma_wait3A_151 = arith.constant 0 : i32
        %dma_wait3A_152 = arith.constant 0 : i32
        %dma_wait3A_153 = tpu.memref_slice %arg2[%dma_wait3A_151, %dma_wait3A_152] : memref<160000x128xf32, #tpu.memory_space<hbm>> -> memref<160000x128xf32, #tpu.memory_space<hbm>>
        tpu.wait_indirect_dma semaphore(%arg18 : memref<!tpu.dma_semaphore, #tpu.memory_space<semaphore_mem>>) src(%dma_wait3A_153 : memref<160000x128xf32, #tpu.memory_space<hbm>>) dst(%arg12 : memref<80x128xf32, #tpu.memory_space<vmem>>)
        %dma_start3A_154 = arith.constant 3 : i32
        %dma_start3A_155 = arith.constant 0 : i32
        %dma_start3A_156 = tpu.memref_slice %arg11[%dma_start3A_154, %dma_start3A_155] : memref<25x80xi32, #tpu.memory_space<vmem>> -> memref<1x80xi32, #tpu.memory_space<vmem>>
        %dma_start3A_157 = tpu.memref_squeeze %dma_start3A_156 : memref<1x80xi32, #tpu.memory_space<vmem>> -> memref<80xi32, #tpu.memory_space<vmem>>
        %dma_start3A_158 = arith.constant 0 : i32
        %dma_start3A_159 = arith.constant 0 : i32
        %dma_start3A_160 = tpu.memref_slice %arg15[%dma_start3A_158, %dma_start3A_159] : memref<10112x128xf32, #tpu.memory_space<vmem_shared>> -> memref<10112x128xf32, #tpu.memory_space<vmem_shared>>
        tpu.enqueue_indirect_dma source(%arg12 : memref<80x128xf32, #tpu.memory_space<vmem>>) target(%dma_start3A_160 : memref<10112x128xf32, #tpu.memory_space<vmem_shared>>) offsets(%dma_start3A_157 : memref<80xi32, #tpu.memory_space<vmem>>) semaphore(%arg21 : memref<!tpu.dma_semaphore, #tpu.memory_space<semaphore_mem>>) {add = true}
        %dma_wait3A_161 = arith.constant 3 : i32
        %dma_wait3A_162 = arith.constant 0 : i32
        %dma_wait3A_163 = tpu.memref_slice %arg11[%dma_wait3A_161, %dma_wait3A_162] : memref<25x80xi32, #tpu.memory_space<vmem>> -> memref<1x80xi32, #tpu.memory_space<vmem>>
        %dma_wait3A_164 = tpu.memref_squeeze %dma_wait3A_163 : memref<1x80xi32, #tpu.memory_space<vmem>> -> memref<80xi32, #tpu.memory_space<vmem>>
        %dma_wait3A_165 = arith.constant 0 : i32
        %dma_wait3A_166 = arith.constant 0 : i32
        %dma_wait3A_167 = tpu.memref_slice %arg15[%dma_wait3A_165, %dma_wait3A_166] : memref<10112x128xf32, #tpu.memory_space<vmem_shared>> -> memref<10112x128xf32, #tpu.memory_space<vmem_shared>>
        tpu.wait_indirect_dma semaphore(%arg23 : memref<!tpu.dma_semaphore, #tpu.memory_space<semaphore_mem>>) src(%arg14 : memref<80x128xf32, #tpu.memory_space<vmem>>) dst(%dma_wait3A_167 : memref<10112x128xf32, #tpu.memory_space<vmem_shared>>)
        %dma_start3A_168 = arith.constant 400 : i32
        %dma_start3A_169 = tpu.memref_slice %arg7[%dma_start3A_168] : memref<2000xi32, #tpu.memory_space<vmem>> -> memref<80xi32, #tpu.memory_space<vmem>>
        %dma_start3A_170 = arith.constant 0 : i32
        %dma_start3A_171 = arith.constant 0 : i32
        %dma_start3A_172 = tpu.memref_slice %arg2[%dma_start3A_170, %dma_start3A_171] : memref<160000x128xf32, #tpu.memory_space<hbm>> -> memref<160000x128xf32, #tpu.memory_space<hbm>>
        tpu.enqueue_indirect_dma source(%dma_start3A_172 : memref<160000x128xf32, #tpu.memory_space<hbm>>) target(%arg14 : memref<80x128xf32, #tpu.memory_space<vmem>>) offsets(%dma_start3A_169 : memref<80xi32, #tpu.memory_space<vmem>>) semaphore(%arg20 : memref<!tpu.dma_semaphore, #tpu.memory_space<semaphore_mem>>)
        %dma_wait3A_173 = arith.constant 320 : i32
        %dma_wait3A_174 = tpu.memref_slice %arg7[%dma_wait3A_173] : memref<2000xi32, #tpu.memory_space<vmem>> -> memref<80xi32, #tpu.memory_space<vmem>>
        %dma_wait3A_175 = arith.constant 0 : i32
        %dma_wait3A_176 = arith.constant 0 : i32
        %dma_wait3A_177 = tpu.memref_slice %arg2[%dma_wait3A_175, %dma_wait3A_176] : memref<160000x128xf32, #tpu.memory_space<hbm>> -> memref<160000x128xf32, #tpu.memory_space<hbm>>
        tpu.wait_indirect_dma semaphore(%arg19 : memref<!tpu.dma_semaphore, #tpu.memory_space<semaphore_mem>>) src(%dma_wait3A_177 : memref<160000x128xf32, #tpu.memory_space<hbm>>) dst(%arg13 : memref<80x128xf32, #tpu.memory_space<vmem>>)
        %dma_start3A_178 = arith.constant 4 : i32
        %dma_start3A_179 = arith.constant 0 : i32
        %dma_start3A_180 = tpu.memref_slice %arg11[%dma_start3A_178, %dma_start3A_179] : memref<25x80xi32, #tpu.memory_space<vmem>> -> memref<1x80xi32, #tpu.memory_space<vmem>>
        %dma_start3A_181 = tpu.memref_squeeze %dma_start3A_180 : memref<1x80xi32, #tpu.memory_space<vmem>> -> memref<80xi32, #tpu.memory_space<vmem>>
        %dma_start3A_182 = arith.constant 0 : i32
        %dma_start3A_183 = arith.constant 0 : i32
        %dma_start3A_184 = tpu.memref_slice %arg15[%dma_start3A_182, %dma_start3A_183] : memref<10112x128xf32, #tpu.memory_space<vmem_shared>> -> memref<10112x128xf32, #tpu.memory_space<vmem_shared>>
        tpu.enqueue_indirect_dma source(%arg13 : memref<80x128xf32, #tpu.memory_space<vmem>>) target(%dma_start3A_184 : memref<10112x128xf32, #tpu.memory_space<vmem_shared>>) offsets(%dma_start3A_181 : memref<80xi32, #tpu.memory_space<vmem>>) semaphore(%arg22 : memref<!tpu.dma_semaphore, #tpu.memory_space<semaphore_mem>>) {add = true}
        %dma_wait3A_185 = arith.constant 4 : i32
        %dma_wait3A_186 = arith.constant 0 : i32
        %dma_wait3A_187 = tpu.memref_slice %arg11[%dma_wait3A_185, %dma_wait3A_186] : memref<25x80xi32, #tpu.memory_space<vmem>> -> memref<1x80xi32, #tpu.memory_space<vmem>>
        %dma_wait3A_188 = tpu.memref_squeeze %dma_wait3A_187 : memref<1x80xi32, #tpu.memory_space<vmem>> -> memref<80xi32, #tpu.memory_space<vmem>>
        %dma_wait3A_189 = arith.constant 0 : i32
        %dma_wait3A_190 = arith.constant 0 : i32
        %dma_wait3A_191 = tpu.memref_slice %arg15[%dma_wait3A_189, %dma_wait3A_190] : memref<10112x128xf32, #tpu.memory_space<vmem_shared>> -> memref<10112x128xf32, #tpu.memory_space<vmem_shared>>
        tpu.wait_indirect_dma semaphore(%arg21 : memref<!tpu.dma_semaphore, #tpu.memory_space<semaphore_mem>>) src(%arg12 : memref<80x128xf32, #tpu.memory_space<vmem>>) dst(%dma_wait3A_191 : memref<10112x128xf32, #tpu.memory_space<vmem_shared>>)
        %dma_start3A_192 = arith.constant 480 : i32
        %dma_start3A_193 = tpu.memref_slice %arg7[%dma_start3A_192] : memref<2000xi32, #tpu.memory_space<vmem>> -> memref<80xi32, #tpu.memory_space<vmem>>
        %dma_start3A_194 = arith.constant 0 : i32
        %dma_start3A_195 = arith.constant 0 : i32
        %dma_start3A_196 = tpu.memref_slice %arg2[%dma_start3A_194, %dma_start3A_195] : memref<160000x128xf32, #tpu.memory_space<hbm>> -> memref<160000x128xf32, #tpu.memory_space<hbm>>
        tpu.enqueue_indirect_dma source(%dma_start3A_196 : memref<160000x128xf32, #tpu.memory_space<hbm>>) target(%arg12 : memref<80x128xf32, #tpu.memory_space<vmem>>) offsets(%dma_start3A_193 : memref<80xi32, #tpu.memory_space<vmem>>) semaphore(%arg18 : memref<!tpu.dma_semaphore, #tpu.memory_space<semaphore_mem>>)
        %dma_wait3A_197 = arith.constant 400 : i32
        %dma_wait3A_198 = tpu.memref_slice %arg7[%dma_wait3A_197] : memref<2000xi32, #tpu.memory_space<vmem>> -> memref<80xi32, #tpu.memory_space<vmem>>
        %dma_wait3A_199 = arith.constant 0 : i32
        %dma_wait3A_200 = arith.constant 0 : i32
        %dma_wait3A_201 = tpu.memref_slice %arg2[%dma_wait3A_199, %dma_wait3A_200] : memref<160000x128xf32, #tpu.memory_space<hbm>> -> memref<160000x128xf32, #tpu.memory_space<hbm>>
        tpu.wait_indirect_dma semaphore(%arg20 : memref<!tpu.dma_semaphore, #tpu.memory_space<semaphore_mem>>) src(%dma_wait3A_201 : memref<160000x128xf32, #tpu.memory_space<hbm>>) dst(%arg14 : memref<80x128xf32, #tpu.memory_space<vmem>>)
        %dma_start3A_202 = arith.constant 5 : i32
        %dma_start3A_203 = arith.constant 0 : i32
        %dma_start3A_204 = tpu.memref_slice %arg11[%dma_start3A_202, %dma_start3A_203] : memref<25x80xi32, #tpu.memory_space<vmem>> -> memref<1x80xi32, #tpu.memory_space<vmem>>
        %dma_start3A_205 = tpu.memref_squeeze %dma_start3A_204 : memref<1x80xi32, #tpu.memory_space<vmem>> -> memref<80xi32, #tpu.memory_space<vmem>>
        %dma_start3A_206 = arith.constant 0 : i32
        %dma_start3A_207 = arith.constant 0 : i32
        %dma_start3A_208 = tpu.memref_slice %arg15[%dma_start3A_206, %dma_start3A_207] : memref<10112x128xf32, #tpu.memory_space<vmem_shared>> -> memref<10112x128xf32, #tpu.memory_space<vmem_shared>>
        tpu.enqueue_indirect_dma source(%arg14 : memref<80x128xf32, #tpu.memory_space<vmem>>) target(%dma_start3A_208 : memref<10112x128xf32, #tpu.memory_space<vmem_shared>>) offsets(%dma_start3A_205 : memref<80xi32, #tpu.memory_space<vmem>>) semaphore(%arg23 : memref<!tpu.dma_semaphore, #tpu.memory_space<semaphore_mem>>) {add = true}
        %dma_wait3A_209 = arith.constant 5 : i32
        %dma_wait3A_210 = arith.constant 0 : i32
        %dma_wait3A_211 = tpu.memref_slice %arg11[%dma_wait3A_209, %dma_wait3A_210] : memref<25x80xi32, #tpu.memory_space<vmem>> -> memref<1x80xi32, #tpu.memory_space<vmem>>
        %dma_wait3A_212 = tpu.memref_squeeze %dma_wait3A_211 : memref<1x80xi32, #tpu.memory_space<vmem>> -> memref<80xi32, #tpu.memory_space<vmem>>
        %dma_wait3A_213 = arith.constant 0 : i32
        %dma_wait3A_214 = arith.constant 0 : i32
        %dma_wait3A_215 = tpu.memref_slice %arg15[%dma_wait3A_213, %dma_wait3A_214] : memref<10112x128xf32, #tpu.memory_space<vmem_shared>> -> memref<10112x128xf32, #tpu.memory_space<vmem_shared>>
        tpu.wait_indirect_dma semaphore(%arg22 : memref<!tpu.dma_semaphore, #tpu.memory_space<semaphore_mem>>) src(%arg13 : memref<80x128xf32, #tpu.memory_space<vmem>>) dst(%dma_wait3A_215 : memref<10112x128xf32, #tpu.memory_space<vmem_shared>>)
        %dma_start3A_216 = arith.constant 560 : i32
        %dma_start3A_217 = tpu.memref_slice %arg7[%dma_start3A_216] : memref<2000xi32, #tpu.memory_space<vmem>> -> memref<80xi32, #tpu.memory_space<vmem>>
        %dma_start3A_218 = arith.constant 0 : i32
        %dma_start3A_219 = arith.constant 0 : i32
        %dma_start3A_220 = tpu.memref_slice %arg2[%dma_start3A_218, %dma_start3A_219] : memref<160000x128xf32, #tpu.memory_space<hbm>> -> memref<160000x128xf32, #tpu.memory_space<hbm>>
        tpu.enqueue_indirect_dma source(%dma_start3A_220 : memref<160000x128xf32, #tpu.memory_space<hbm>>) target(%arg13 : memref<80x128xf32, #tpu.memory_space<vmem>>) offsets(%dma_start3A_217 : memref<80xi32, #tpu.memory_space<vmem>>) semaphore(%arg19 : memref<!tpu.dma_semaphore, #tpu.memory_space<semaphore_mem>>)
        %dma_wait3A_221 = arith.constant 480 : i32
        %dma_wait3A_222 = tpu.memref_slice %arg7[%dma_wait3A_221] : memref<2000xi32, #tpu.memory_space<vmem>> -> memref<80xi32, #tpu.memory_space<vmem>>
        %dma_wait3A_223 = arith.constant 0 : i32
        %dma_wait3A_224 = arith.constant 0 : i32
        %dma_wait3A_225 = tpu.memref_slice %arg2[%dma_wait3A_223, %dma_wait3A_224] : memref<160000x128xf32, #tpu.memory_space<hbm>> -> memref<160000x128xf32, #tpu.memory_space<hbm>>
        tpu.wait_indirect_dma semaphore(%arg18 : memref<!tpu.dma_semaphore, #tpu.memory_space<semaphore_mem>>) src(%dma_wait3A_225 : memref<160000x128xf32, #tpu.memory_space<hbm>>) dst(%arg12 : memref<80x128xf32, #tpu.memory_space<vmem>>)
        %dma_start3A_226 = arith.constant 6 : i32
        %dma_start3A_227 = arith.constant 0 : i32
        %dma_start3A_228 = tpu.memref_slice %arg11[%dma_start3A_226, %dma_start3A_227] : memref<25x80xi32, #tpu.memory_space<vmem>> -> memref<1x80xi32, #tpu.memory_space<vmem>>
        %dma_start3A_229 = tpu.memref_squeeze %dma_start3A_228 : memref<1x80xi32, #tpu.memory_space<vmem>> -> memref<80xi32, #tpu.memory_space<vmem>>
        %dma_start3A_230 = arith.constant 0 : i32
        %dma_start3A_231 = arith.constant 0 : i32
        %dma_start3A_232 = tpu.memref_slice %arg15[%dma_start3A_230, %dma_start3A_231] : memref<10112x128xf32, #tpu.memory_space<vmem_shared>> -> memref<10112x128xf32, #tpu.memory_space<vmem_shared>>
        tpu.enqueue_indirect_dma source(%arg12 : memref<80x128xf32, #tpu.memory_space<vmem>>) target(%dma_start3A_232 : memref<10112x128xf32, #tpu.memory_space<vmem_shared>>) offsets(%dma_start3A_229 : memref<80xi32, #tpu.memory_space<vmem>>) semaphore(%arg21 : memref<!tpu.dma_semaphore, #tpu.memory_space<semaphore_mem>>) {add = true}
        %dma_wait3A_233 = arith.constant 6 : i32
        %dma_wait3A_234 = arith.constant 0 : i32
        %dma_wait3A_235 = tpu.memref_slice %arg11[%dma_wait3A_233, %dma_wait3A_234] : memref<25x80xi32, #tpu.memory_space<vmem>> -> memref<1x80xi32, #tpu.memory_space<vmem>>
        %dma_wait3A_236 = tpu.memref_squeeze %dma_wait3A_235 : memref<1x80xi32, #tpu.memory_space<vmem>> -> memref<80xi32, #tpu.memory_space<vmem>>
        %dma_wait3A_237 = arith.constant 0 : i32
        %dma_wait3A_238 = arith.constant 0 : i32
        %dma_wait3A_239 = tpu.memref_slice %arg15[%dma_wait3A_237, %dma_wait3A_238] : memref<10112x128xf32, #tpu.memory_space<vmem_shared>> -> memref<10112x128xf32, #tpu.memory_space<vmem_shared>>
        tpu.wait_indirect_dma semaphore(%arg23 : memref<!tpu.dma_semaphore, #tpu.memory_space<semaphore_mem>>) src(%arg14 : memref<80x128xf32, #tpu.memory_space<vmem>>) dst(%dma_wait3A_239 : memref<10112x128xf32, #tpu.memory_space<vmem_shared>>)
        %dma_start3A_240 = arith.constant 640 : i32
        %dma_start3A_241 = tpu.memref_slice %arg7[%dma_start3A_240] : memref<2000xi32, #tpu.memory_space<vmem>> -> memref<80xi32, #tpu.memory_space<vmem>>
        %dma_start3A_242 = arith.constant 0 : i32
        %dma_start3A_243 = arith.constant 0 : i32
        %dma_start3A_244 = tpu.memref_slice %arg2[%dma_start3A_242, %dma_start3A_243] : memref<160000x128xf32, #tpu.memory_space<hbm>> -> memref<160000x128xf32, #tpu.memory_space<hbm>>
        tpu.enqueue_indirect_dma source(%dma_start3A_244 : memref<160000x128xf32, #tpu.memory_space<hbm>>) target(%arg14 : memref<80x128xf32, #tpu.memory_space<vmem>>) offsets(%dma_start3A_241 : memref<80xi32, #tpu.memory_space<vmem>>) semaphore(%arg20 : memref<!tpu.dma_semaphore, #tpu.memory_space<semaphore_mem>>)
        %dma_wait3A_245 = arith.constant 560 : i32
        %dma_wait3A_246 = tpu.memref_slice %arg7[%dma_wait3A_245] : memref<2000xi32, #tpu.memory_space<vmem>> -> memref<80xi32, #tpu.memory_space<vmem>>
        %dma_wait3A_247 = arith.constant 0 : i32
        %dma_wait3A_248 = arith.constant 0 : i32
        %dma_wait3A_249 = tpu.memref_slice %arg2[%dma_wait3A_247, %dma_wait3A_248] : memref<160000x128xf32, #tpu.memory_space<hbm>> -> memref<160000x128xf32, #tpu.memory_space<hbm>>
        tpu.wait_indirect_dma semaphore(%arg19 : memref<!tpu.dma_semaphore, #tpu.memory_space<semaphore_mem>>) src(%dma_wait3A_249 : memref<160000x128xf32, #tpu.memory_space<hbm>>) dst(%arg13 : memref<80x128xf32, #tpu.memory_space<vmem>>)
        %dma_start3A_250 = arith.constant 7 : i32
        %dma_start3A_251 = arith.constant 0 : i32
        %dma_start3A_252 = tpu.memref_slice %arg11[%dma_start3A_250, %dma_start3A_251] : memref<25x80xi32, #tpu.memory_space<vmem>> -> memref<1x80xi32, #tpu.memory_space<vmem>>
        %dma_start3A_253 = tpu.memref_squeeze %dma_start3A_252 : memref<1x80xi32, #tpu.memory_space<vmem>> -> memref<80xi32, #tpu.memory_space<vmem>>
        %dma_start3A_254 = arith.constant 0 : i32
        %dma_start3A_255 = arith.constant 0 : i32
        %dma_start3A_256 = tpu.memref_slice %arg15[%dma_start3A_254, %dma_start3A_255] : memref<10112x128xf32, #tpu.memory_space<vmem_shared>> -> memref<10112x128xf32, #tpu.memory_space<vmem_shared>>
        tpu.enqueue_indirect_dma source(%arg13 : memref<80x128xf32, #tpu.memory_space<vmem>>) target(%dma_start3A_256 : memref<10112x128xf32, #tpu.memory_space<vmem_shared>>) offsets(%dma_start3A_253 : memref<80xi32, #tpu.memory_space<vmem>>) semaphore(%arg22 : memref<!tpu.dma_semaphore, #tpu.memory_space<semaphore_mem>>) {add = true}
        %dma_wait3A_257 = arith.constant 7 : i32
        %dma_wait3A_258 = arith.constant 0 : i32
        %dma_wait3A_259 = tpu.memref_slice %arg11[%dma_wait3A_257, %dma_wait3A_258] : memref<25x80xi32, #tpu.memory_space<vmem>> -> memref<1x80xi32, #tpu.memory_space<vmem>>
        %dma_wait3A_260 = tpu.memref_squeeze %dma_wait3A_259 : memref<1x80xi32, #tpu.memory_space<vmem>> -> memref<80xi32, #tpu.memory_space<vmem>>
        %dma_wait3A_261 = arith.constant 0 : i32
        %dma_wait3A_262 = arith.constant 0 : i32
        %dma_wait3A_263 = tpu.memref_slice %arg15[%dma_wait3A_261, %dma_wait3A_262] : memref<10112x128xf32, #tpu.memory_space<vmem_shared>> -> memref<10112x128xf32, #tpu.memory_space<vmem_shared>>
        tpu.wait_indirect_dma semaphore(%arg21 : memref<!tpu.dma_semaphore, #tpu.memory_space<semaphore_mem>>) src(%arg12 : memref<80x128xf32, #tpu.memory_space<vmem>>) dst(%dma_wait3A_263 : memref<10112x128xf32, #tpu.memory_space<vmem_shared>>)
        %dma_start3A_264 = arith.constant 720 : i32
        %dma_start3A_265 = tpu.memref_slice %arg7[%dma_start3A_264] : memref<2000xi32, #tpu.memory_space<vmem>> -> memref<80xi32, #tpu.memory_space<vmem>>
        %dma_start3A_266 = arith.constant 0 : i32
        %dma_start3A_267 = arith.constant 0 : i32
        %dma_start3A_268 = tpu.memref_slice %arg2[%dma_start3A_266, %dma_start3A_267] : memref<160000x128xf32, #tpu.memory_space<hbm>> -> memref<160000x128xf32, #tpu.memory_space<hbm>>
        tpu.enqueue_indirect_dma source(%dma_start3A_268 : memref<160000x128xf32, #tpu.memory_space<hbm>>) target(%arg12 : memref<80x128xf32, #tpu.memory_space<vmem>>) offsets(%dma_start3A_265 : memref<80xi32, #tpu.memory_space<vmem>>) semaphore(%arg18 : memref<!tpu.dma_semaphore, #tpu.memory_space<semaphore_mem>>)
        %dma_wait3A_269 = arith.constant 640 : i32
        %dma_wait3A_270 = tpu.memref_slice %arg7[%dma_wait3A_269] : memref<2000xi32, #tpu.memory_space<vmem>> -> memref<80xi32, #tpu.memory_space<vmem>>
        %dma_wait3A_271 = arith.constant 0 : i32
        %dma_wait3A_272 = arith.constant 0 : i32
        %dma_wait3A_273 = tpu.memref_slice %arg2[%dma_wait3A_271, %dma_wait3A_272] : memref<160000x128xf32, #tpu.memory_space<hbm>> -> memref<160000x128xf32, #tpu.memory_space<hbm>>
        tpu.wait_indirect_dma semaphore(%arg20 : memref<!tpu.dma_semaphore, #tpu.memory_space<semaphore_mem>>) src(%dma_wait3A_273 : memref<160000x128xf32, #tpu.memory_space<hbm>>) dst(%arg14 : memref<80x128xf32, #tpu.memory_space<vmem>>)
        %dma_start3A_274 = arith.constant 8 : i32
        %dma_start3A_275 = arith.constant 0 : i32
        %dma_start3A_276 = tpu.memref_slice %arg11[%dma_start3A_274, %dma_start3A_275] : memref<25x80xi32, #tpu.memory_space<vmem>> -> memref<1x80xi32, #tpu.memory_space<vmem>>
        %dma_start3A_277 = tpu.memref_squeeze %dma_start3A_276 : memref<1x80xi32, #tpu.memory_space<vmem>> -> memref<80xi32, #tpu.memory_space<vmem>>
        %dma_start3A_278 = arith.constant 0 : i32
        %dma_start3A_279 = arith.constant 0 : i32
        %dma_start3A_280 = tpu.memref_slice %arg15[%dma_start3A_278, %dma_start3A_279] : memref<10112x128xf32, #tpu.memory_space<vmem_shared>> -> memref<10112x128xf32, #tpu.memory_space<vmem_shared>>
        tpu.enqueue_indirect_dma source(%arg14 : memref<80x128xf32, #tpu.memory_space<vmem>>) target(%dma_start3A_280 : memref<10112x128xf32, #tpu.memory_space<vmem_shared>>) offsets(%dma_start3A_277 : memref<80xi32, #tpu.memory_space<vmem>>) semaphore(%arg23 : memref<!tpu.dma_semaphore, #tpu.memory_space<semaphore_mem>>) {add = true}
        %dma_wait3A_281 = arith.constant 8 : i32
        %dma_wait3A_282 = arith.constant 0 : i32
        %dma_wait3A_283 = tpu.memref_slice %arg11[%dma_wait3A_281, %dma_wait3A_282] : memref<25x80xi32, #tpu.memory_space<vmem>> -> memref<1x80xi32, #tpu.memory_space<vmem>>
        %dma_wait3A_284 = tpu.memref_squeeze %dma_wait3A_283 : memref<1x80xi32, #tpu.memory_space<vmem>> -> memref<80xi32, #tpu.memory_space<vmem>>
        %dma_wait3A_285 = arith.constant 0 : i32
        %dma_wait3A_286 = arith.constant 0 : i32
        %dma_wait3A_287 = tpu.memref_slice %arg15[%dma_wait3A_285, %dma_wait3A_286] : memref<10112x128xf32, #tpu.memory_space<vmem_shared>> -> memref<10112x128xf32, #tpu.memory_space<vmem_shared>>
        tpu.wait_indirect_dma semaphore(%arg22 : memref<!tpu.dma_semaphore, #tpu.memory_space<semaphore_mem>>) src(%arg13 : memref<80x128xf32, #tpu.memory_space<vmem>>) dst(%dma_wait3A_287 : memref<10112x128xf32, #tpu.memory_space<vmem_shared>>)
        %dma_start3A_288 = arith.constant 800 : i32
        %dma_start3A_289 = tpu.memref_slice %arg7[%dma_start3A_288] : memref<2000xi32, #tpu.memory_space<vmem>> -> memref<80xi32, #tpu.memory_space<vmem>>
        %dma_start3A_290 = arith.constant 0 : i32
        %dma_start3A_291 = arith.constant 0 : i32
        %dma_start3A_292 = tpu.memref_slice %arg2[%dma_start3A_290, %dma_start3A_291] : memref<160000x128xf32, #tpu.memory_space<hbm>> -> memref<160000x128xf32, #tpu.memory_space<hbm>>
        tpu.enqueue_indirect_dma source(%dma_start3A_292 : memref<160000x128xf32, #tpu.memory_space<hbm>>) target(%arg13 : memref<80x128xf32, #tpu.memory_space<vmem>>) offsets(%dma_start3A_289 : memref<80xi32, #tpu.memory_space<vmem>>) semaphore(%arg19 : memref<!tpu.dma_semaphore, #tpu.memory_space<semaphore_mem>>)
        %dma_wait3A_293 = arith.constant 720 : i32
        %dma_wait3A_294 = tpu.memref_slice %arg7[%dma_wait3A_293] : memref<2000xi32, #tpu.memory_space<vmem>> -> memref<80xi32, #tpu.memory_space<vmem>>
        %dma_wait3A_295 = arith.constant 0 : i32
        %dma_wait3A_296 = arith.constant 0 : i32
        %dma_wait3A_297 = tpu.memref_slice %arg2[%dma_wait3A_295, %dma_wait3A_296] : memref<160000x128xf32, #tpu.memory_space<hbm>> -> memref<160000x128xf32, #tpu.memory_space<hbm>>
        tpu.wait_indirect_dma semaphore(%arg18 : memref<!tpu.dma_semaphore, #tpu.memory_space<semaphore_mem>>) src(%dma_wait3A_297 : memref<160000x128xf32, #tpu.memory_space<hbm>>) dst(%arg12 : memref<80x128xf32, #tpu.memory_space<vmem>>)
        %dma_start3A_298 = arith.constant 9 : i32
        %dma_start3A_299 = arith.constant 0 : i32
        %dma_start3A_300 = tpu.memref_slice %arg11[%dma_start3A_298, %dma_start3A_299] : memref<25x80xi32, #tpu.memory_space<vmem>> -> memref<1x80xi32, #tpu.memory_space<vmem>>
        %dma_start3A_301 = tpu.memref_squeeze %dma_start3A_300 : memref<1x80xi32, #tpu.memory_space<vmem>> -> memref<80xi32, #tpu.memory_space<vmem>>
        %dma_start3A_302 = arith.constant 0 : i32
        %dma_start3A_303 = arith.constant 0 : i32
        %dma_start3A_304 = tpu.memref_slice %arg15[%dma_start3A_302, %dma_start3A_303] : memref<10112x128xf32, #tpu.memory_space<vmem_shared>> -> memref<10112x128xf32, #tpu.memory_space<vmem_shared>>
        tpu.enqueue_indirect_dma source(%arg12 : memref<80x128xf32, #tpu.memory_space<vmem>>) target(%dma_start3A_304 : memref<10112x128xf32, #tpu.memory_space<vmem_shared>>) offsets(%dma_start3A_301 : memref<80xi32, #tpu.memory_space<vmem>>) semaphore(%arg21 : memref<!tpu.dma_semaphore, #tpu.memory_space<semaphore_mem>>) {add = true}
        %dma_wait3A_305 = arith.constant 9 : i32
        %dma_wait3A_306 = arith.constant 0 : i32
        %dma_wait3A_307 = tpu.memref_slice %arg11[%dma_wait3A_305, %dma_wait3A_306] : memref<25x80xi32, #tpu.memory_space<vmem>> -> memref<1x80xi32, #tpu.memory_space<vmem>>
        %dma_wait3A_308 = tpu.memref_squeeze %dma_wait3A_307 : memref<1x80xi32, #tpu.memory_space<vmem>> -> memref<80xi32, #tpu.memory_space<vmem>>
        %dma_wait3A_309 = arith.constant 0 : i32
        %dma_wait3A_310 = arith.constant 0 : i32
        %dma_wait3A_311 = tpu.memref_slice %arg15[%dma_wait3A_309, %dma_wait3A_310] : memref<10112x128xf32, #tpu.memory_space<vmem_shared>> -> memref<10112x128xf32, #tpu.memory_space<vmem_shared>>
        tpu.wait_indirect_dma semaphore(%arg23 : memref<!tpu.dma_semaphore, #tpu.memory_space<semaphore_mem>>) src(%arg14 : memref<80x128xf32, #tpu.memory_space<vmem>>) dst(%dma_wait3A_311 : memref<10112x128xf32, #tpu.memory_space<vmem_shared>>)
        %dma_start3A_312 = arith.constant 880 : i32
        %dma_start3A_313 = tpu.memref_slice %arg7[%dma_start3A_312] : memref<2000xi32, #tpu.memory_space<vmem>> -> memref<80xi32, #tpu.memory_space<vmem>>
        %dma_start3A_314 = arith.constant 0 : i32
        %dma_start3A_315 = arith.constant 0 : i32
        %dma_start3A_316 = tpu.memref_slice %arg2[%dma_start3A_314, %dma_start3A_315] : memref<160000x128xf32, #tpu.memory_space<hbm>> -> memref<160000x128xf32, #tpu.memory_space<hbm>>
        tpu.enqueue_indirect_dma source(%dma_start3A_316 : memref<160000x128xf32, #tpu.memory_space<hbm>>) target(%arg14 : memref<80x128xf32, #tpu.memory_space<vmem>>) offsets(%dma_start3A_313 : memref<80xi32, #tpu.memory_space<vmem>>) semaphore(%arg20 : memref<!tpu.dma_semaphore, #tpu.memory_space<semaphore_mem>>)
        %dma_wait3A_317 = arith.constant 800 : i32
        %dma_wait3A_318 = tpu.memref_slice %arg7[%dma_wait3A_317] : memref<2000xi32, #tpu.memory_space<vmem>> -> memref<80xi32, #tpu.memory_space<vmem>>
        %dma_wait3A_319 = arith.constant 0 : i32
        %dma_wait3A_320 = arith.constant 0 : i32
        %dma_wait3A_321 = tpu.memref_slice %arg2[%dma_wait3A_319, %dma_wait3A_320] : memref<160000x128xf32, #tpu.memory_space<hbm>> -> memref<160000x128xf32, #tpu.memory_space<hbm>>
        tpu.wait_indirect_dma semaphore(%arg19 : memref<!tpu.dma_semaphore, #tpu.memory_space<semaphore_mem>>) src(%dma_wait3A_321 : memref<160000x128xf32, #tpu.memory_space<hbm>>) dst(%arg13 : memref<80x128xf32, #tpu.memory_space<vmem>>)
        %dma_start3A_322 = arith.constant 10 : i32
        %dma_start3A_323 = arith.constant 0 : i32
        %dma_start3A_324 = tpu.memref_slice %arg11[%dma_start3A_322, %dma_start3A_323] : memref<25x80xi32, #tpu.memory_space<vmem>> -> memref<1x80xi32, #tpu.memory_space<vmem>>
        %dma_start3A_325 = tpu.memref_squeeze %dma_start3A_324 : memref<1x80xi32, #tpu.memory_space<vmem>> -> memref<80xi32, #tpu.memory_space<vmem>>
        %dma_start3A_326 = arith.constant 0 : i32
        %dma_start3A_327 = arith.constant 0 : i32
        %dma_start3A_328 = tpu.memref_slice %arg15[%dma_start3A_326, %dma_start3A_327] : memref<10112x128xf32, #tpu.memory_space<vmem_shared>> -> memref<10112x128xf32, #tpu.memory_space<vmem_shared>>
        tpu.enqueue_indirect_dma source(%arg13 : memref<80x128xf32, #tpu.memory_space<vmem>>) target(%dma_start3A_328 : memref<10112x128xf32, #tpu.memory_space<vmem_shared>>) offsets(%dma_start3A_325 : memref<80xi32, #tpu.memory_space<vmem>>) semaphore(%arg22 : memref<!tpu.dma_semaphore, #tpu.memory_space<semaphore_mem>>) {add = true}
        %dma_wait3A_329 = arith.constant 10 : i32
        %dma_wait3A_330 = arith.constant 0 : i32
        %dma_wait3A_331 = tpu.memref_slice %arg11[%dma_wait3A_329, %dma_wait3A_330] : memref<25x80xi32, #tpu.memory_space<vmem>> -> memref<1x80xi32, #tpu.memory_space<vmem>>
        %dma_wait3A_332 = tpu.memref_squeeze %dma_wait3A_331 : memref<1x80xi32, #tpu.memory_space<vmem>> -> memref<80xi32, #tpu.memory_space<vmem>>
        %dma_wait3A_333 = arith.constant 0 : i32
        %dma_wait3A_334 = arith.constant 0 : i32
        %dma_wait3A_335 = tpu.memref_slice %arg15[%dma_wait3A_333, %dma_wait3A_334] : memref<10112x128xf32, #tpu.memory_space<vmem_shared>> -> memref<10112x128xf32, #tpu.memory_space<vmem_shared>>
        tpu.wait_indirect_dma semaphore(%arg21 : memref<!tpu.dma_semaphore, #tpu.memory_space<semaphore_mem>>) src(%arg12 : memref<80x128xf32, #tpu.memory_space<vmem>>) dst(%dma_wait3A_335 : memref<10112x128xf32, #tpu.memory_space<vmem_shared>>)
        %dma_start3A_336 = arith.constant 960 : i32
        %dma_start3A_337 = tpu.memref_slice %arg7[%dma_start3A_336] : memref<2000xi32, #tpu.memory_space<vmem>> -> memref<80xi32, #tpu.memory_space<vmem>>
        %dma_start3A_338 = arith.constant 0 : i32
        %dma_start3A_339 = arith.constant 0 : i32
        %dma_start3A_340 = tpu.memref_slice %arg2[%dma_start3A_338, %dma_start3A_339] : memref<160000x128xf32, #tpu.memory_space<hbm>> -> memref<160000x128xf32, #tpu.memory_space<hbm>>
        tpu.enqueue_indirect_dma source(%dma_start3A_340 : memref<160000x128xf32, #tpu.memory_space<hbm>>) target(%arg12 : memref<80x128xf32, #tpu.memory_space<vmem>>) offsets(%dma_start3A_337 : memref<80xi32, #tpu.memory_space<vmem>>) semaphore(%arg18 : memref<!tpu.dma_semaphore, #tpu.memory_space<semaphore_mem>>)
        %dma_wait3A_341 = arith.constant 880 : i32
        %dma_wait3A_342 = tpu.memref_slice %arg7[%dma_wait3A_341] : memref<2000xi32, #tpu.memory_space<vmem>> -> memref<80xi32, #tpu.memory_space<vmem>>
        %dma_wait3A_343 = arith.constant 0 : i32
        %dma_wait3A_344 = arith.constant 0 : i32
        %dma_wait3A_345 = tpu.memref_slice %arg2[%dma_wait3A_343, %dma_wait3A_344] : memref<160000x128xf32, #tpu.memory_space<hbm>> -> memref<160000x128xf32, #tpu.memory_space<hbm>>
        tpu.wait_indirect_dma semaphore(%arg20 : memref<!tpu.dma_semaphore, #tpu.memory_space<semaphore_mem>>) src(%dma_wait3A_345 : memref<160000x128xf32, #tpu.memory_space<hbm>>) dst(%arg14 : memref<80x128xf32, #tpu.memory_space<vmem>>)
        %dma_start3A_346 = arith.constant 11 : i32
        %dma_start3A_347 = arith.constant 0 : i32
        %dma_start3A_348 = tpu.memref_slice %arg11[%dma_start3A_346, %dma_start3A_347] : memref<25x80xi32, #tpu.memory_space<vmem>> -> memref<1x80xi32, #tpu.memory_space<vmem>>
        %dma_start3A_349 = tpu.memref_squeeze %dma_start3A_348 : memref<1x80xi32, #tpu.memory_space<vmem>> -> memref<80xi32, #tpu.memory_space<vmem>>
        %dma_start3A_350 = arith.constant 0 : i32
        %dma_start3A_351 = arith.constant 0 : i32
        %dma_start3A_352 = tpu.memref_slice %arg15[%dma_start3A_350, %dma_start3A_351] : memref<10112x128xf32, #tpu.memory_space<vmem_shared>> -> memref<10112x128xf32, #tpu.memory_space<vmem_shared>>
        tpu.enqueue_indirect_dma source(%arg14 : memref<80x128xf32, #tpu.memory_space<vmem>>) target(%dma_start3A_352 : memref<10112x128xf32, #tpu.memory_space<vmem_shared>>) offsets(%dma_start3A_349 : memref<80xi32, #tpu.memory_space<vmem>>) semaphore(%arg23 : memref<!tpu.dma_semaphore, #tpu.memory_space<semaphore_mem>>) {add = true}
        %dma_wait3A_353 = arith.constant 11 : i32
        %dma_wait3A_354 = arith.constant 0 : i32
        %dma_wait3A_355 = tpu.memref_slice %arg11[%dma_wait3A_353, %dma_wait3A_354] : memref<25x80xi32, #tpu.memory_space<vmem>> -> memref<1x80xi32, #tpu.memory_space<vmem>>
        %dma_wait3A_356 = tpu.memref_squeeze %dma_wait3A_355 : memref<1x80xi32, #tpu.memory_space<vmem>> -> memref<80xi32, #tpu.memory_space<vmem>>
        %dma_wait3A_357 = arith.constant 0 : i32
        %dma_wait3A_358 = arith.constant 0 : i32
        %dma_wait3A_359 = tpu.memref_slice %arg15[%dma_wait3A_357, %dma_wait3A_358] : memref<10112x128xf32, #tpu.memory_space<vmem_shared>> -> memref<10112x128xf32, #tpu.memory_space<vmem_shared>>
        tpu.wait_indirect_dma semaphore(%arg22 : memref<!tpu.dma_semaphore, #tpu.memory_space<semaphore_mem>>) src(%arg13 : memref<80x128xf32, #tpu.memory_space<vmem>>) dst(%dma_wait3A_359 : memref<10112x128xf32, #tpu.memory_space<vmem_shared>>)
        %dma_start3A_360 = arith.constant 1040 : i32
        %dma_start3A_361 = tpu.memref_slice %arg7[%dma_start3A_360] : memref<2000xi32, #tpu.memory_space<vmem>> -> memref<80xi32, #tpu.memory_space<vmem>>
        %dma_start3A_362 = arith.constant 0 : i32
        %dma_start3A_363 = arith.constant 0 : i32
        %dma_start3A_364 = tpu.memref_slice %arg2[%dma_start3A_362, %dma_start3A_363] : memref<160000x128xf32, #tpu.memory_space<hbm>> -> memref<160000x128xf32, #tpu.memory_space<hbm>>
        tpu.enqueue_indirect_dma source(%dma_start3A_364 : memref<160000x128xf32, #tpu.memory_space<hbm>>) target(%arg13 : memref<80x128xf32, #tpu.memory_space<vmem>>) offsets(%dma_start3A_361 : memref<80xi32, #tpu.memory_space<vmem>>) semaphore(%arg19 : memref<!tpu.dma_semaphore, #tpu.memory_space<semaphore_mem>>)
        %dma_wait3A_365 = arith.constant 960 : i32
        %dma_wait3A_366 = tpu.memref_slice %arg7[%dma_wait3A_365] : memref<2000xi32, #tpu.memory_space<vmem>> -> memref<80xi32, #tpu.memory_space<vmem>>
        %dma_wait3A_367 = arith.constant 0 : i32
        %dma_wait3A_368 = arith.constant 0 : i32
        %dma_wait3A_369 = tpu.memref_slice %arg2[%dma_wait3A_367, %dma_wait3A_368] : memref<160000x128xf32, #tpu.memory_space<hbm>> -> memref<160000x128xf32, #tpu.memory_space<hbm>>
        tpu.wait_indirect_dma semaphore(%arg18 : memref<!tpu.dma_semaphore, #tpu.memory_space<semaphore_mem>>) src(%dma_wait3A_369 : memref<160000x128xf32, #tpu.memory_space<hbm>>) dst(%arg12 : memref<80x128xf32, #tpu.memory_space<vmem>>)
        %dma_start3A_370 = arith.constant 12 : i32
        %dma_start3A_371 = arith.constant 0 : i32
        %dma_start3A_372 = tpu.memref_slice %arg11[%dma_start3A_370, %dma_start3A_371] : memref<25x80xi32, #tpu.memory_space<vmem>> -> memref<1x80xi32, #tpu.memory_space<vmem>>
        %dma_start3A_373 = tpu.memref_squeeze %dma_start3A_372 : memref<1x80xi32, #tpu.memory_space<vmem>> -> memref<80xi32, #tpu.memory_space<vmem>>
        %dma_start3A_374 = arith.constant 0 : i32
        %dma_start3A_375 = arith.constant 0 : i32
        %dma_start3A_376 = tpu.memref_slice %arg15[%dma_start3A_374, %dma_start3A_375] : memref<10112x128xf32, #tpu.memory_space<vmem_shared>> -> memref<10112x128xf32, #tpu.memory_space<vmem_shared>>
        tpu.enqueue_indirect_dma source(%arg12 : memref<80x128xf32, #tpu.memory_space<vmem>>) target(%dma_start3A_376 : memref<10112x128xf32, #tpu.memory_space<vmem_shared>>) offsets(%dma_start3A_373 : memref<80xi32, #tpu.memory_space<vmem>>) semaphore(%arg21 : memref<!tpu.dma_semaphore, #tpu.memory_space<semaphore_mem>>) {add = true}
        %dma_wait3A_377 = arith.constant 12 : i32
        %dma_wait3A_378 = arith.constant 0 : i32
        %dma_wait3A_379 = tpu.memref_slice %arg11[%dma_wait3A_377, %dma_wait3A_378] : memref<25x80xi32, #tpu.memory_space<vmem>> -> memref<1x80xi32, #tpu.memory_space<vmem>>
        %dma_wait3A_380 = tpu.memref_squeeze %dma_wait3A_379 : memref<1x80xi32, #tpu.memory_space<vmem>> -> memref<80xi32, #tpu.memory_space<vmem>>
        %dma_wait3A_381 = arith.constant 0 : i32
        %dma_wait3A_382 = arith.constant 0 : i32
        %dma_wait3A_383 = tpu.memref_slice %arg15[%dma_wait3A_381, %dma_wait3A_382] : memref<10112x128xf32, #tpu.memory_space<vmem_shared>> -> memref<10112x128xf32, #tpu.memory_space<vmem_shared>>
        tpu.wait_indirect_dma semaphore(%arg23 : memref<!tpu.dma_semaphore, #tpu.memory_space<semaphore_mem>>) src(%arg14 : memref<80x128xf32, #tpu.memory_space<vmem>>) dst(%dma_wait3A_383 : memref<10112x128xf32, #tpu.memory_space<vmem_shared>>)
        %dma_start3A_384 = arith.constant 1120 : i32
        %dma_start3A_385 = tpu.memref_slice %arg7[%dma_start3A_384] : memref<2000xi32, #tpu.memory_space<vmem>> -> memref<80xi32, #tpu.memory_space<vmem>>
        %dma_start3A_386 = arith.constant 0 : i32
        %dma_start3A_387 = arith.constant 0 : i32
        %dma_start3A_388 = tpu.memref_slice %arg2[%dma_start3A_386, %dma_start3A_387] : memref<160000x128xf32, #tpu.memory_space<hbm>> -> memref<160000x128xf32, #tpu.memory_space<hbm>>
        tpu.enqueue_indirect_dma source(%dma_start3A_388 : memref<160000x128xf32, #tpu.memory_space<hbm>>) target(%arg14 : memref<80x128xf32, #tpu.memory_space<vmem>>) offsets(%dma_start3A_385 : memref<80xi32, #tpu.memory_space<vmem>>) semaphore(%arg20 : memref<!tpu.dma_semaphore, #tpu.memory_space<semaphore_mem>>)
        %dma_wait3A_389 = arith.constant 1040 : i32
        %dma_wait3A_390 = tpu.memref_slice %arg7[%dma_wait3A_389] : memref<2000xi32, #tpu.memory_space<vmem>> -> memref<80xi32, #tpu.memory_space<vmem>>
        %dma_wait3A_391 = arith.constant 0 : i32
        %dma_wait3A_392 = arith.constant 0 : i32
        %dma_wait3A_393 = tpu.memref_slice %arg2[%dma_wait3A_391, %dma_wait3A_392] : memref<160000x128xf32, #tpu.memory_space<hbm>> -> memref<160000x128xf32, #tpu.memory_space<hbm>>
        tpu.wait_indirect_dma semaphore(%arg19 : memref<!tpu.dma_semaphore, #tpu.memory_space<semaphore_mem>>) src(%dma_wait3A_393 : memref<160000x128xf32, #tpu.memory_space<hbm>>) dst(%arg13 : memref<80x128xf32, #tpu.memory_space<vmem>>)
        %dma_start3A_394 = arith.constant 13 : i32
        %dma_start3A_395 = arith.constant 0 : i32
        %dma_start3A_396 = tpu.memref_slice %arg11[%dma_start3A_394, %dma_start3A_395] : memref<25x80xi32, #tpu.memory_space<vmem>> -> memref<1x80xi32, #tpu.memory_space<vmem>>
        %dma_start3A_397 = tpu.memref_squeeze %dma_start3A_396 : memref<1x80xi32, #tpu.memory_space<vmem>> -> memref<80xi32, #tpu.memory_space<vmem>>
        %dma_start3A_398 = arith.constant 0 : i32
        %dma_start3A_399 = arith.constant 0 : i32
        %dma_start3A_400 = tpu.memref_slice %arg15[%dma_start3A_398, %dma_start3A_399] : memref<10112x128xf32, #tpu.memory_space<vmem_shared>> -> memref<10112x128xf32, #tpu.memory_space<vmem_shared>>
        tpu.enqueue_indirect_dma source(%arg13 : memref<80x128xf32, #tpu.memory_space<vmem>>) target(%dma_start3A_400 : memref<10112x128xf32, #tpu.memory_space<vmem_shared>>) offsets(%dma_start3A_397 : memref<80xi32, #tpu.memory_space<vmem>>) semaphore(%arg22 : memref<!tpu.dma_semaphore, #tpu.memory_space<semaphore_mem>>) {add = true}
        %dma_wait3A_401 = arith.constant 13 : i32
        %dma_wait3A_402 = arith.constant 0 : i32
        %dma_wait3A_403 = tpu.memref_slice %arg11[%dma_wait3A_401, %dma_wait3A_402] : memref<25x80xi32, #tpu.memory_space<vmem>> -> memref<1x80xi32, #tpu.memory_space<vmem>>
        %dma_wait3A_404 = tpu.memref_squeeze %dma_wait3A_403 : memref<1x80xi32, #tpu.memory_space<vmem>> -> memref<80xi32, #tpu.memory_space<vmem>>
        %dma_wait3A_405 = arith.constant 0 : i32
        %dma_wait3A_406 = arith.constant 0 : i32
        %dma_wait3A_407 = tpu.memref_slice %arg15[%dma_wait3A_405, %dma_wait3A_406] : memref<10112x128xf32, #tpu.memory_space<vmem_shared>> -> memref<10112x128xf32, #tpu.memory_space<vmem_shared>>
        tpu.wait_indirect_dma semaphore(%arg21 : memref<!tpu.dma_semaphore, #tpu.memory_space<semaphore_mem>>) src(%arg12 : memref<80x128xf32, #tpu.memory_space<vmem>>) dst(%dma_wait3A_407 : memref<10112x128xf32, #tpu.memory_space<vmem_shared>>)
        %dma_start3A_408 = arith.constant 1200 : i32
        %dma_start3A_409 = tpu.memref_slice %arg7[%dma_start3A_408] : memref<2000xi32, #tpu.memory_space<vmem>> -> memref<80xi32, #tpu.memory_space<vmem>>
        %dma_start3A_410 = arith.constant 0 : i32
        %dma_start3A_411 = arith.constant 0 : i32
        %dma_start3A_412 = tpu.memref_slice %arg2[%dma_start3A_410, %dma_start3A_411] : memref<160000x128xf32, #tpu.memory_space<hbm>> -> memref<160000x128xf32, #tpu.memory_space<hbm>>
        tpu.enqueue_indirect_dma source(%dma_start3A_412 : memref<160000x128xf32, #tpu.memory_space<hbm>>) target(%arg12 : memref<80x128xf32, #tpu.memory_space<vmem>>) offsets(%dma_start3A_409 : memref<80xi32, #tpu.memory_space<vmem>>) semaphore(%arg18 : memref<!tpu.dma_semaphore, #tpu.memory_space<semaphore_mem>>)
        %dma_wait3A_413 = arith.constant 1120 : i32
        %dma_wait3A_414 = tpu.memref_slice %arg7[%dma_wait3A_413] : memref<2000xi32, #tpu.memory_space<vmem>> -> memref<80xi32, #tpu.memory_space<vmem>>
        %dma_wait3A_415 = arith.constant 0 : i32
        %dma_wait3A_416 = arith.constant 0 : i32
        %dma_wait3A_417 = tpu.memref_slice %arg2[%dma_wait3A_415, %dma_wait3A_416] : memref<160000x128xf32, #tpu.memory_space<hbm>> -> memref<160000x128xf32, #tpu.memory_space<hbm>>
        tpu.wait_indirect_dma semaphore(%arg20 : memref<!tpu.dma_semaphore, #tpu.memory_space<semaphore_mem>>) src(%dma_wait3A_417 : memref<160000x128xf32, #tpu.memory_space<hbm>>) dst(%arg14 : memref<80x128xf32, #tpu.memory_space<vmem>>)
        %dma_start3A_418 = arith.constant 14 : i32
        %dma_start3A_419 = arith.constant 0 : i32
        %dma_start3A_420 = tpu.memref_slice %arg11[%dma_start3A_418, %dma_start3A_419] : memref<25x80xi32, #tpu.memory_space<vmem>> -> memref<1x80xi32, #tpu.memory_space<vmem>>
        %dma_start3A_421 = tpu.memref_squeeze %dma_start3A_420 : memref<1x80xi32, #tpu.memory_space<vmem>> -> memref<80xi32, #tpu.memory_space<vmem>>
        %dma_start3A_422 = arith.constant 0 : i32
        %dma_start3A_423 = arith.constant 0 : i32
        %dma_start3A_424 = tpu.memref_slice %arg15[%dma_start3A_422, %dma_start3A_423] : memref<10112x128xf32, #tpu.memory_space<vmem_shared>> -> memref<10112x128xf32, #tpu.memory_space<vmem_shared>>
        tpu.enqueue_indirect_dma source(%arg14 : memref<80x128xf32, #tpu.memory_space<vmem>>) target(%dma_start3A_424 : memref<10112x128xf32, #tpu.memory_space<vmem_shared>>) offsets(%dma_start3A_421 : memref<80xi32, #tpu.memory_space<vmem>>) semaphore(%arg23 : memref<!tpu.dma_semaphore, #tpu.memory_space<semaphore_mem>>) {add = true}
        %dma_wait3A_425 = arith.constant 14 : i32
        %dma_wait3A_426 = arith.constant 0 : i32
        %dma_wait3A_427 = tpu.memref_slice %arg11[%dma_wait3A_425, %dma_wait3A_426] : memref<25x80xi32, #tpu.memory_space<vmem>> -> memref<1x80xi32, #tpu.memory_space<vmem>>
        %dma_wait3A_428 = tpu.memref_squeeze %dma_wait3A_427 : memref<1x80xi32, #tpu.memory_space<vmem>> -> memref<80xi32, #tpu.memory_space<vmem>>
        %dma_wait3A_429 = arith.constant 0 : i32
        %dma_wait3A_430 = arith.constant 0 : i32
        %dma_wait3A_431 = tpu.memref_slice %arg15[%dma_wait3A_429, %dma_wait3A_430] : memref<10112x128xf32, #tpu.memory_space<vmem_shared>> -> memref<10112x128xf32, #tpu.memory_space<vmem_shared>>
        tpu.wait_indirect_dma semaphore(%arg22 : memref<!tpu.dma_semaphore, #tpu.memory_space<semaphore_mem>>) src(%arg13 : memref<80x128xf32, #tpu.memory_space<vmem>>) dst(%dma_wait3A_431 : memref<10112x128xf32, #tpu.memory_space<vmem_shared>>)
        %dma_start3A_432 = arith.constant 1280 : i32
        %dma_start3A_433 = tpu.memref_slice %arg7[%dma_start3A_432] : memref<2000xi32, #tpu.memory_space<vmem>> -> memref<80xi32, #tpu.memory_space<vmem>>
        %dma_start3A_434 = arith.constant 0 : i32
        %dma_start3A_435 = arith.constant 0 : i32
        %dma_start3A_436 = tpu.memref_slice %arg2[%dma_start3A_434, %dma_start3A_435] : memref<160000x128xf32, #tpu.memory_space<hbm>> -> memref<160000x128xf32, #tpu.memory_space<hbm>>
        tpu.enqueue_indirect_dma source(%dma_start3A_436 : memref<160000x128xf32, #tpu.memory_space<hbm>>) target(%arg13 : memref<80x128xf32, #tpu.memory_space<vmem>>) offsets(%dma_start3A_433 : memref<80xi32, #tpu.memory_space<vmem>>) semaphore(%arg19 : memref<!tpu.dma_semaphore, #tpu.memory_space<semaphore_mem>>)
        %dma_wait3A_437 = arith.constant 1200 : i32
        %dma_wait3A_438 = tpu.memref_slice %arg7[%dma_wait3A_437] : memref<2000xi32, #tpu.memory_space<vmem>> -> memref<80xi32, #tpu.memory_space<vmem>>
        %dma_wait3A_439 = arith.constant 0 : i32
        %dma_wait3A_440 = arith.constant 0 : i32
        %dma_wait3A_441 = tpu.memref_slice %arg2[%dma_wait3A_439, %dma_wait3A_440] : memref<160000x128xf32, #tpu.memory_space<hbm>> -> memref<160000x128xf32, #tpu.memory_space<hbm>>
        tpu.wait_indirect_dma semaphore(%arg18 : memref<!tpu.dma_semaphore, #tpu.memory_space<semaphore_mem>>) src(%dma_wait3A_441 : memref<160000x128xf32, #tpu.memory_space<hbm>>) dst(%arg12 : memref<80x128xf32, #tpu.memory_space<vmem>>)
        %dma_start3A_442 = arith.constant 15 : i32
        %dma_start3A_443 = arith.constant 0 : i32
        %dma_start3A_444 = tpu.memref_slice %arg11[%dma_start3A_442, %dma_start3A_443] : memref<25x80xi32, #tpu.memory_space<vmem>> -> memref<1x80xi32, #tpu.memory_space<vmem>>
        %dma_start3A_445 = tpu.memref_squeeze %dma_start3A_444 : memref<1x80xi32, #tpu.memory_space<vmem>> -> memref<80xi32, #tpu.memory_space<vmem>>
        %dma_start3A_446 = arith.constant 0 : i32
        %dma_start3A_447 = arith.constant 0 : i32
        %dma_start3A_448 = tpu.memref_slice %arg15[%dma_start3A_446, %dma_start3A_447] : memref<10112x128xf32, #tpu.memory_space<vmem_shared>> -> memref<10112x128xf32, #tpu.memory_space<vmem_shared>>
        tpu.enqueue_indirect_dma source(%arg12 : memref<80x128xf32, #tpu.memory_space<vmem>>) target(%dma_start3A_448 : memref<10112x128xf32, #tpu.memory_space<vmem_shared>>) offsets(%dma_start3A_445 : memref<80xi32, #tpu.memory_space<vmem>>) semaphore(%arg21 : memref<!tpu.dma_semaphore, #tpu.memory_space<semaphore_mem>>) {add = true}
        %dma_wait3A_449 = arith.constant 15 : i32
        %dma_wait3A_450 = arith.constant 0 : i32
        %dma_wait3A_451 = tpu.memref_slice %arg11[%dma_wait3A_449, %dma_wait3A_450] : memref<25x80xi32, #tpu.memory_space<vmem>> -> memref<1x80xi32, #tpu.memory_space<vmem>>
        %dma_wait3A_452 = tpu.memref_squeeze %dma_wait3A_451 : memref<1x80xi32, #tpu.memory_space<vmem>> -> memref<80xi32, #tpu.memory_space<vmem>>
        %dma_wait3A_453 = arith.constant 0 : i32
        %dma_wait3A_454 = arith.constant 0 : i32
        %dma_wait3A_455 = tpu.memref_slice %arg15[%dma_wait3A_453, %dma_wait3A_454] : memref<10112x128xf32, #tpu.memory_space<vmem_shared>> -> memref<10112x128xf32, #tpu.memory_space<vmem_shared>>
        tpu.wait_indirect_dma semaphore(%arg23 : memref<!tpu.dma_semaphore, #tpu.memory_space<semaphore_mem>>) src(%arg14 : memref<80x128xf32, #tpu.memory_space<vmem>>) dst(%dma_wait3A_455 : memref<10112x128xf32, #tpu.memory_space<vmem_shared>>)
        %dma_start3A_456 = arith.constant 1360 : i32
        %dma_start3A_457 = tpu.memref_slice %arg7[%dma_start3A_456] : memref<2000xi32, #tpu.memory_space<vmem>> -> memref<80xi32, #tpu.memory_space<vmem>>
        %dma_start3A_458 = arith.constant 0 : i32
        %dma_start3A_459 = arith.constant 0 : i32
        %dma_start3A_460 = tpu.memref_slice %arg2[%dma_start3A_458, %dma_start3A_459] : memref<160000x128xf32, #tpu.memory_space<hbm>> -> memref<160000x128xf32, #tpu.memory_space<hbm>>
        tpu.enqueue_indirect_dma source(%dma_start3A_460 : memref<160000x128xf32, #tpu.memory_space<hbm>>) target(%arg14 : memref<80x128xf32, #tpu.memory_space<vmem>>) offsets(%dma_start3A_457 : memref<80xi32, #tpu.memory_space<vmem>>) semaphore(%arg20 : memref<!tpu.dma_semaphore, #tpu.memory_space<semaphore_mem>>)
        %dma_wait3A_461 = arith.constant 1280 : i32
        %dma_wait3A_462 = tpu.memref_slice %arg7[%dma_wait3A_461] : memref<2000xi32, #tpu.memory_space<vmem>> -> memref<80xi32, #tpu.memory_space<vmem>>
        %dma_wait3A_463 = arith.constant 0 : i32
        %dma_wait3A_464 = arith.constant 0 : i32
        %dma_wait3A_465 = tpu.memref_slice %arg2[%dma_wait3A_463, %dma_wait3A_464] : memref<160000x128xf32, #tpu.memory_space<hbm>> -> memref<160000x128xf32, #tpu.memory_space<hbm>>
        tpu.wait_indirect_dma semaphore(%arg19 : memref<!tpu.dma_semaphore, #tpu.memory_space<semaphore_mem>>) src(%dma_wait3A_465 : memref<160000x128xf32, #tpu.memory_space<hbm>>) dst(%arg13 : memref<80x128xf32, #tpu.memory_space<vmem>>)
        %dma_start3A_466 = arith.constant 16 : i32
        %dma_start3A_467 = arith.constant 0 : i32
        %dma_start3A_468 = tpu.memref_slice %arg11[%dma_start3A_466, %dma_start3A_467] : memref<25x80xi32, #tpu.memory_space<vmem>> -> memref<1x80xi32, #tpu.memory_space<vmem>>
        %dma_start3A_469 = tpu.memref_squeeze %dma_start3A_468 : memref<1x80xi32, #tpu.memory_space<vmem>> -> memref<80xi32, #tpu.memory_space<vmem>>
        %dma_start3A_470 = arith.constant 0 : i32
        %dma_start3A_471 = arith.constant 0 : i32
        %dma_start3A_472 = tpu.memref_slice %arg15[%dma_start3A_470, %dma_start3A_471] : memref<10112x128xf32, #tpu.memory_space<vmem_shared>> -> memref<10112x128xf32, #tpu.memory_space<vmem_shared>>
        tpu.enqueue_indirect_dma source(%arg13 : memref<80x128xf32, #tpu.memory_space<vmem>>) target(%dma_start3A_472 : memref<10112x128xf32, #tpu.memory_space<vmem_shared>>) offsets(%dma_start3A_469 : memref<80xi32, #tpu.memory_space<vmem>>) semaphore(%arg22 : memref<!tpu.dma_semaphore, #tpu.memory_space<semaphore_mem>>) {add = true}
        %dma_wait3A_473 = arith.constant 16 : i32
        %dma_wait3A_474 = arith.constant 0 : i32
        %dma_wait3A_475 = tpu.memref_slice %arg11[%dma_wait3A_473, %dma_wait3A_474] : memref<25x80xi32, #tpu.memory_space<vmem>> -> memref<1x80xi32, #tpu.memory_space<vmem>>
        %dma_wait3A_476 = tpu.memref_squeeze %dma_wait3A_475 : memref<1x80xi32, #tpu.memory_space<vmem>> -> memref<80xi32, #tpu.memory_space<vmem>>
        %dma_wait3A_477 = arith.constant 0 : i32
        %dma_wait3A_478 = arith.constant 0 : i32
        %dma_wait3A_479 = tpu.memref_slice %arg15[%dma_wait3A_477, %dma_wait3A_478] : memref<10112x128xf32, #tpu.memory_space<vmem_shared>> -> memref<10112x128xf32, #tpu.memory_space<vmem_shared>>
        tpu.wait_indirect_dma semaphore(%arg21 : memref<!tpu.dma_semaphore, #tpu.memory_space<semaphore_mem>>) src(%arg12 : memref<80x128xf32, #tpu.memory_space<vmem>>) dst(%dma_wait3A_479 : memref<10112x128xf32, #tpu.memory_space<vmem_shared>>)
        %dma_start3A_480 = arith.constant 1440 : i32
        %dma_start3A_481 = tpu.memref_slice %arg7[%dma_start3A_480] : memref<2000xi32, #tpu.memory_space<vmem>> -> memref<80xi32, #tpu.memory_space<vmem>>
        %dma_start3A_482 = arith.constant 0 : i32
        %dma_start3A_483 = arith.constant 0 : i32
        %dma_start3A_484 = tpu.memref_slice %arg2[%dma_start3A_482, %dma_start3A_483] : memref<160000x128xf32, #tpu.memory_space<hbm>> -> memref<160000x128xf32, #tpu.memory_space<hbm>>
        tpu.enqueue_indirect_dma source(%dma_start3A_484 : memref<160000x128xf32, #tpu.memory_space<hbm>>) target(%arg12 : memref<80x128xf32, #tpu.memory_space<vmem>>) offsets(%dma_start3A_481 : memref<80xi32, #tpu.memory_space<vmem>>) semaphore(%arg18 : memref<!tpu.dma_semaphore, #tpu.memory_space<semaphore_mem>>)
        %dma_wait3A_485 = arith.constant 1360 : i32
        %dma_wait3A_486 = tpu.memref_slice %arg7[%dma_wait3A_485] : memref<2000xi32, #tpu.memory_space<vmem>> -> memref<80xi32, #tpu.memory_space<vmem>>
        %dma_wait3A_487 = arith.constant 0 : i32
        %dma_wait3A_488 = arith.constant 0 : i32
        %dma_wait3A_489 = tpu.memref_slice %arg2[%dma_wait3A_487, %dma_wait3A_488] : memref<160000x128xf32, #tpu.memory_space<hbm>> -> memref<160000x128xf32, #tpu.memory_space<hbm>>
        tpu.wait_indirect_dma semaphore(%arg20 : memref<!tpu.dma_semaphore, #tpu.memory_space<semaphore_mem>>) src(%dma_wait3A_489 : memref<160000x128xf32, #tpu.memory_space<hbm>>) dst(%arg14 : memref<80x128xf32, #tpu.memory_space<vmem>>)
        %dma_start3A_490 = arith.constant 17 : i32
        %dma_start3A_491 = arith.constant 0 : i32
        %dma_start3A_492 = tpu.memref_slice %arg11[%dma_start3A_490, %dma_start3A_491] : memref<25x80xi32, #tpu.memory_space<vmem>> -> memref<1x80xi32, #tpu.memory_space<vmem>>
        %dma_start3A_493 = tpu.memref_squeeze %dma_start3A_492 : memref<1x80xi32, #tpu.memory_space<vmem>> -> memref<80xi32, #tpu.memory_space<vmem>>
        %dma_start3A_494 = arith.constant 0 : i32
        %dma_start3A_495 = arith.constant 0 : i32
        %dma_start3A_496 = tpu.memref_slice %arg15[%dma_start3A_494, %dma_start3A_495] : memref<10112x128xf32, #tpu.memory_space<vmem_shared>> -> memref<10112x128xf32, #tpu.memory_space<vmem_shared>>
        tpu.enqueue_indirect_dma source(%arg14 : memref<80x128xf32, #tpu.memory_space<vmem>>) target(%dma_start3A_496 : memref<10112x128xf32, #tpu.memory_space<vmem_shared>>) offsets(%dma_start3A_493 : memref<80xi32, #tpu.memory_space<vmem>>) semaphore(%arg23 : memref<!tpu.dma_semaphore, #tpu.memory_space<semaphore_mem>>) {add = true}
        %dma_wait3A_497 = arith.constant 17 : i32
        %dma_wait3A_498 = arith.constant 0 : i32
        %dma_wait3A_499 = tpu.memref_slice %arg11[%dma_wait3A_497, %dma_wait3A_498] : memref<25x80xi32, #tpu.memory_space<vmem>> -> memref<1x80xi32, #tpu.memory_space<vmem>>
        %dma_wait3A_500 = tpu.memref_squeeze %dma_wait3A_499 : memref<1x80xi32, #tpu.memory_space<vmem>> -> memref<80xi32, #tpu.memory_space<vmem>>
        %dma_wait3A_501 = arith.constant 0 : i32
        %dma_wait3A_502 = arith.constant 0 : i32
        %dma_wait3A_503 = tpu.memref_slice %arg15[%dma_wait3A_501, %dma_wait3A_502] : memref<10112x128xf32, #tpu.memory_space<vmem_shared>> -> memref<10112x128xf32, #tpu.memory_space<vmem_shared>>
        tpu.wait_indirect_dma semaphore(%arg22 : memref<!tpu.dma_semaphore, #tpu.memory_space<semaphore_mem>>) src(%arg13 : memref<80x128xf32, #tpu.memory_space<vmem>>) dst(%dma_wait3A_503 : memref<10112x128xf32, #tpu.memory_space<vmem_shared>>)
        %dma_start3A_504 = arith.constant 1520 : i32
        %dma_start3A_505 = tpu.memref_slice %arg7[%dma_start3A_504] : memref<2000xi32, #tpu.memory_space<vmem>> -> memref<80xi32, #tpu.memory_space<vmem>>
        %dma_start3A_506 = arith.constant 0 : i32
        %dma_start3A_507 = arith.constant 0 : i32
        %dma_start3A_508 = tpu.memref_slice %arg2[%dma_start3A_506, %dma_start3A_507] : memref<160000x128xf32, #tpu.memory_space<hbm>> -> memref<160000x128xf32, #tpu.memory_space<hbm>>
        tpu.enqueue_indirect_dma source(%dma_start3A_508 : memref<160000x128xf32, #tpu.memory_space<hbm>>) target(%arg13 : memref<80x128xf32, #tpu.memory_space<vmem>>) offsets(%dma_start3A_505 : memref<80xi32, #tpu.memory_space<vmem>>) semaphore(%arg19 : memref<!tpu.dma_semaphore, #tpu.memory_space<semaphore_mem>>)
        %dma_wait3A_509 = arith.constant 1440 : i32
        %dma_wait3A_510 = tpu.memref_slice %arg7[%dma_wait3A_509] : memref<2000xi32, #tpu.memory_space<vmem>> -> memref<80xi32, #tpu.memory_space<vmem>>
        %dma_wait3A_511 = arith.constant 0 : i32
        %dma_wait3A_512 = arith.constant 0 : i32
        %dma_wait3A_513 = tpu.memref_slice %arg2[%dma_wait3A_511, %dma_wait3A_512] : memref<160000x128xf32, #tpu.memory_space<hbm>> -> memref<160000x128xf32, #tpu.memory_space<hbm>>
        tpu.wait_indirect_dma semaphore(%arg18 : memref<!tpu.dma_semaphore, #tpu.memory_space<semaphore_mem>>) src(%dma_wait3A_513 : memref<160000x128xf32, #tpu.memory_space<hbm>>) dst(%arg12 : memref<80x128xf32, #tpu.memory_space<vmem>>)
        %dma_start3A_514 = arith.constant 18 : i32
        %dma_start3A_515 = arith.constant 0 : i32
        %dma_start3A_516 = tpu.memref_slice %arg11[%dma_start3A_514, %dma_start3A_515] : memref<25x80xi32, #tpu.memory_space<vmem>> -> memref<1x80xi32, #tpu.memory_space<vmem>>
        %dma_start3A_517 = tpu.memref_squeeze %dma_start3A_516 : memref<1x80xi32, #tpu.memory_space<vmem>> -> memref<80xi32, #tpu.memory_space<vmem>>
        %dma_start3A_518 = arith.constant 0 : i32
        %dma_start3A_519 = arith.constant 0 : i32
        %dma_start3A_520 = tpu.memref_slice %arg15[%dma_start3A_518, %dma_start3A_519] : memref<10112x128xf32, #tpu.memory_space<vmem_shared>> -> memref<10112x128xf32, #tpu.memory_space<vmem_shared>>
        tpu.enqueue_indirect_dma source(%arg12 : memref<80x128xf32, #tpu.memory_space<vmem>>) target(%dma_start3A_520 : memref<10112x128xf32, #tpu.memory_space<vmem_shared>>) offsets(%dma_start3A_517 : memref<80xi32, #tpu.memory_space<vmem>>) semaphore(%arg21 : memref<!tpu.dma_semaphore, #tpu.memory_space<semaphore_mem>>) {add = true}
        %dma_wait3A_521 = arith.constant 18 : i32
        %dma_wait3A_522 = arith.constant 0 : i32
        %dma_wait3A_523 = tpu.memref_slice %arg11[%dma_wait3A_521, %dma_wait3A_522] : memref<25x80xi32, #tpu.memory_space<vmem>> -> memref<1x80xi32, #tpu.memory_space<vmem>>
        %dma_wait3A_524 = tpu.memref_squeeze %dma_wait3A_523 : memref<1x80xi32, #tpu.memory_space<vmem>> -> memref<80xi32, #tpu.memory_space<vmem>>
        %dma_wait3A_525 = arith.constant 0 : i32
        %dma_wait3A_526 = arith.constant 0 : i32
        %dma_wait3A_527 = tpu.memref_slice %arg15[%dma_wait3A_525, %dma_wait3A_526] : memref<10112x128xf32, #tpu.memory_space<vmem_shared>> -> memref<10112x128xf32, #tpu.memory_space<vmem_shared>>
        tpu.wait_indirect_dma semaphore(%arg23 : memref<!tpu.dma_semaphore, #tpu.memory_space<semaphore_mem>>) src(%arg14 : memref<80x128xf32, #tpu.memory_space<vmem>>) dst(%dma_wait3A_527 : memref<10112x128xf32, #tpu.memory_space<vmem_shared>>)
        %dma_start3A_528 = arith.constant 1600 : i32
        %dma_start3A_529 = tpu.memref_slice %arg7[%dma_start3A_528] : memref<2000xi32, #tpu.memory_space<vmem>> -> memref<80xi32, #tpu.memory_space<vmem>>
        %dma_start3A_530 = arith.constant 0 : i32
        %dma_start3A_531 = arith.constant 0 : i32
        %dma_start3A_532 = tpu.memref_slice %arg2[%dma_start3A_530, %dma_start3A_531] : memref<160000x128xf32, #tpu.memory_space<hbm>> -> memref<160000x128xf32, #tpu.memory_space<hbm>>
        tpu.enqueue_indirect_dma source(%dma_start3A_532 : memref<160000x128xf32, #tpu.memory_space<hbm>>) target(%arg14 : memref<80x128xf32, #tpu.memory_space<vmem>>) offsets(%dma_start3A_529 : memref<80xi32, #tpu.memory_space<vmem>>) semaphore(%arg20 : memref<!tpu.dma_semaphore, #tpu.memory_space<semaphore_mem>>)
        %dma_wait3A_533 = arith.constant 1520 : i32
        %dma_wait3A_534 = tpu.memref_slice %arg7[%dma_wait3A_533] : memref<2000xi32, #tpu.memory_space<vmem>> -> memref<80xi32, #tpu.memory_space<vmem>>
        %dma_wait3A_535 = arith.constant 0 : i32
        %dma_wait3A_536 = arith.constant 0 : i32
        %dma_wait3A_537 = tpu.memref_slice %arg2[%dma_wait3A_535, %dma_wait3A_536] : memref<160000x128xf32, #tpu.memory_space<hbm>> -> memref<160000x128xf32, #tpu.memory_space<hbm>>
        tpu.wait_indirect_dma semaphore(%arg19 : memref<!tpu.dma_semaphore, #tpu.memory_space<semaphore_mem>>) src(%dma_wait3A_537 : memref<160000x128xf32, #tpu.memory_space<hbm>>) dst(%arg13 : memref<80x128xf32, #tpu.memory_space<vmem>>)
        %dma_start3A_538 = arith.constant 19 : i32
        %dma_start3A_539 = arith.constant 0 : i32
        %dma_start3A_540 = tpu.memref_slice %arg11[%dma_start3A_538, %dma_start3A_539] : memref<25x80xi32, #tpu.memory_space<vmem>> -> memref<1x80xi32, #tpu.memory_space<vmem>>
        %dma_start3A_541 = tpu.memref_squeeze %dma_start3A_540 : memref<1x80xi32, #tpu.memory_space<vmem>> -> memref<80xi32, #tpu.memory_space<vmem>>
        %dma_start3A_542 = arith.constant 0 : i32
        %dma_start3A_543 = arith.constant 0 : i32
        %dma_start3A_544 = tpu.memref_slice %arg15[%dma_start3A_542, %dma_start3A_543] : memref<10112x128xf32, #tpu.memory_space<vmem_shared>> -> memref<10112x128xf32, #tpu.memory_space<vmem_shared>>
        tpu.enqueue_indirect_dma source(%arg13 : memref<80x128xf32, #tpu.memory_space<vmem>>) target(%dma_start3A_544 : memref<10112x128xf32, #tpu.memory_space<vmem_shared>>) offsets(%dma_start3A_541 : memref<80xi32, #tpu.memory_space<vmem>>) semaphore(%arg22 : memref<!tpu.dma_semaphore, #tpu.memory_space<semaphore_mem>>) {add = true}
        %dma_wait3A_545 = arith.constant 19 : i32
        %dma_wait3A_546 = arith.constant 0 : i32
        %dma_wait3A_547 = tpu.memref_slice %arg11[%dma_wait3A_545, %dma_wait3A_546] : memref<25x80xi32, #tpu.memory_space<vmem>> -> memref<1x80xi32, #tpu.memory_space<vmem>>
        %dma_wait3A_548 = tpu.memref_squeeze %dma_wait3A_547 : memref<1x80xi32, #tpu.memory_space<vmem>> -> memref<80xi32, #tpu.memory_space<vmem>>
        %dma_wait3A_549 = arith.constant 0 : i32
        %dma_wait3A_550 = arith.constant 0 : i32
        %dma_wait3A_551 = tpu.memref_slice %arg15[%dma_wait3A_549, %dma_wait3A_550] : memref<10112x128xf32, #tpu.memory_space<vmem_shared>> -> memref<10112x128xf32, #tpu.memory_space<vmem_shared>>
        tpu.wait_indirect_dma semaphore(%arg21 : memref<!tpu.dma_semaphore, #tpu.memory_space<semaphore_mem>>) src(%arg12 : memref<80x128xf32, #tpu.memory_space<vmem>>) dst(%dma_wait3A_551 : memref<10112x128xf32, #tpu.memory_space<vmem_shared>>)
        %dma_start3A_552 = arith.constant 1680 : i32
        %dma_start3A_553 = tpu.memref_slice %arg7[%dma_start3A_552] : memref<2000xi32, #tpu.memory_space<vmem>> -> memref<80xi32, #tpu.memory_space<vmem>>
        %dma_start3A_554 = arith.constant 0 : i32
        %dma_start3A_555 = arith.constant 0 : i32
        %dma_start3A_556 = tpu.memref_slice %arg2[%dma_start3A_554, %dma_start3A_555] : memref<160000x128xf32, #tpu.memory_space<hbm>> -> memref<160000x128xf32, #tpu.memory_space<hbm>>
        tpu.enqueue_indirect_dma source(%dma_start3A_556 : memref<160000x128xf32, #tpu.memory_space<hbm>>) target(%arg12 : memref<80x128xf32, #tpu.memory_space<vmem>>) offsets(%dma_start3A_553 : memref<80xi32, #tpu.memory_space<vmem>>) semaphore(%arg18 : memref<!tpu.dma_semaphore, #tpu.memory_space<semaphore_mem>>)
        %dma_wait3A_557 = arith.constant 1600 : i32
        %dma_wait3A_558 = tpu.memref_slice %arg7[%dma_wait3A_557] : memref<2000xi32, #tpu.memory_space<vmem>> -> memref<80xi32, #tpu.memory_space<vmem>>
        %dma_wait3A_559 = arith.constant 0 : i32
        %dma_wait3A_560 = arith.constant 0 : i32
        %dma_wait3A_561 = tpu.memref_slice %arg2[%dma_wait3A_559, %dma_wait3A_560] : memref<160000x128xf32, #tpu.memory_space<hbm>> -> memref<160000x128xf32, #tpu.memory_space<hbm>>
        tpu.wait_indirect_dma semaphore(%arg20 : memref<!tpu.dma_semaphore, #tpu.memory_space<semaphore_mem>>) src(%dma_wait3A_561 : memref<160000x128xf32, #tpu.memory_space<hbm>>) dst(%arg14 : memref<80x128xf32, #tpu.memory_space<vmem>>)
        %dma_start3A_562 = arith.constant 20 : i32
        %dma_start3A_563 = arith.constant 0 : i32
        %dma_start3A_564 = tpu.memref_slice %arg11[%dma_start3A_562, %dma_start3A_563] : memref<25x80xi32, #tpu.memory_space<vmem>> -> memref<1x80xi32, #tpu.memory_space<vmem>>
        %dma_start3A_565 = tpu.memref_squeeze %dma_start3A_564 : memref<1x80xi32, #tpu.memory_space<vmem>> -> memref<80xi32, #tpu.memory_space<vmem>>
        %dma_start3A_566 = arith.constant 0 : i32
        %dma_start3A_567 = arith.constant 0 : i32
        %dma_start3A_568 = tpu.memref_slice %arg15[%dma_start3A_566, %dma_start3A_567] : memref<10112x128xf32, #tpu.memory_space<vmem_shared>> -> memref<10112x128xf32, #tpu.memory_space<vmem_shared>>
        tpu.enqueue_indirect_dma source(%arg14 : memref<80x128xf32, #tpu.memory_space<vmem>>) target(%dma_start3A_568 : memref<10112x128xf32, #tpu.memory_space<vmem_shared>>) offsets(%dma_start3A_565 : memref<80xi32, #tpu.memory_space<vmem>>) semaphore(%arg23 : memref<!tpu.dma_semaphore, #tpu.memory_space<semaphore_mem>>) {add = true}
        %dma_wait3A_569 = arith.constant 20 : i32
        %dma_wait3A_570 = arith.constant 0 : i32
        %dma_wait3A_571 = tpu.memref_slice %arg11[%dma_wait3A_569, %dma_wait3A_570] : memref<25x80xi32, #tpu.memory_space<vmem>> -> memref<1x80xi32, #tpu.memory_space<vmem>>
        %dma_wait3A_572 = tpu.memref_squeeze %dma_wait3A_571 : memref<1x80xi32, #tpu.memory_space<vmem>> -> memref<80xi32, #tpu.memory_space<vmem>>
        %dma_wait3A_573 = arith.constant 0 : i32
        %dma_wait3A_574 = arith.constant 0 : i32
        %dma_wait3A_575 = tpu.memref_slice %arg15[%dma_wait3A_573, %dma_wait3A_574] : memref<10112x128xf32, #tpu.memory_space<vmem_shared>> -> memref<10112x128xf32, #tpu.memory_space<vmem_shared>>
        tpu.wait_indirect_dma semaphore(%arg22 : memref<!tpu.dma_semaphore, #tpu.memory_space<semaphore_mem>>) src(%arg13 : memref<80x128xf32, #tpu.memory_space<vmem>>) dst(%dma_wait3A_575 : memref<10112x128xf32, #tpu.memory_space<vmem_shared>>)
        %dma_start3A_576 = arith.constant 1760 : i32
        %dma_start3A_577 = tpu.memref_slice %arg7[%dma_start3A_576] : memref<2000xi32, #tpu.memory_space<vmem>> -> memref<80xi32, #tpu.memory_space<vmem>>
        %dma_start3A_578 = arith.constant 0 : i32
        %dma_start3A_579 = arith.constant 0 : i32
        %dma_start3A_580 = tpu.memref_slice %arg2[%dma_start3A_578, %dma_start3A_579] : memref<160000x128xf32, #tpu.memory_space<hbm>> -> memref<160000x128xf32, #tpu.memory_space<hbm>>
        tpu.enqueue_indirect_dma source(%dma_start3A_580 : memref<160000x128xf32, #tpu.memory_space<hbm>>) target(%arg13 : memref<80x128xf32, #tpu.memory_space<vmem>>) offsets(%dma_start3A_577 : memref<80xi32, #tpu.memory_space<vmem>>) semaphore(%arg19 : memref<!tpu.dma_semaphore, #tpu.memory_space<semaphore_mem>>)
        %dma_wait3A_581 = arith.constant 1680 : i32
        %dma_wait3A_582 = tpu.memref_slice %arg7[%dma_wait3A_581] : memref<2000xi32, #tpu.memory_space<vmem>> -> memref<80xi32, #tpu.memory_space<vmem>>
        %dma_wait3A_583 = arith.constant 0 : i32
        %dma_wait3A_584 = arith.constant 0 : i32
        %dma_wait3A_585 = tpu.memref_slice %arg2[%dma_wait3A_583, %dma_wait3A_584] : memref<160000x128xf32, #tpu.memory_space<hbm>> -> memref<160000x128xf32, #tpu.memory_space<hbm>>
        tpu.wait_indirect_dma semaphore(%arg18 : memref<!tpu.dma_semaphore, #tpu.memory_space<semaphore_mem>>) src(%dma_wait3A_585 : memref<160000x128xf32, #tpu.memory_space<hbm>>) dst(%arg12 : memref<80x128xf32, #tpu.memory_space<vmem>>)
        %dma_start3A_586 = arith.constant 21 : i32
        %dma_start3A_587 = arith.constant 0 : i32
        %dma_start3A_588 = tpu.memref_slice %arg11[%dma_start3A_586, %dma_start3A_587] : memref<25x80xi32, #tpu.memory_space<vmem>> -> memref<1x80xi32, #tpu.memory_space<vmem>>
        %dma_start3A_589 = tpu.memref_squeeze %dma_start3A_588 : memref<1x80xi32, #tpu.memory_space<vmem>> -> memref<80xi32, #tpu.memory_space<vmem>>
        %dma_start3A_590 = arith.constant 0 : i32
        %dma_start3A_591 = arith.constant 0 : i32
        %dma_start3A_592 = tpu.memref_slice %arg15[%dma_start3A_590, %dma_start3A_591] : memref<10112x128xf32, #tpu.memory_space<vmem_shared>> -> memref<10112x128xf32, #tpu.memory_space<vmem_shared>>
        tpu.enqueue_indirect_dma source(%arg12 : memref<80x128xf32, #tpu.memory_space<vmem>>) target(%dma_start3A_592 : memref<10112x128xf32, #tpu.memory_space<vmem_shared>>) offsets(%dma_start3A_589 : memref<80xi32, #tpu.memory_space<vmem>>) semaphore(%arg21 : memref<!tpu.dma_semaphore, #tpu.memory_space<semaphore_mem>>) {add = true}
        %dma_wait3A_593 = arith.constant 21 : i32
        %dma_wait3A_594 = arith.constant 0 : i32
        %dma_wait3A_595 = tpu.memref_slice %arg11[%dma_wait3A_593, %dma_wait3A_594] : memref<25x80xi32, #tpu.memory_space<vmem>> -> memref<1x80xi32, #tpu.memory_space<vmem>>
        %dma_wait3A_596 = tpu.memref_squeeze %dma_wait3A_595 : memref<1x80xi32, #tpu.memory_space<vmem>> -> memref<80xi32, #tpu.memory_space<vmem>>
        %dma_wait3A_597 = arith.constant 0 : i32
        %dma_wait3A_598 = arith.constant 0 : i32
        %dma_wait3A_599 = tpu.memref_slice %arg15[%dma_wait3A_597, %dma_wait3A_598] : memref<10112x128xf32, #tpu.memory_space<vmem_shared>> -> memref<10112x128xf32, #tpu.memory_space<vmem_shared>>
        tpu.wait_indirect_dma semaphore(%arg23 : memref<!tpu.dma_semaphore, #tpu.memory_space<semaphore_mem>>) src(%arg14 : memref<80x128xf32, #tpu.memory_space<vmem>>) dst(%dma_wait3A_599 : memref<10112x128xf32, #tpu.memory_space<vmem_shared>>)
        %dma_start3A_600 = arith.constant 1840 : i32
        %dma_start3A_601 = tpu.memref_slice %arg7[%dma_start3A_600] : memref<2000xi32, #tpu.memory_space<vmem>> -> memref<80xi32, #tpu.memory_space<vmem>>
        %dma_start3A_602 = arith.constant 0 : i32
        %dma_start3A_603 = arith.constant 0 : i32
        %dma_start3A_604 = tpu.memref_slice %arg2[%dma_start3A_602, %dma_start3A_603] : memref<160000x128xf32, #tpu.memory_space<hbm>> -> memref<160000x128xf32, #tpu.memory_space<hbm>>
        tpu.enqueue_indirect_dma source(%dma_start3A_604 : memref<160000x128xf32, #tpu.memory_space<hbm>>) target(%arg14 : memref<80x128xf32, #tpu.memory_space<vmem>>) offsets(%dma_start3A_601 : memref<80xi32, #tpu.memory_space<vmem>>) semaphore(%arg20 : memref<!tpu.dma_semaphore, #tpu.memory_space<semaphore_mem>>)
        %dma_wait3A_605 = arith.constant 1760 : i32
        %dma_wait3A_606 = tpu.memref_slice %arg7[%dma_wait3A_605] : memref<2000xi32, #tpu.memory_space<vmem>> -> memref<80xi32, #tpu.memory_space<vmem>>
        %dma_wait3A_607 = arith.constant 0 : i32
        %dma_wait3A_608 = arith.constant 0 : i32
        %dma_wait3A_609 = tpu.memref_slice %arg2[%dma_wait3A_607, %dma_wait3A_608] : memref<160000x128xf32, #tpu.memory_space<hbm>> -> memref<160000x128xf32, #tpu.memory_space<hbm>>
        tpu.wait_indirect_dma semaphore(%arg19 : memref<!tpu.dma_semaphore, #tpu.memory_space<semaphore_mem>>) src(%dma_wait3A_609 : memref<160000x128xf32, #tpu.memory_space<hbm>>) dst(%arg13 : memref<80x128xf32, #tpu.memory_space<vmem>>)
        %dma_start3A_610 = arith.constant 22 : i32
        %dma_start3A_611 = arith.constant 0 : i32
        %dma_start3A_612 = tpu.memref_slice %arg11[%dma_start3A_610, %dma_start3A_611] : memref<25x80xi32, #tpu.memory_space<vmem>> -> memref<1x80xi32, #tpu.memory_space<vmem>>
        %dma_start3A_613 = tpu.memref_squeeze %dma_start3A_612 : memref<1x80xi32, #tpu.memory_space<vmem>> -> memref<80xi32, #tpu.memory_space<vmem>>
        %dma_start3A_614 = arith.constant 0 : i32
        %dma_start3A_615 = arith.constant 0 : i32
        %dma_start3A_616 = tpu.memref_slice %arg15[%dma_start3A_614, %dma_start3A_615] : memref<10112x128xf32, #tpu.memory_space<vmem_shared>> -> memref<10112x128xf32, #tpu.memory_space<vmem_shared>>
        tpu.enqueue_indirect_dma source(%arg13 : memref<80x128xf32, #tpu.memory_space<vmem>>) target(%dma_start3A_616 : memref<10112x128xf32, #tpu.memory_space<vmem_shared>>) offsets(%dma_start3A_613 : memref<80xi32, #tpu.memory_space<vmem>>) semaphore(%arg22 : memref<!tpu.dma_semaphore, #tpu.memory_space<semaphore_mem>>) {add = true}
        %dma_wait3A_617 = arith.constant 22 : i32
        %dma_wait3A_618 = arith.constant 0 : i32
        %dma_wait3A_619 = tpu.memref_slice %arg11[%dma_wait3A_617, %dma_wait3A_618] : memref<25x80xi32, #tpu.memory_space<vmem>> -> memref<1x80xi32, #tpu.memory_space<vmem>>
        %dma_wait3A_620 = tpu.memref_squeeze %dma_wait3A_619 : memref<1x80xi32, #tpu.memory_space<vmem>> -> memref<80xi32, #tpu.memory_space<vmem>>
        %dma_wait3A_621 = arith.constant 0 : i32
        %dma_wait3A_622 = arith.constant 0 : i32
        %dma_wait3A_623 = tpu.memref_slice %arg15[%dma_wait3A_621, %dma_wait3A_622] : memref<10112x128xf32, #tpu.memory_space<vmem_shared>> -> memref<10112x128xf32, #tpu.memory_space<vmem_shared>>
        tpu.wait_indirect_dma semaphore(%arg21 : memref<!tpu.dma_semaphore, #tpu.memory_space<semaphore_mem>>) src(%arg12 : memref<80x128xf32, #tpu.memory_space<vmem>>) dst(%dma_wait3A_623 : memref<10112x128xf32, #tpu.memory_space<vmem_shared>>)
        %dma_start3A_624 = arith.constant 1920 : i32
        %dma_start3A_625 = tpu.memref_slice %arg7[%dma_start3A_624] : memref<2000xi32, #tpu.memory_space<vmem>> -> memref<80xi32, #tpu.memory_space<vmem>>
        %dma_start3A_626 = arith.constant 0 : i32
        %dma_start3A_627 = arith.constant 0 : i32
        %dma_start3A_628 = tpu.memref_slice %arg2[%dma_start3A_626, %dma_start3A_627] : memref<160000x128xf32, #tpu.memory_space<hbm>> -> memref<160000x128xf32, #tpu.memory_space<hbm>>
        tpu.enqueue_indirect_dma source(%dma_start3A_628 : memref<160000x128xf32, #tpu.memory_space<hbm>>) target(%arg12 : memref<80x128xf32, #tpu.memory_space<vmem>>) offsets(%dma_start3A_625 : memref<80xi32, #tpu.memory_space<vmem>>) semaphore(%arg18 : memref<!tpu.dma_semaphore, #tpu.memory_space<semaphore_mem>>)
        %dma_wait3A_629 = arith.constant 1840 : i32
        %dma_wait3A_630 = tpu.memref_slice %arg7[%dma_wait3A_629] : memref<2000xi32, #tpu.memory_space<vmem>> -> memref<80xi32, #tpu.memory_space<vmem>>
        %dma_wait3A_631 = arith.constant 0 : i32
        %dma_wait3A_632 = arith.constant 0 : i32
        %dma_wait3A_633 = tpu.memref_slice %arg2[%dma_wait3A_631, %dma_wait3A_632] : memref<160000x128xf32, #tpu.memory_space<hbm>> -> memref<160000x128xf32, #tpu.memory_space<hbm>>
        tpu.wait_indirect_dma semaphore(%arg20 : memref<!tpu.dma_semaphore, #tpu.memory_space<semaphore_mem>>) src(%dma_wait3A_633 : memref<160000x128xf32, #tpu.memory_space<hbm>>) dst(%arg14 : memref<80x128xf32, #tpu.memory_space<vmem>>)
        %dma_start3A_634 = arith.constant 23 : i32
        %dma_start3A_635 = arith.constant 0 : i32
        %dma_start3A_636 = tpu.memref_slice %arg11[%dma_start3A_634, %dma_start3A_635] : memref<25x80xi32, #tpu.memory_space<vmem>> -> memref<1x80xi32, #tpu.memory_space<vmem>>
        %dma_start3A_637 = tpu.memref_squeeze %dma_start3A_636 : memref<1x80xi32, #tpu.memory_space<vmem>> -> memref<80xi32, #tpu.memory_space<vmem>>
        %dma_start3A_638 = arith.constant 0 : i32
        %dma_start3A_639 = arith.constant 0 : i32
        %dma_start3A_640 = tpu.memref_slice %arg15[%dma_start3A_638, %dma_start3A_639] : memref<10112x128xf32, #tpu.memory_space<vmem_shared>> -> memref<10112x128xf32, #tpu.memory_space<vmem_shared>>
        tpu.enqueue_indirect_dma source(%arg14 : memref<80x128xf32, #tpu.memory_space<vmem>>) target(%dma_start3A_640 : memref<10112x128xf32, #tpu.memory_space<vmem_shared>>) offsets(%dma_start3A_637 : memref<80xi32, #tpu.memory_space<vmem>>) semaphore(%arg23 : memref<!tpu.dma_semaphore, #tpu.memory_space<semaphore_mem>>) {add = true}
        %dma_wait3A_641 = arith.constant 1920 : i32
        %dma_wait3A_642 = tpu.memref_slice %arg7[%dma_wait3A_641] : memref<2000xi32, #tpu.memory_space<vmem>> -> memref<80xi32, #tpu.memory_space<vmem>>
        %dma_wait3A_643 = arith.constant 0 : i32
        %dma_wait3A_644 = arith.constant 0 : i32
        %dma_wait3A_645 = tpu.memref_slice %arg2[%dma_wait3A_643, %dma_wait3A_644] : memref<160000x128xf32, #tpu.memory_space<hbm>> -> memref<160000x128xf32, #tpu.memory_space<hbm>>
        tpu.wait_indirect_dma semaphore(%arg18 : memref<!tpu.dma_semaphore, #tpu.memory_space<semaphore_mem>>) src(%dma_wait3A_645 : memref<160000x128xf32, #tpu.memory_space<hbm>>) dst(%arg12 : memref<80x128xf32, #tpu.memory_space<vmem>>)
        %dma_start3A_646 = arith.constant 24 : i32
        %dma_start3A_647 = arith.constant 0 : i32
        %dma_start3A_648 = tpu.memref_slice %arg11[%dma_start3A_646, %dma_start3A_647] : memref<25x80xi32, #tpu.memory_space<vmem>> -> memref<1x80xi32, #tpu.memory_space<vmem>>
        %dma_start3A_649 = tpu.memref_squeeze %dma_start3A_648 : memref<1x80xi32, #tpu.memory_space<vmem>> -> memref<80xi32, #tpu.memory_space<vmem>>
        %dma_start3A_650 = arith.constant 0 : i32
        %dma_start3A_651 = arith.constant 0 : i32
        %dma_start3A_652 = tpu.memref_slice %arg15[%dma_start3A_650, %dma_start3A_651] : memref<10112x128xf32, #tpu.memory_space<vmem_shared>> -> memref<10112x128xf32, #tpu.memory_space<vmem_shared>>
        tpu.enqueue_indirect_dma source(%arg12 : memref<80x128xf32, #tpu.memory_space<vmem>>) target(%dma_start3A_652 : memref<10112x128xf32, #tpu.memory_space<vmem_shared>>) offsets(%dma_start3A_649 : memref<80xi32, #tpu.memory_space<vmem>>) semaphore(%arg21 : memref<!tpu.dma_semaphore, #tpu.memory_space<semaphore_mem>>) {add = true}
        %dma_wait3A_653 = arith.constant 0 : i32
        %dma_wait3A_654 = arith.constant 0 : i32
        %dma_wait3A_655 = tpu.memref_slice %arg11[%dma_wait3A_653, %dma_wait3A_654] : memref<25x80xi32, #tpu.memory_space<vmem>> -> memref<1x80xi32, #tpu.memory_space<vmem>>
        %dma_wait3A_656 = tpu.memref_squeeze %dma_wait3A_655 : memref<1x80xi32, #tpu.memory_space<vmem>> -> memref<80xi32, #tpu.memory_space<vmem>>
        %dma_wait3A_657 = arith.constant 0 : i32
        %dma_wait3A_658 = arith.constant 0 : i32
        %dma_wait3A_659 = tpu.memref_slice %arg15[%dma_wait3A_657, %dma_wait3A_658] : memref<10112x128xf32, #tpu.memory_space<vmem_shared>> -> memref<10112x128xf32, #tpu.memory_space<vmem_shared>>
        tpu.wait_indirect_dma semaphore(%arg22 : memref<!tpu.dma_semaphore, #tpu.memory_space<semaphore_mem>>) src(%arg13 : memref<80x128xf32, #tpu.memory_space<vmem>>) dst(%dma_wait3A_659 : memref<10112x128xf32, #tpu.memory_space<vmem_shared>>)
        %dma_wait3A_660 = arith.constant 0 : i32
        %dma_wait3A_661 = arith.constant 0 : i32
        %dma_wait3A_662 = tpu.memref_slice %arg11[%dma_wait3A_660, %dma_wait3A_661] : memref<25x80xi32, #tpu.memory_space<vmem>> -> memref<1x80xi32, #tpu.memory_space<vmem>>
        %dma_wait3A_663 = tpu.memref_squeeze %dma_wait3A_662 : memref<1x80xi32, #tpu.memory_space<vmem>> -> memref<80xi32, #tpu.memory_space<vmem>>
        %dma_wait3A_664 = arith.constant 0 : i32
        %dma_wait3A_665 = arith.constant 0 : i32
        %dma_wait3A_666 = tpu.memref_slice %arg15[%dma_wait3A_664, %dma_wait3A_665] : memref<10112x128xf32, #tpu.memory_space<vmem_shared>> -> memref<10112x128xf32, #tpu.memory_space<vmem_shared>>
        tpu.wait_indirect_dma semaphore(%arg23 : memref<!tpu.dma_semaphore, #tpu.memory_space<semaphore_mem>>) src(%arg14 : memref<80x128xf32, #tpu.memory_space<vmem>>) dst(%dma_wait3A_666 : memref<10112x128xf32, #tpu.memory_space<vmem_shared>>)
        %dma_wait3A_667 = arith.constant 0 : i32
        %dma_wait3A_668 = arith.constant 0 : i32
        %dma_wait3A_669 = tpu.memref_slice %arg11[%dma_wait3A_667, %dma_wait3A_668] : memref<25x80xi32, #tpu.memory_space<vmem>> -> memref<1x80xi32, #tpu.memory_space<vmem>>
        %dma_wait3A_670 = tpu.memref_squeeze %dma_wait3A_669 : memref<1x80xi32, #tpu.memory_space<vmem>> -> memref<80xi32, #tpu.memory_space<vmem>>
        %dma_wait3A_671 = arith.constant 0 : i32
        %dma_wait3A_672 = arith.constant 0 : i32
        %dma_wait3A_673 = tpu.memref_slice %arg15[%dma_wait3A_671, %dma_wait3A_672] : memref<10112x128xf32, #tpu.memory_space<vmem_shared>> -> memref<10112x128xf32, #tpu.memory_space<vmem_shared>>
        tpu.wait_indirect_dma semaphore(%arg21 : memref<!tpu.dma_semaphore, #tpu.memory_space<semaphore_mem>>) src(%arg12 : memref<80x128xf32, #tpu.memory_space<vmem>>) dst(%dma_wait3A_673 : memref<10112x128xf32, #tpu.memory_space<vmem_shared>>)
      } else {
      }
      %scan3A_53 = arith.constant 0 : i32
      scf.yield %scan3A_53 : i32
    }
    %scan3A_41 = arith.constant 5 : i32
    %barrier3A_42 = arith.constant 0 : index
    tpu.barrier barrier_id(%barrier3A_42)
    "tpu.region"() ({
      %run_scoped3A = tpu.sem_alloc : memref<!tpu.dma_semaphore, #tpu.memory_space<semaphore_mem>>
      %dma_start3A_43 = arith.constant 0 : i32
      %dma_start3A_44 = tpu.memref_slice %arg5[%arg0, %mul3A_4, %dma_start3A_43] : memref<2x10112x128xf32, #tpu.memory_space<hbm>> -> memref<1x632x128xf32, #tpu.memory_space<hbm>>
      %dma_start3A_45 = tpu.memref_squeeze %dma_start3A_44 : memref<1x632x128xf32, #tpu.memory_space<hbm>> -> memref<632x128xf32, #tpu.memory_space<hbm>>
      %dma_start3A_46 = arith.constant 0 : i32
      %dma_start3A_47 = tpu.memref_slice %arg15[%mul3A_4, %dma_start3A_46] : memref<10112x128xf32, #tpu.memory_space<vmem_shared>> -> memref<632x128xf32, #tpu.memory_space<vmem_shared>>
      tpu.enqueue_dma source(%dma_start3A_47 : memref<632x128xf32, #tpu.memory_space<vmem_shared>>) target(%dma_start3A_45 : memref<632x128xf32, #tpu.memory_space<hbm>>) target_semaphore(%run_scoped3A : memref<!tpu.dma_semaphore, #tpu.memory_space<semaphore_mem>>)
      %dma_wait3A = arith.constant 0 : i32
      %dma_wait3A_48 = tpu.memref_slice %arg5[%arg0, %mul3A_4, %dma_wait3A] : memref<2x10112x128xf32, #tpu.memory_space<hbm>> -> memref<1x632x128xf32, #tpu.memory_space<hbm>>
      %dma_wait3A_49 = tpu.memref_squeeze %dma_wait3A_48 : memref<1x632x128xf32, #tpu.memory_space<hbm>> -> memref<632x128xf32, #tpu.memory_space<hbm>>
      %dma_wait3A_50 = arith.constant 0 : i32
      %dma_wait3A_51 = tpu.memref_slice %arg15[%mul3A_4, %dma_wait3A_50] : memref<10112x128xf32, #tpu.memory_space<vmem_shared>> -> memref<632x128xf32, #tpu.memory_space<vmem_shared>>
      tpu.wait_dma2 semaphore(%run_scoped3A : memref<!tpu.dma_semaphore, #tpu.memory_space<semaphore_mem>>) src(%dma_wait3A_51 : memref<632x128xf32, #tpu.memory_space<vmem_shared>>) dst(%dma_wait3A_49 : memref<632x128xf32, #tpu.memory_space<hbm>>)
      tpu.yield
    }) : () -> ()
    return
  }
}

module attributes {stable_mosaic.version = 14 : i64} {
  func.func @_mm_body(%arg0: i32, %arg1: memref<10000x128xf32, #tpu.memory_space<vmem>>, %arg2: memref<1x128x128xf32, #tpu.memory_space<vmem>>, %arg3: memref<1x10000x128xf32, #tpu.memory_space<vmem>>) attributes {dimension_semantics = [#tpu.dimension_semantics<arbitrary>], iteration_bounds = array<i64: 16>, scalar_prefetch = 0 : i64, scratch_operands = 0 : i64, tpu.core_type = #tpu.core_type<tc>, window_params = [{pipeline_mode = #tpu.pipeline_mode<synchronous>, transform_indices = @transform_0, window_bounds = array<i64: 10000, 128>}, {transform_indices = @transform_1, window_bounds = array<i64: 1, 128, 128>}, {transform_indices = @transform_2, window_bounds = array<i64: 1, 10000, 128>}]} {
    %get3A = arith.constant 0 : index
    %get3A_0 = arith.constant 0 : index
    %get3A_1 = vector.load %arg1[%get3A, %get3A_0] : memref<10000x128xf32, #tpu.memory_space<vmem>>, vector<10000x128xf32>
    %get3A_2 = arith.constant 0 : index
    %get3A_3 = arith.constant 0 : index
    %get3A_4 = arith.constant 0 : index
    %get3A_5 = vector.load %arg2[%get3A_2, %get3A_3, %get3A_4] : memref<1x128x128xf32, #tpu.memory_space<vmem>>, vector<1x128x128xf32>
    %get3A_6 = vector.shape_cast %get3A_5 : vector<1x128x128xf32> to vector<128x128xf32>
    %dot_general3A = arith.constant dense<0.000000e+00> : vector<10000x128xf32>
    %dot_general3A_7 = tpu.matmul %get3A_1, %get3A_6, %dot_general3A {dimension_numbers = #tpu.dot_dimension_numbers<[1], [0], [0], [1], [0, 0, 1, 1], [], []>, transpose_lhs_hint = false} : vector<10000x128xf32>, vector<128x128xf32>, vector<10000x128xf32> -> vector<10000x128xf32>
    %swap3A = arith.constant 0 : index
    %swap3A_8 = arith.constant 0 : index
    %swap3A_9 = arith.constant 0 : index
    %swap3A_10 = vector.load %arg3[%swap3A, %swap3A_8, %swap3A_9] : memref<1x10000x128xf32, #tpu.memory_space<vmem>>, vector<1x10000x128xf32>
    %swap3A_11 = vector.shape_cast %swap3A_10 : vector<1x10000x128xf32> to vector<10000x128xf32>
    %swap3A_12 = vector.shape_cast %dot_general3A_7 : vector<10000x128xf32> to vector<1x10000x128xf32>
    tpu.vector_store %arg3[%swap3A, %swap3A_8, %swap3A_9], %swap3A_12 {strides = array<i32>} : memref<1x10000x128xf32, #tpu.memory_space<vmem>>, vector<1x10000x128xf32>,
    return
  }
  func.func @transform_0(%arg0: i32) -> (i32, i32) {
    %c0_i32 = arith.constant 0 : i32
    %c0_i32_0 = arith.constant 0 : i32
    %c0_i32_1 = arith.constant 0 : i32
    return %c0_i32, %c0_i32_0 : i32, i32
  }
  func.func @transform_1(%arg0: i32) -> (i32, i32, i32) {
    %c0_i32 = arith.constant 0 : i32
    %c0_i32_0 = arith.constant 0 : i32
    %c0_i32_1 = arith.constant 0 : i32
    return %arg0, %c0_i32, %c0_i32_0 : i32, i32, i32
  }
  func.func @transform_2(%arg0: i32) -> (i32, i32, i32) {
    %c0_i32 = arith.constant 0 : i32
    %c0_i32_0 = arith.constant 0 : i32
    %c0_i32_1 = arith.constant 0 : i32
    return %arg0, %c0_i32, %c0_i32_0 : i32, i32, i32
  }
}

module attributes {stable_mosaic.version = 14 : i64} {
  func.func @_add_body(%arg0: i32, %arg1: memref<2x2000x128xf32, #tpu.memory_space<vmem>>, %arg2: memref<2000x128xf32, #tpu.memory_space<vmem>>) attributes {dimension_semantics = [#tpu.dimension_semantics<arbitrary>], iteration_bounds = array<i64: 5>, scalar_prefetch = 0 : i64, scratch_operands = 0 : i64, tpu.core_type = #tpu.core_type<tc>, window_params = [{transform_indices = @transform_0, window_bounds = array<i64: 2, 2000, 128>}, {transform_indices = @transform_1, window_bounds = array<i64: 2000, 128>}]} {
    %get3A = arith.constant 0 : index
    %get3A_0 = arith.constant 0 : index
    %get3A_1 = arith.constant 0 : index
    %get3A_2 = vector.load %arg1[%get3A, %get3A_0, %get3A_1] : memref<2x2000x128xf32, #tpu.memory_space<vmem>>, vector<1x2000x128xf32>
    %get3A_3 = vector.shape_cast %get3A_2 : vector<1x2000x128xf32> to vector<2000x128xf32>
    %get3A_4 = arith.constant 1 : index
    %get3A_5 = arith.constant 0 : index
    %get3A_6 = arith.constant 0 : index
    %get3A_7 = vector.load %arg1[%get3A_4, %get3A_5, %get3A_6] : memref<2x2000x128xf32, #tpu.memory_space<vmem>>, vector<1x2000x128xf32>
    %get3A_8 = vector.shape_cast %get3A_7 : vector<1x2000x128xf32> to vector<2000x128xf32>
    %add3A = arith.addf %get3A_3, %get3A_8 : vector<2000x128xf32>
    %swap3A = arith.constant 0 : index
    %swap3A_9 = arith.constant 0 : index
    %swap3A_10 = vector.load %arg2[%swap3A, %swap3A_9] : memref<2000x128xf32, #tpu.memory_space<vmem>>, vector<2000x128xf32>
    tpu.vector_store %arg2[%swap3A, %swap3A_9], %add3A {strides = array<i32>} : memref<2000x128xf32, #tpu.memory_space<vmem>>, vector<2000x128xf32>,
    return
  }
  func.func @transform_0(%arg0: i32) -> (i32, i32, i32) {
    %c0_i32 = arith.constant 0 : i32
    %c0_i32_0 = arith.constant 0 : i32
    %c0_i32_1 = arith.constant 0 : i32
    return %c0_i32, %arg0, %c0_i32_0 : i32, i32, i32
  }
  func.func @transform_1(%arg0: i32) -> (i32, i32) {
    %c0_i32 = arith.constant 0 : i32
    %c0_i32_0 = arith.constant 0 : i32
    return %arg0, %c0_i32 : i32, i32
  }
}

</mosaic_0001>

<sc_bundles>
// kernel: kernel.5.cloned.1.call-start
scs
__scs_entry_jumppad:
0x0: {  	(pc) =	sbr.rel $0x88, $3  }
0x1: {  	(tag) =	ssettag $0x0;
	lr =	simm.s32 $0x1  }
0x2: {  	[smem:$0x3F9D] =	sst lr;
	_ =	strace $0xD0000000  }
0x3: {  	_ = 	snop  }
0x4: {  	_ = 	snop  }
0x5: {  	_ = 	snop  }
0x6: {  	_ = 	snop  }
0x7: {  	_ = 	snop  }
__scs_overlays_trampoline_lowered:
0x8: {  	[smem:$0x3FAC] =	sst s0  }
0x9: {  	[smem:$0x3FAD] =	sst s1  }
0xa: {  	[smem:$0x3FAE] =	sst s2  }
0xb: {  	[smem:$0x3FAF] =	sst s3  }
0xc: {  	[smem:$0x3FB0] =	sst s4  }
0xd: {  	[smem:$0x3FB1] =	sst s5  }
0xe: {  	[smem:$0x3FB2] =	sst s6  }
0xf: {  	[smem:$0x3FB3] =	sst s7  }
0x10: {  	[smem:$0x3FB4] =	sst s8  }
0x11: {  	[smem:$0x3FB5] =	sst s9;
	s0 =	simm.s32 @!p0 $0x0  }
0x12: {  	s1 =	sld [smem:$0x3F9B];
	s0 =	simm.s32 @p0 $0x1  }
0x13: {  	[smem:$0x3FB6] =	sst s0;
	s0 =	simm.s32 @!p1 $0x0  }
0x14: {  	s2 =	sld [smem:$0x3F9A];
	s0 =	simm.s32 @p1 $0x1  }
0x15: {  	[smem:$0x3FB7] =	sst s0;
	s0 =	simm.s32 @!p2 $0x0  }
0x16: {  	s3 =	sld [smem:$0x3FDB];
	s0 =	simm.s32 @p2 $0x1  }
0x17: {  	s4 =	simm.s32 $0x1BF5;
	[smem:$0x3FB9] =	sst s0  }
0x18: {  	s0 =	sld [smem:$0x3F9C];
	_ =	swait.ge [sflag:s4], $0x0  }
0x19: {  	s7 =	sld [smem:$0x3F9D]  }
0x1a: {  	s8 =	sadd.s32 $0xFFFFE003, lr  }
0x1b: {  	s9 =	sadd.s32 $0xFFFFFEF7, lr;
	s5 =	simm.s32 $0xFFFFFFFF;
	p2 =	slt.u32 s8, $0xFFFFF086  }
0x1c: {  	p1 =	slt.u32 s9, $0xF7A;
	s5 =	simm.s32 @!p2 $0x0  }
0x1d: {  	s5 =	simm.s32 @p1 $0x1;
	p0 =	seq.s32 s7, s2  }
0x1e: {  	s7 =	smul.u32 @!p0 $0xF7A, s2;
	p2 =	seq.s32 @!p0 s5, $0x0  }
0x1f: {  	s9 =	smul.u32 $0xF7A, s1;
	s8 =	simm.s32 @!p0 $0x1BF5;
	p2 =	por !p2, p0  }
0x20: {  	[sflag:s8] =	ssyncset.s32 @!p0 $0xFFFFF086;
	s6 =	sadd.s32 @!p0 s3, s7;
	s7 =	simm.s32 @!p0 $0x108  }
0x21: {  	s3 =	sadd.s32 s3, s9;
	s6 =	sadd.s32 @!p0 $0x88, s6;
	s7 =	simm.s32 @p2 $0x1082  }
0x22: {  	[simem:s7], [sflag:s8] =	dma.local @!p0 [hbm:s6], $0xF7A  }
0x23: {  	s9 =	sor.u32 $0xD0000000, s2;
	s6 =	simm.s32 $0x108;
	_ =	swait.ge @!p0 [sflag:s8], $0x0  }
0x24: {  	s3 =	sadd.s32 $0x88, s3;
	s6 =	simm.s32 @!p1 $0x1082;
	[sflag:s4] =	ssyncset.s32 $0xFFFFF086  }
0x25: {  	[simem:s6], [sflag:s4] =	dma.local [hbm:s3], $0xF7A  }
0x26: {  	[smem:$0x3F9D] =	sst s1;
	(tag) =	ssettag s2;
	_ =	strace s9  }
0x27: {  	s1 =	sld [smem:$0x3FAD]  }
0x28: {  	s2 =	sld [smem:$0x3FAE]  }
0x29: {  	s4 =	sld [smem:$0x3FB0]  }
0x2a: {  	p0 =	seq.s32 s5, $0x0;
	s5 =	sld [smem:$0x3FB1]  }
0x2b: {  	s6 =	sld [smem:$0x3FB2]  }
0x2c: {  	s7 =	sld [smem:$0x3FB3]  }
0x2d: {  	s3 =	simm.s32 $0x108;
	s8 =	sld [smem:$0x3FB4]  }
0x2e: {  	s3 =	simm.s32 @!p0 $0x1082;
	s9 =	sld [smem:$0x3FB5]  }
0x2f: {  	lr =	sadd.s32 s0, s3;
	s0 =	sld [smem:$0x3FAC]  }
0x30: {  	s3 =	sld [smem:$0x3FAF]  }
0x31: {  	[smem:$0x3FB8] =	sst s10  }
0x32: {  	s10 =	sld [smem:$0x3FB6];
	_ =	sdelay $0x3  }
0x33: {  	p0 =	seq.s32 s10, $0x1;
	s10 =	sld [smem:$0x3FB8];
	_ =	sdelay $0x3  }
0x34: {  	[smem:$0x3FB8] =	sst s10  }
0x35: {  	s10 =	sld [smem:$0x3FB7];
	_ =	sdelay $0x3  }
0x36: {  	p1 =	seq.s32 s10, $0x1;
	s10 =	sld [smem:$0x3FB8];
	_ =	sdelay $0x3  }
0x37: {  	[smem:$0x3FB8] =	sst s10  }
0x38: {  	s10 =	sld [smem:$0x3FB9]  }
0x39: {  	_ = 	snop;
	(pc) =	sbr.ind lr, $3  }
0x3a: {  	_ = 	snop  }
0x3b: {  	_ = 	snop  }
0x3c: {  	p2 =	seq.s32 s10, $0x1;
	s10 =	sld [smem:$0x3FB8]  }
0x3d: {  	_ =	shalt  }
0x3e: {  	_ =	shalt  }
0x3f: {  	_ =	shalt  }
0x40: {  	_ =	shalt  }
0x41: {  	_ =	shalt  }
0x42: {  	_ =	shalt  }
0x43: {  	_ =	shalt  }
0x44: {  	_ =	shalt  }
0x45: {  	_ =	shalt  }
0x46: {  	_ =	shalt  }
0x47: {  	_ =	shalt  }
0x48: {  	_ =	shalt  }
0x49: {  	_ =	shalt  }
0x4a: {  	_ =	shalt  }
0x4b: {  	_ =	shalt  }
0x4c: {  	_ =	shalt  }
0x4d: {  	_ =	shalt  }
0x4e: {  	_ =	shalt  }
0x4f: {  	_ =	shalt  }
0x50: {  	_ =	shalt  }
0x51: {  	_ =	shalt  }
0x52: {  	_ =	shalt  }
0x53: {  	_ =	shalt  }
0x54: {  	_ =	shalt  }
0x55: {  	_ =	shalt  }
0x56: {  	_ =	shalt  }
0x57: {  	_ =	shalt  }
0x58: {  	_ =	shalt  }
0x59: {  	_ =	shalt  }
0x5a: {  	_ =	shalt  }
0x5b: {  	_ =	shalt  }
0x5c: {  	_ =	shalt  }
0x5d: {  	_ =	shalt  }
0x5e: {  	_ =	shalt  }
0x5f: {  	_ =	shalt  }
0x60: {  	_ =	shalt  }
0x61: {  	_ =	shalt  }
0x62: {  	_ =	shalt  }
0x63: {  	_ =	shalt  }
0x64: {  	_ =	shalt  }
0x65: {  	_ =	shalt  }
0x66: {  	_ =	shalt  }
0x67: {  	_ =	shalt  }
0x68: {  	_ =	shalt  }
0x69: {  	_ =	shalt  }
0x6a: {  	_ =	shalt  }
0x6b: {  	_ =	shalt  }
0x6c: {  	_ =	shalt  }
0x6d: {  	_ =	shalt  }
0x6e: {  	_ =	shalt  }
0x6f: {  	_ =	shalt  }
0x70: {  	_ =	shalt  }
0x71: {  	_ =	shalt  }
0x72: {  	_ =	shalt  }
0x73: {  	_ =	shalt  }
0x74: {  	_ =	shalt  }
0x75: {  	_ =	shalt  }
0x76: {  	_ =	shalt  }
0x77: {  	_ =	shalt  }
0x78: {  	_ =	shalt  }
0x79: {  	_ =	shalt  }
0x7a: {  	_ =	shalt  }
0x7b: {  	_ =	shalt  }
0x7c: {  	_ =	shalt  }
0x7d: {  	_ =	shalt  }
0x7e: {  	_ =	shalt  }
0x7f: {  	_ =	shalt  }
0x80: {  	_ =	shalt  }
0x81: {  	_ =	shalt  }
0x82: {  	_ =	shalt  }
0x83: {  	_ =	shalt  }
0x84: {  	_ =	shalt  }
0x85: {  	_ =	shalt  }
0x86: {  	_ =	shalt  }
0x87: {  	_ =	shalt  }
.Lfunc_end0:
.L_simem_size_0:
called_computation_lowered:
.L_overlay_start_0:
0x88: {  	s2 =	sld [smem:$0x3FD9]  }
0x89: {  	s3 =	sld [smem:$0x3FFE];
	_ =	sdelay $0x1  }
0x8a: {  	s1 =	srdreg.scid  }
0x8b: {  	s0 =	sand.u32 $0x1, s1  }
0x8c: {  	s17 =	sshll.u32 s0, $0xA;
	s2 =	sadd.s32 s3, s2  }
0x8d: {  	s2 =	sadd.s32 s2, s17  }
0x8e: {  	[smem:$0x3FC4] =	sst s2  }
0x8f: {  	_ = 	snop  }
0x90: {  	s2 =	sld [smem:$0x3FD0];
	(tm) =	ssettm $0x1  }
0x91: {  	s18 =	sld [smem:$0x3FFB];
	_ =	sdelay $0x3  }
0x92: {  	_ =	strace s18  }
0x93: {  	s3 =	sld [smem:$0x3FFC];
	_ =	sdelay $0x3  }
0x94: {  	_ =	strace s3  }
0x95: {  	s3 =	sld [smem:$0x3FFD];
	_ =	sdelay $0x3  }
0x96: {  	_ =	strace s3  }
0x97: {  	_ =	strace $0x8FFFFFFF  }
0x98: {  	s19 =	sld [smem:$0x3FDB];
	_ =	sdelay $0x1  }
0x99: {  	s4 =	simm.s32 $_scs_section_size  }
0x9a: {  	s5 =	simm.s32 $_size__tile_overlayer_lowered;
	s6 =	simm.s32 $_tile_overlayer_lowered  }
0x9b: {  	s22 =	simm.s32 $0x1BFF;
	s21 =	sshll.u32 s6, $0x1;
	s3 =	sadd.s32 s4, s19  }
0x9c: {  	s7 =	simm.s32 $0x0;
	s20 =	sshll.u32 s5, $0x1;
	s5 =	sadd.s32 s21, s3  }
0x9d: {  	[timem:s7], [sflag:s22] =	dma.local [hbm:s5], s20  }
0x9e: {  	_ =	swait.ge [sflag:s22], s20  }
0x9f: {  	s4 =	ssub.s32 $0x0, s20;
	[sflag:s22] =	ssyncset.done $0x0  }
0xa0: {  	[sflag:s22] =	ssyncadd.s32 s4;
	_ =	sdelay $0x1  }
0xa1: {  	s23 =	simm.s32 $0x1B8B  }
0xa2: {  	_ =	swait.ge [sflag:s23], $0x1  }
0xa3: {  	[sflag:s23] =	ssyncset.done $0x0  }
0xa4: {  	s25 =	simm.s32 $0x1B8E;
	s24 =	sld [smem:$0x3FFE];
	[sflag:s23] =	ssyncadd.s32 $0xFFFFFFFF  }
0xa5: {  	s26 =	simm.s32 $execute0_lowered;
	[smem:$0x3FD2] =	sst s25  }
0xa6: {  	s5 =	sshll.u32 s26, $0x1;
	_ =	strace $0x80000046;
	[dreg:$0x1] =	wrdreg $0xFFFFFFFF  }
0xa7: {  	s28 =	simm.s32 $_size_execute0_lowered;
	s3 =	sadd.s32 s3, s5;
	[dreg:$0x0] =	wrdreg $0x0  }
0xa8: {  	s5 =	sshll.u32 s28, $0x1;
	[dreg:$0x2] =	wrdreg s3  }
0xa9: {  	[dreg:$0x3] =	wrdreg s5  }
0xaa: {  	[dreg:$0x4] =	wrdreg $0xC0  }
0xab: {  	_ =	task [dreg:s7], $0x5FFFF  }
0xac: {  	[dreg:$0x1] =	wrdreg $0xFFFFFFFF  }
0xad: {  	[dreg:$0x0] =	wrdreg $0x60  }
0xae: {  	[dreg:$0x2] =	wrdreg s24  }
0xaf: {  	[dreg:$0x3] =	wrdreg s2  }
0xb0: {  	[dreg:$0x4] =	wrdreg $0xB8000  }
0xb1: {  	[dreg:$0x5] =	wrdreg $0x9  }
0xb2: {  	_ =	task.clear_ibuf [dreg:s7], $0x6FFFF;
	_ =	strace $0x90000046  }
0xb3: {  	s29 =	simm.s32 $0x9;
	_ =	strace $0x80000048  }
0xb4: {  	_ =	swait.ge [sflag:s29], $0x1  }
0xb5: {  	[sflag:s29] =	ssyncadd.s32 $0xFFFFFFFF  }
0xb6: {  	_ =	strace $0x90000048  }
0xb7: {  	_ =	sfence  }
0xb8: {  	s30 =	sld [smem:$0x0];
	_ =	sdelay $0x2  }
0xb9: {  	s31 =	sshll.u32 s1, $0xD;
	s1 =	sshrl.u32 s1, $0x2  }
0xba: {  	s3 =	sand.u32 $0x4000, s31;
	s1 =	sadd.s32 s1, s30  }
0xbb: {  	s0 =	sor.u32 s3, s0;
	s1 =	sshll.u32 s1, $0x11  }
0xbc: {  	s0 =	sor.u32 s1, s0  }
0xbd: {  	s0 =	sadd.s32 $0x8F2B, s0  }
0xbe: {  	[sflag:s0] =	ssyncadd.remote.s32 $0x1  }
0xbf: {  	_ =	sfence.sel $0xFFFF  }
0xc0: {  	[dreg:$0x0] =	wrdreg $0xFFFFFFFF;
	(pc) =	sbr.abs _section_cstart, $3  }
0xc1: {  	[dreg:$0x1] =	wrdreg $0xFFFFFFFF  }
0xc2: {  	_ =	task.clear_ibuf [dreg:s7], $0x2FFFF;
	_ =	strace $0x9FFFFFFF  }
0xc3: {  	(tm) =	ssettm $0x7FFFFFFF  }
tec
execute0_lowered:
.L_overlay_start_1:
0x0: {  	(tag) =	ssettag $0x1  }
0x1: {  	s0 =	rddreg [dreg:$0x0]  }
0x2: {  	s1 =	rddreg [dreg:$0x1]  }
0x3: {  	s2 =	rddreg [dreg:$0x2];
	s4 =	simm.s32 $0x0  }
0x4: {  	s3 =	srdreg.scid;
	s9 =	stileid.u32;
	s28 =	simm.s32 $0x9000  }
0x5: {  	s29 =	simm.s32 $0x4;
	s30 =	simm.s32 $0x6;
	s31 =	simm.s32 $0x5  }
0x6: {  	[smem:$0x7FF] =	sst s4;
	s3 =	sand.u32 $0x1, s3;
	s7 =	smul.u32 $0x13C00, s9  }
0x7: {  	s5 =	sadd.s32 $0xA000, s0;
	s6 =	sadd.s32 $0x200, s0;
	s16 =	smul.u32 $0x4F000, s9  }
0x8: {  	s14 =	smul.u32 $0x13C000, s3;
	s8 =	sshll.u32 s3, $0x4;
	s3 =	ssub.s32 $0x2, s3  }
0x9: {  	_ =	strace $0x80000047;
	s15 =	sor.u32 s9, s8;
	s18 =	sshrl.u32 s3, $0x1  }
0xa: {  	s19 =	sshrl.u32 s16, $0x2;
	s8 =	simm.s32 $0x0;
	s4 =	sadd.s32 s7, s14  }
0xb: {  	s17 =	smul.u32 $0x2710, s15;
	s3 =	ssub.s32 s3, s18;
	s7 =	sadd.s32 s19, s2  }
0xc: {  	s4 =	sshrl.u32 s4, $0x3;
	s22 =	sadd.s32 $0x2800, s7;
	s23 =	sadd.s32 $0x5000, s7  }
0xd: {  	s24 =	sadd.s32 $0x7800, s7;
	s25 =	sadd.s32 $0xA000, s7;
	[dreg:$0x6] =	wrdreg s22  }
0xe: {  	s26 =	sadd.s32 $0xC800, s7;
	s15 =	sadd.s32 $0xF000, s7;
	[dreg:$0x7] =	wrdreg s23  }
0xf: {  	s16 =	sadd.s32 $0x11800, s7;
	s19 =	smax.u32 s3, $0x1;
	[dreg:$0x8] =	wrdreg s24  }
0x10: {  	s3 =	simm.s32 $0x8;
	s0 =	sadd.s32 s4, s0;
	[dreg:$0x9] =	wrdreg s25  }
0x11: {  	s20 =	sshrl.u32 s17, $0x3;
	[dreg:$0xa] =	wrdreg s26;
	s17 =	sadd.s32 $0x7D0, s17  }
.Ltmp0:
0x12: {  	s22 =	simm.s32 $0x9;
	s23 =	simm.s32 $0x2;
	(pc) =	sbr.rel .LBB2_1-.Ltmp0, $4  }
0x13: {  	s24 =	simm.s32 $0x50;
	s25 =	simm.s32 $0x6800;
	s26 =	simm.s32 $0x3  }
0x14: {  	s21 =	sadd.s32 s6, s20;
	s4 =	sadd.s32 s1, s20;
	s18 =	sadd.s32 $0x27B000, s0  }
0x15: {  	s20 =	simm.s32 $0x1000;
	s0 =	simm.s32 $0x7;
	[dreg:$0x4] =	wrdreg s21  }
0x16: {  	v0 =	vimm.f32 $0.0e+00;
	[dreg:$0x5] =	wrdreg s4;
	s21 =	simm.s32 $0x4000;
	s4 =	simm.s32 $0x1  }
.LBB2_15:
0x17: {  	s9 =	stileid.u32;
	s8 =	sadd.s32 $0x1, s8  }
0x18: {  	[bflag:$0x0] =	sbarrier.arrive $0xFFFF;
	s9 =	sshll.u32 s9, $0x6;
	p0 =	sne.s32 s8, s19  }
.Ltmp1:
0x19: {  	s10 =	sshrl.u32 s7, $0x3;
	s9 =	sor.u32 $0x1C09, s9;
	(pc) =	sbr.rel @!p0 .LBB2_16-.Ltmp1, $4  }
0x1a: {  	[hbm:s18], [sflag:s9] =	dma.local [spmem:s10], $0x2780  }
0x1b: {  	_ =	swait.ge [sflag:s22], $0x2780  }
0x1c: {  	[sflag:s22] =	ssyncset.done $0x0  }
0x1d: {  	[sflag:s22] =	ssyncadd.s32 $0xFFFFD880  }
.LBB2_1:
0x1e: {  	s9 =	simm.s32 $0x0;
	s10 =	rddreg [dreg:$0x4]  }
0x1f: {  	[tilespmem:s9], [sflag:$0x1] =	stream.linear.gather [hbm4b:s10+s9], $0x7D0, $0x38;
	[tilespmem:$0x1F400] =	vst v63  }
0x20: {  	s14 =	rddreg [dreg:$0x5]  }
0x21: {  	[tilespmem:s20], [sflag:$0x1] =	stream.linear.gather [hbm4b:s14+s9], $0x7D0, $0x38;
	[tilespmem:$0x1F400] =	vst v63  }
0x22: {  	s10 =	simm.s32 $0x200;
	s9 =	simm.s32 $0x0  }
.LBB2_2:
0x23: {  	p0 =	sne.s32 s10, $0x9E00;
	[tilespmem:s9+$0x4070] =	vst v0  }
0x24: {  	[tilespmem:s9+$0x4000] =	vst v0  }
0x25: {  	[tilespmem:s9+$0x4010] =	vst v0  }
.Ltmp2:
0x26: {  	[tilespmem:s9+$0x4020] =	vst v0;
	(pc) =	sbr.rel @p0 .LBB2_2-.Ltmp2, $4  }
0x27: {  	[tilespmem:s9+$0x4030] =	vst v0  }
0x28: {  	[tilespmem:s9+$0x4040] =	vst v0  }
0x29: {  	[tilespmem:s9+$0x4050] =	vst v0  }
0x2a: {  	[tilespmem:s9+$0x4060] =	vst v0;
	s9 =	sshra.s32 s10, $0x2;
	s10 =	sadd.s32 $0x200, s10  }
0x2b: {  	[tilespmem:s9+$0x4070] =	vst v0  }
0x2c: {  	[tilespmem:s9+$0x4000] =	vst v0  }
0x2d: {  	[tilespmem:s9+$0x4010] =	vst v0  }
0x2e: {  	[tilespmem:s9+$0x4020] =	vst v0  }
0x2f: {  	[tilespmem:s9+$0x4030] =	vst v0  }
0x30: {  	[tilespmem:s9+$0x4040] =	vst v0  }
0x31: {  	[tilespmem:s9+$0x4050] =	vst v0  }
0x32: {  	[tilespmem:s9+$0x4060] =	vst v0  }
0x33: {  	[spmem:s7] =	stream.linear.scatter [tilespmem:s21], [sflag:$0x9], $0x2800, $0x38;
	[tilespmem:$0x1F400] =	vst v63  }
0x34: {  	_ =	swait.ge [sflag:s22], $0x2800  }
0x35: {  	[sflag:s22] =	ssyncset.done $0x0  }
0x36: {  	s10 =	rddreg [dreg:$0x6];
	[sflag:s22] =	ssyncadd.s32 $0xFFFFD800  }
0x37: {  	[spmem:s10] =	stream.linear.scatter [tilespmem:s21], [sflag:$0x9], $0x2800, $0x38;
	[tilespmem:$0x1F400] =	vst v63  }
0x38: {  	_ =	swait.ge [sflag:s22], $0x2800  }
0x39: {  	[sflag:s22] =	ssyncset.done $0x0  }
0x3a: {  	s11 =	rddreg [dreg:$0x7];
	[sflag:s22] =	ssyncadd.s32 $0xFFFFD800  }
0x3b: {  	[spmem:s11] =	stream.linear.scatter [tilespmem:s21], [sflag:$0x9], $0x2800, $0x38;
	[tilespmem:$0x1F400] =	vst v63  }
0x3c: {  	_ =	swait.ge [sflag:s22], $0x2800  }
0x3d: {  	[sflag:s22] =	ssyncset.done $0x0  }
0x3e: {  	s12 =	rddreg [dreg:$0x8];
	[sflag:s22] =	ssyncadd.s32 $0xFFFFD800  }
0x3f: {  	[spmem:s12] =	stream.linear.scatter [tilespmem:s21], [sflag:$0x9], $0x2800, $0x38;
	[tilespmem:$0x1F400] =	vst v63  }
0x40: {  	_ =	swait.ge [sflag:s22], $0x2800  }
0x41: {  	[sflag:s22] =	ssyncset.done $0x0  }
0x42: {  	s13 =	rddreg [dreg:$0x9];
	[sflag:s22] =	ssyncadd.s32 $0xFFFFD800  }
0x43: {  	[spmem:s13] =	stream.linear.scatter [tilespmem:s21], [sflag:$0x9], $0x2800, $0x38;
	[tilespmem:$0x1F400] =	vst v63  }
0x44: {  	_ =	swait.ge [sflag:s22], $0x2800  }
0x45: {  	[sflag:s22] =	ssyncset.done $0x0  }
0x46: {  	s14 =	rddreg [dreg:$0xa];
	[sflag:s22] =	ssyncadd.s32 $0xFFFFD800  }
0x47: {  	[spmem:s14] =	stream.linear.scatter [tilespmem:s21], [sflag:$0x9], $0x2800, $0x38;
	[tilespmem:$0x1F400] =	vst v63  }
0x48: {  	_ =	swait.ge [sflag:s22], $0x2800  }
0x49: {  	[sflag:s22] =	ssyncset.done $0x0  }
0x4a: {  	[sflag:s22] =	ssyncadd.s32 $0xFFFFD800  }
0x4b: {  	[spmem:s15] =	stream.linear.scatter [tilespmem:s21], [sflag:$0x9], $0x2800, $0x38;
	[tilespmem:$0x1F400] =	vst v63  }
0x4c: {  	_ =	swait.ge [sflag:s22], $0x2800  }
0x4d: {  	[sflag:s22] =	ssyncset.done $0x0  }
0x4e: {  	[sflag:s22] =	ssyncadd.s32 $0xFFFFD800  }
0x4f: {  	[spmem:s16] =	stream.linear.scatter [tilespmem:s21], [sflag:$0x9], $0x2400, $0x38;
	[tilespmem:$0x1F400] =	vst v63  }
.Ltmp3:
0x50: {  	_ =	swait.ge [sflag:s22], $0x2400;
	(pc) =	sbr.rel .LBB2_4-.Ltmp3, $4  }
0x51: {  	[sflag:s22] =	ssyncset.done $0x0  }
0x52: {  	[sflag:s22] =	ssyncadd.s32 $0xFFFFDC00  }
0x53: {  	[bflag:$0x0] =	sbarrier.arrive $0xFFFF  }
0x54: {  	s9 =	simm.s32 $0x0  }
.LBB2_6:
0x55: {  	s13 =	simm.s32 $0x2020  }
.LBB2_10:
0x56: {  	v1 =	vld [tilespmem:s12+$0x1000];
	_ =	sdelay $0x2  }
0x57: {  	s13 =	sadd.s32 @p0 $0x80, s13  }
0x58: {  	s11 =	smov.u32 @p0 s13  }
0x59: {  	[tilespmem:s11+$0xFFFFFFE0] =	vst v1  }
0x5a: {  	v1 =	vld [tilespmem:s12+$0x1010];
	_ =	sdelay $0x4  }
0x5b: {  	[tilespmem:s11+$0xFFFFFFF0] =	vst v1  }
0x5c: {  	v1 =	vld [tilespmem:s12+$0x1020];
	_ =	sdelay $0x4  }
0x5d: {  	[tilespmem:s11+$0x0] =	vst v1  }
0x5e: {  	v1 =	vld [tilespmem:s12+$0x1030];
	_ =	sdelay $0x4  }
0x5f: {  	[tilespmem:s11+$0x10] =	vst v1  }
0x60: {  	v1 =	vld [tilespmem:s12+$0x1040];
	_ =	sdelay $0x4  }
0x61: {  	[tilespmem:s11+$0x20] =	vst v1;
	s11 =	simm.s32 $0x2000  }
.LBB2_14:
0x62: {  	[tilespmem:s21], [sflag:$0x3] =	stream.indirect.gather [hbm4b:s5+s24], $0x80, s10, s24, $0xb8;
	[tilespmem:$0x1F400] =	vst v63  }
0x63: {  	s12 =	sadd.s32 $0x50, s10  }
0x64: {  	[tilespmem:s25], [sflag:$0x4] =	stream.indirect.gather [hbm4b:s5+s24], $0x80, s12, s24, $0xb8;
	[tilespmem:$0x1F400] =	vst v63  }
0x65: {  	_ =	swait.ge [sflag:s26], $0x2800  }
0x66: {  	[sflag:s26] =	ssyncset.done $0x0  }
0x67: {  	[sflag:s26] =	ssyncadd.s32 $0xFFFFD800  }
0x68: {  	[spmem:s2] =	stream.indirect.scatter.add.f32 [tilespmem:s21], [sflag:$0x6], $0x80, s11, s24, $0xb8;
	[tilespmem:$0x1F400] =	vst v63  }
0x69: {  	s13 =	sadd.s32 $0xA0, s10  }
0x6a: {  	[tilespmem:s28], [sflag:$0x5] =	stream.indirect.gather [hbm4b:s5+s24], $0x80, s13, s24, $0xb8;
	[tilespmem:$0x1F400] =	vst v63  }
0x6b: {  	_ =	swait.ge [sflag:s29], $0x2800  }
0x6c: {  	[sflag:s29] =	ssyncset.done $0x0  }
0x6d: {  	s14 =	sadd.s32 $0x80, s11;
	[sflag:s29] =	ssyncadd.s32 $0xFFFFD800  }
0x6e: {  	[spmem:s2] =	stream.indirect.scatter.add.f32 [tilespmem:s25], [sflag:$0x7], $0x80, s14, s24, $0xb8;
	[tilespmem:$0x1F400] =	vst v63  }
0x6f: {  	_ =	swait.ge [sflag:s30], $0x2800  }
0x70: {  	[sflag:s30] =	ssyncset.done $0x0  }
0x71: {  	s13 =	sadd.s32 $0xF0, s10;
	[sflag:s30] =	ssyncadd.s32 $0xFFFFD800  }
0x72: {  	[tilespmem:s21], [sflag:$0x3] =	stream.indirect.gather [hbm4b:s5+s24], $0x80, s13, s24, $0xb8;
	[tilespmem:$0x1F400] =	vst v63  }
0x73: {  	_ =	swait.ge [sflag:s31], $0x2800  }
0x74: {  	[sflag:s31] =	ssyncset.done $0x0  }
0x75: {  	s14 =	sadd.s32 $0x100, s11;
	[sflag:s31] =	ssyncadd.s32 $0xFFFFD800  }
0x76: {  	[spmem:s2] =	stream.indirect.scatter.add.f32 [tilespmem:s28], [sflag:$0x8], $0x80, s14, s24, $0xb8;
	[tilespmem:$0x1F400] =	vst v63  }
0x77: {  	_ =	swait.ge [sflag:s0], $0x2800  }
0x78: {  	[sflag:s0] =	ssyncset.done $0x0  }
0x79: {  	s13 =	sadd.s32 $0x140, s10;
	[sflag:s0] =	ssyncadd.s32 $0xFFFFD800  }
0x7a: {  	[tilespmem:s25], [sflag:$0x4] =	stream.indirect.gather [hbm4b:s5+s24], $0x80, s13, s24, $0xb8;
	[tilespmem:$0x1F400] =	vst v63  }
0x7b: {  	_ =	swait.ge [sflag:s26], $0x2800  }
0x7c: {  	[sflag:s26] =	ssyncset.done $0x0  }
0x7d: {  	s14 =	sadd.s32 $0x180, s11;
	[sflag:s26] =	ssyncadd.s32 $0xFFFFD800  }
0x7e: {  	[spmem:s2] =	stream.indirect.scatter.add.f32 [tilespmem:s21], [sflag:$0x6], $0x80, s14, s24, $0xb8;
	[tilespmem:$0x1F400] =	vst v63  }
0x7f: {  	_ =	swait.ge [sflag:s3], $0x2800  }
0x80: {  	[sflag:s3] =	ssyncset.done $0x0  }
0x81: {  	s13 =	sadd.s32 $0x190, s10;
	[sflag:s3] =	ssyncadd.s32 $0xFFFFD800  }
0x82: {  	[tilespmem:s28], [sflag:$0x5] =	stream.indirect.gather [hbm4b:s5+s24], $0x80, s13, s24, $0xb8;
	[tilespmem:$0x1F400] =	vst v63  }
0x83: {  	_ =	swait.ge [sflag:s29], $0x2800  }
0x84: {  	[sflag:s29] =	ssyncset.done $0x0  }
0x85: {  	s14 =	sadd.s32 $0x200, s11;
	[sflag:s29] =	ssyncadd.s32 $0xFFFFD800  }
0x86: {  	[spmem:s2] =	stream.indirect.scatter.add.f32 [tilespmem:s25], [sflag:$0x7], $0x80, s14, s24, $0xb8;
	[tilespmem:$0x1F400] =	vst v63  }
0x87: {  	_ =	swait.ge [sflag:s30], $0x2800  }
0x88: {  	[sflag:s30] =	ssyncset.done $0x0  }
0x89: {  	s13 =	sadd.s32 $0x1E0, s10;
	[sflag:s30] =	ssyncadd.s32 $0xFFFFD800  }
0x8a: {  	[tilespmem:s21], [sflag:$0x3] =	stream.indirect.gather [hbm4b:s5+s24], $0x80, s13, s24, $0xb8;
	[tilespmem:$0x1F400] =	vst v63  }
0x8b: {  	_ =	swait.ge [sflag:s31], $0x2800  }
0x8c: {  	[sflag:s31] =	ssyncset.done $0x0  }
0x8d: {  	s14 =	sadd.s32 $0x280, s11;
	[sflag:s31] =	ssyncadd.s32 $0xFFFFD800  }
0x8e: {  	[spmem:s2] =	stream.indirect.scatter.add.f32 [tilespmem:s28], [sflag:$0x8], $0x80, s14, s24, $0xb8;
	[tilespmem:$0x1F400] =	vst v63  }
0x8f: {  	_ =	swait.ge [sflag:s0], $0x2800  }
0x90: {  	[sflag:s0] =	ssyncset.done $0x0  }
0x91: {  	s13 =	sadd.s32 $0x230, s10;
	[sflag:s0] =	ssyncadd.s32 $0xFFFFD800  }
0x92: {  	[tilespmem:s25], [sflag:$0x4] =	stream.indirect.gather [hbm4b:s5+s24], $0x80, s13, s24, $0xb8;
	[tilespmem:$0x1F400] =	vst v63  }
0x93: {  	_ =	swait.ge [sflag:s26], $0x2800  }
0x94: {  	[sflag:s26] =	ssyncset.done $0x0  }
0x95: {  	s14 =	sadd.s32 $0x300, s11;
	[sflag:s26] =	ssyncadd.s32 $0xFFFFD800  }
0x96: {  	[spmem:s2] =	stream.indirect.scatter.add.f32 [tilespmem:s21], [sflag:$0x6], $0x80, s14, s24, $0xb8;
	[tilespmem:$0x1F400] =	vst v63  }
0x97: {  	_ =	swait.ge [sflag:s3], $0x2800  }
0x98: {  	[sflag:s3] =	ssyncset.done $0x0  }
0x99: {  	s13 =	sadd.s32 $0x280, s10;
	[sflag:s3] =	ssyncadd.s32 $0xFFFFD800  }
0x9a: {  	[tilespmem:s28], [sflag:$0x5] =	stream.indirect.gather [hbm4b:s5+s24], $0x80, s13, s24, $0xb8;
	[tilespmem:$0x1F400] =	vst v63  }
0x9b: {  	_ =	swait.ge [sflag:s29], $0x2800  }
0x9c: {  	[sflag:s29] =	ssyncset.done $0x0  }
0x9d: {  	s14 =	sadd.s32 $0x380, s11;
	[sflag:s29] =	ssyncadd.s32 $0xFFFFD800  }
0x9e: {  	[spmem:s2] =	stream.indirect.scatter.add.f32 [tilespmem:s25], [sflag:$0x7], $0x80, s14, s24, $0xb8;
	[tilespmem:$0x1F400] =	vst v63  }
0x9f: {  	_ =	swait.ge [sflag:s30], $0x2800  }
0xa0: {  	[sflag:s30] =	ssyncset.done $0x0  }
0xa1: {  	s13 =	sadd.s32 $0x2D0, s10;
	[sflag:s30] =	ssyncadd.s32 $0xFFFFD800  }
0xa2: {  	[tilespmem:s21], [sflag:$0x3] =	stream.indirect.gather [hbm4b:s5+s24], $0x80, s13, s24, $0xb8;
	[tilespmem:$0x1F400] =	vst v63  }
0xa3: {  	_ =	swait.ge [sflag:s31], $0x2800  }
0xa4: {  	[sflag:s31] =	ssyncset.done $0x0  }
0xa5: {  	s14 =	sadd.s32 $0x400, s11;
	[sflag:s31] =	ssyncadd.s32 $0xFFFFD800  }
0xa6: {  	[spmem:s2] =	stream.indirect.scatter.add.f32 [tilespmem:s28], [sflag:$0x8], $0x80, s14, s24, $0xb8;
	[tilespmem:$0x1F400] =	vst v63  }
0xa7: {  	_ =	swait.ge [sflag:s0], $0x2800  }
0xa8: {  	[sflag:s0] =	ssyncset.done $0x0  }
0xa9: {  	s13 =	sadd.s32 $0x320, s10;
	[sflag:s0] =	ssyncadd.s32 $0xFFFFD800  }
0xaa: {  	[tilespmem:s25], [sflag:$0x4] =	stream.indirect.gather [hbm4b:s5+s24], $0x80, s13, s24, $0xb8;
	[tilespmem:$0x1F400] =	vst v63  }
0xab: {  	_ =	swait.ge [sflag:s26], $0x2800  }
0xac: {  	[sflag:s26] =	ssyncset.done $0x0  }
0xad: {  	s14 =	sadd.s32 $0x480, s11;
	[sflag:s26] =	ssyncadd.s32 $0xFFFFD800  }
0xae: {  	[spmem:s2] =	stream.indirect.scatter.add.f32 [tilespmem:s21], [sflag:$0x6], $0x80, s14, s24, $0xb8;
	[tilespmem:$0x1F400] =	vst v63  }
0xaf: {  	_ =	swait.ge [sflag:s3], $0x2800  }
0xb0: {  	[sflag:s3] =	ssyncset.done $0x0  }
0xb1: {  	s13 =	sadd.s32 $0x370, s10;
	[sflag:s3] =	ssyncadd.s32 $0xFFFFD800  }
0xb2: {  	[tilespmem:s28], [sflag:$0x5] =	stream.indirect.gather [hbm4b:s5+s24], $0x80, s13, s24, $0xb8;
	[tilespmem:$0x1F400] =	vst v63  }
0xb3: {  	_ =	swait.ge [sflag:s29], $0x2800  }
0xb4: {  	[sflag:s29] =	ssyncset.done $0x0  }
0xb5: {  	s14 =	sadd.s32 $0x500, s11;
	[sflag:s29] =	ssyncadd.s32 $0xFFFFD800  }
0xb6: {  	[spmem:s2] =	stream.indirect.scatter.add.f32 [tilespmem:s25], [sflag:$0x7], $0x80, s14, s24, $0xb8;
	[tilespmem:$0x1F400] =	vst v63  }
0xb7: {  	_ =	swait.ge [sflag:s30], $0x2800  }
0xb8: {  	[sflag:s30] =	ssyncset.done $0x0  }
0xb9: {  	s13 =	sadd.s32 $0x3C0, s10;
	[sflag:s30] =	ssyncadd.s32 $0xFFFFD800  }
0xba: {  	[tilespmem:s21], [sflag:$0x3] =	stream.indirect.gather [hbm4b:s5+s24], $0x80, s13, s24, $0xb8;
	[tilespmem:$0x1F400] =	vst v63  }
0xbb: {  	_ =	swait.ge [sflag:s31], $0x2800  }
0xbc: {  	[sflag:s31] =	ssyncset.done $0x0  }
0xbd: {  	s14 =	sadd.s32 $0x580, s11;
	[sflag:s31] =	ssyncadd.s32 $0xFFFFD800  }
0xbe: {  	[spmem:s2] =	stream.indirect.scatter.add.f32 [tilespmem:s28], [sflag:$0x8], $0x80, s14, s24, $0xb8;
	[tilespmem:$0x1F400] =	vst v63  }
0xbf: {  	_ =	swait.ge [sflag:s0], $0x2800  }
0xc0: {  	[sflag:s0] =	ssyncset.done $0x0  }
0xc1: {  	s13 =	sadd.s32 $0x410, s10;
	[sflag:s0] =	ssyncadd.s32 $0xFFFFD800  }
0xc2: {  	[tilespmem:s25], [sflag:$0x4] =	stream.indirect.gather [hbm4b:s5+s24], $0x80, s13, s24, $0xb8;
	[tilespmem:$0x1F400] =	vst v63  }
0xc3: {  	_ =	swait.ge [sflag:s26], $0x2800  }
0xc4: {  	[sflag:s26] =	ssyncset.done $0x0  }
0xc5: {  	s14 =	sadd.s32 $0x600, s11;
	[sflag:s26] =	ssyncadd.s32 $0xFFFFD800  }
0xc6: {  	[spmem:s2] =	stream.indirect.scatter.add.f32 [tilespmem:s21], [sflag:$0x6], $0x80, s14, s24, $0xb8;
	[tilespmem:$0x1F400] =	vst v63  }
0xc7: {  	_ =	swait.ge [sflag:s3], $0x2800  }
0xc8: {  	[sflag:s3] =	ssyncset.done $0x0  }
0xc9: {  	s13 =	sadd.s32 $0x460, s10;
	[sflag:s3] =	ssyncadd.s32 $0xFFFFD800  }
0xca: {  	[tilespmem:s28], [sflag:$0x5] =	stream.indirect.gather [hbm4b:s5+s24], $0x80, s13, s24, $0xb8;
	[tilespmem:$0x1F400] =	vst v63  }
0xcb: {  	_ =	swait.ge [sflag:s29], $0x2800  }
0xcc: {  	[sflag:s29] =	ssyncset.done $0x0  }
0xcd: {  	s14 =	sadd.s32 $0x680, s11;
	[sflag:s29] =	ssyncadd.s32 $0xFFFFD800  }
0xce: {  	[spmem:s2] =	stream.indirect.scatter.add.f32 [tilespmem:s25], [sflag:$0x7], $0x80, s14, s24, $0xb8;
	[tilespmem:$0x1F400] =	vst v63  }
0xcf: {  	_ =	swait.ge [sflag:s30], $0x2800  }
0xd0: {  	[sflag:s30] =	ssyncset.done $0x0  }
0xd1: {  	s13 =	sadd.s32 $0x4B0, s10;
	[sflag:s30] =	ssyncadd.s32 $0xFFFFD800  }
0xd2: {  	[tilespmem:s21], [sflag:$0x3] =	stream.indirect.gather [hbm4b:s5+s24], $0x80, s13, s24, $0xb8;
	[tilespmem:$0x1F400] =	vst v63  }
0xd3: {  	_ =	swait.ge [sflag:s31], $0x2800  }
0xd4: {  	[sflag:s31] =	ssyncset.done $0x0  }
0xd5: {  	s14 =	sadd.s32 $0x700, s11;
	[sflag:s31] =	ssyncadd.s32 $0xFFFFD800  }
0xd6: {  	[spmem:s2] =	stream.indirect.scatter.add.f32 [tilespmem:s28], [sflag:$0x8], $0x80, s14, s24, $0xb8;
	[tilespmem:$0x1F400] =	vst v63  }
0xd7: {  	_ =	swait.ge [sflag:s0], $0x2800  }
0xd8: {  	[sflag:s0] =	ssyncset.done $0x0  }
0xd9: {  	s13 =	sadd.s32 $0x500, s10;
	[sflag:s0] =	ssyncadd.s32 $0xFFFFD800  }
0xda: {  	[tilespmem:s25], [sflag:$0x4] =	stream.indirect.gather [hbm4b:s5+s24], $0x80, s13, s24, $0xb8;
	[tilespmem:$0x1F400] =	vst v63  }
0xdb: {  	_ =	swait.ge [sflag:s26], $0x2800  }
0xdc: {  	[sflag:s26] =	ssyncset.done $0x0  }
0xdd: {  	s14 =	sadd.s32 $0x780, s11;
	[sflag:s26] =	ssyncadd.s32 $0xFFFFD800  }
0xde: {  	[spmem:s2] =	stream.indirect.scatter.add.f32 [tilespmem:s21], [sflag:$0x6], $0x80, s14, s24, $0xb8;
	[tilespmem:$0x1F400] =	vst v63  }
0xdf: {  	_ =	swait.ge [sflag:s3], $0x2800  }
0xe0: {  	[sflag:s3] =	ssyncset.done $0x0  }
0xe1: {  	s13 =	sadd.s32 $0x550, s10;
	[sflag:s3] =	ssyncadd.s32 $0xFFFFD800  }
0xe2: {  	[tilespmem:s28], [sflag:$0x5] =	stream.indirect.gather [hbm4b:s5+s24], $0x80, s13, s24, $0xb8;
	[tilespmem:$0x1F400] =	vst v63  }
0xe3: {  	_ =	swait.ge [sflag:s29], $0x2800  }
0xe4: {  	[sflag:s29] =	ssyncset.done $0x0  }
0xe5: {  	s14 =	sadd.s32 $0x800, s11;
	[sflag:s29] =	ssyncadd.s32 $0xFFFFD800  }
0xe6: {  	[spmem:s2] =	stream.indirect.scatter.add.f32 [tilespmem:s25], [sflag:$0x7], $0x80, s14, s24, $0xb8;
	[tilespmem:$0x1F400] =	vst v63  }
0xe7: {  	_ =	swait.ge [sflag:s30], $0x2800  }
0xe8: {  	[sflag:s30] =	ssyncset.done $0x0  }
0xe9: {  	s13 =	sadd.s32 $0x5A0, s10;
	[sflag:s30] =	ssyncadd.s32 $0xFFFFD800  }
0xea: {  	[tilespmem:s21], [sflag:$0x3] =	stream.indirect.gather [hbm4b:s5+s24], $0x80, s13, s24, $0xb8;
	[tilespmem:$0x1F400] =	vst v63  }
0xeb: {  	_ =	swait.ge [sflag:s31], $0x2800  }
0xec: {  	[sflag:s31] =	ssyncset.done $0x0  }
0xed: {  	s14 =	sadd.s32 $0x880, s11;
	[sflag:s31] =	ssyncadd.s32 $0xFFFFD800  }
0xee: {  	[spmem:s2] =	stream.indirect.scatter.add.f32 [tilespmem:s28], [sflag:$0x8], $0x80, s14, s24, $0xb8;
	[tilespmem:$0x1F400] =	vst v63  }
0xef: {  	_ =	swait.ge [sflag:s0], $0x2800  }
0xf0: {  	[sflag:s0] =	ssyncset.done $0x0  }
0xf1: {  	s13 =	sadd.s32 $0x5F0, s10;
	[sflag:s0] =	ssyncadd.s32 $0xFFFFD800  }
0xf2: {  	[tilespmem:s25], [sflag:$0x4] =	stream.indirect.gather [hbm4b:s5+s24], $0x80, s13, s24, $0xb8;
	[tilespmem:$0x1F400] =	vst v63  }
0xf3: {  	_ =	swait.ge [sflag:s26], $0x2800  }
0xf4: {  	[sflag:s26] =	ssyncset.done $0x0  }
0xf5: {  	s14 =	sadd.s32 $0x900, s11;
	[sflag:s26] =	ssyncadd.s32 $0xFFFFD800  }
0xf6: {  	[spmem:s2] =	stream.indirect.scatter.add.f32 [tilespmem:s21], [sflag:$0x6], $0x80, s14, s24, $0xb8;
	[tilespmem:$0x1F400] =	vst v63  }
0xf7: {  	_ =	swait.ge [sflag:s3], $0x2800  }
0xf8: {  	[sflag:s3] =	ssyncset.done $0x0  }
0xf9: {  	s13 =	sadd.s32 $0x640, s10;
	[sflag:s3] =	ssyncadd.s32 $0xFFFFD800  }
0xfa: {  	[tilespmem:s28], [sflag:$0x5] =	stream.indirect.gather [hbm4b:s5+s24], $0x80, s13, s24, $0xb8;
	[tilespmem:$0x1F400] =	vst v63  }
0xfb: {  	_ =	swait.ge [sflag:s29], $0x2800  }
0xfc: {  	[sflag:s29] =	ssyncset.done $0x0  }
0xfd: {  	s14 =	sadd.s32 $0x980, s11;
	[sflag:s29] =	ssyncadd.s32 $0xFFFFD800  }
0xfe: {  	[spmem:s2] =	stream.indirect.scatter.add.f32 [tilespmem:s25], [sflag:$0x7], $0x80, s14, s24, $0xb8;
	[tilespmem:$0x1F400] =	vst v63  }
0xff: {  	_ =	swait.ge [sflag:s30], $0x2800  }
0x100: {  	[sflag:s30] =	ssyncset.done $0x0  }
0x101: {  	s13 =	sadd.s32 $0x690, s10;
	[sflag:s30] =	ssyncadd.s32 $0xFFFFD800  }
0x102: {  	[tilespmem:s21], [sflag:$0x3] =	stream.indirect.gather [hbm4b:s5+s24], $0x80, s13, s24, $0xb8;
	[tilespmem:$0x1F400] =	vst v63  }
0x103: {  	_ =	swait.ge [sflag:s31], $0x2800  }
0x104: {  	[sflag:s31] =	ssyncset.done $0x0  }
0x105: {  	s14 =	sadd.s32 $0xA00, s11;
	[sflag:s31] =	ssyncadd.s32 $0xFFFFD800  }
0x106: {  	[spmem:s2] =	stream.indirect.scatter.add.f32 [tilespmem:s28], [sflag:$0x8], $0x80, s14, s24, $0xb8;
	[tilespmem:$0x1F400] =	vst v63  }
0x107: {  	_ =	swait.ge [sflag:s0], $0x2800  }
0x108: {  	[sflag:s0] =	ssyncset.done $0x0  }
0x109: {  	s13 =	sadd.s32 $0x6E0, s10;
	[sflag:s0] =	ssyncadd.s32 $0xFFFFD800  }
0x10a: {  	[tilespmem:s25], [sflag:$0x4] =	stream.indirect.gather [hbm4b:s5+s24], $0x80, s13, s24, $0xb8;
	[tilespmem:$0x1F400] =	vst v63  }
0x10b: {  	_ =	swait.ge [sflag:s26], $0x2800  }
0x10c: {  	[sflag:s26] =	ssyncset.done $0x0  }
0x10d: {  	s14 =	sadd.s32 $0xA80, s11;
	[sflag:s26] =	ssyncadd.s32 $0xFFFFD800  }
0x10e: {  	[spmem:s2] =	stream.indirect.scatter.add.f32 [tilespmem:s21], [sflag:$0x6], $0x80, s14, s24, $0xb8;
	[tilespmem:$0x1F400] =	vst v63  }
0x10f: {  	_ =	swait.ge [sflag:s3], $0x2800  }
0x110: {  	[sflag:s3] =	ssyncset.done $0x0  }
0x111: {  	s13 =	sadd.s32 $0x730, s10;
	[sflag:s3] =	ssyncadd.s32 $0xFFFFD800  }
0x112: {  	[tilespmem:s28], [sflag:$0x5] =	stream.indirect.gather [hbm4b:s5+s24], $0x80, s13, s24, $0xb8;
	[tilespmem:$0x1F400] =	vst v63  }
0x113: {  	_ =	swait.ge [sflag:s29], $0x2800  }
0x114: {  	[sflag:s29] =	ssyncset.done $0x0  }
0x115: {  	s14 =	sadd.s32 $0xB00, s11;
	[sflag:s29] =	ssyncadd.s32 $0xFFFFD800  }
0x116: {  	[spmem:s2] =	stream.indirect.scatter.add.f32 [tilespmem:s25], [sflag:$0x7], $0x80, s14, s24, $0xb8;
	[tilespmem:$0x1F400] =	vst v63  }
0x117: {  	_ =	swait.ge [sflag:s30], $0x2800  }
0x118: {  	[sflag:s30] =	ssyncset.done $0x0  }
0x119: {  	s12 =	sadd.s32 $0x780, s10;
	[sflag:s30] =	ssyncadd.s32 $0xFFFFD800  }
0x11a: {  	[tilespmem:s21], [sflag:$0x3] =	stream.indirect.gather [hbm4b:s5+s24], $0x80, s12, s24, $0xb8;
	[tilespmem:$0x1F400] =	vst v63  }
0x11b: {  	_ =	swait.ge [sflag:s31], $0x2800  }
0x11c: {  	[sflag:s31] =	ssyncset.done $0x0  }
0x11d: {  	s13 =	sadd.s32 $0xB80, s11;
	[sflag:s31] =	ssyncadd.s32 $0xFFFFD800  }
0x11e: {  	[spmem:s2] =	stream.indirect.scatter.add.f32 [tilespmem:s28], [sflag:$0x8], $0x80, s13, s24, $0xb8;
	[tilespmem:$0x1F400] =	vst v63  }
0x11f: {  	_ =	swait.ge [sflag:s26], $0x2800  }
0x120: {  	[sflag:s26] =	ssyncset.done $0x0  }
0x121: {  	s14 =	sadd.s32 $0xC00, s11;
	[sflag:s26] =	ssyncadd.s32 $0xFFFFD800  }
0x122: {  	[spmem:s2] =	stream.indirect.scatter.add.f32 [tilespmem:s21], [sflag:$0x6], $0x80, s14, s24, $0xb8;
	[tilespmem:$0x1F400] =	vst v63  }
0x123: {  	_ =	swait.ge [sflag:s0], $0x2800  }
0x124: {  	[sflag:s0] =	ssyncset.done $0x0  }
0x125: {  	s9 =	sadd.s32 $0x1, s9;
	[sflag:s0] =	ssyncadd.s32 $0xFFFFD800  }
0x126: {  	p0 =	sne.s32 s9, $0x5;
	_ =	swait.ge [sflag:s3], $0x2800  }
.Ltmp4:
0x127: {  	[sflag:s3] =	ssyncset.done $0x0;
	(pc) =	sbr.rel @!p0 .LBB2_15-.Ltmp4, $4  }
0x128: {  	[sflag:s3] =	ssyncadd.s32 $0xFFFFD800  }
0x129: {  	_ =	swait.ge [sflag:s30], $0x2800  }
0x12a: {  	[sflag:s30] =	ssyncset.done $0x0  }
0x12b: {  	[sflag:s30] =	ssyncadd.s32 $0xFFFFD800  }
.LBB2_4:
0x12c: {  	s10 =	sand.u32 $0x1, s9  }
0x12d: {  	p0 =	seq.s32 s10, $0x1  }
.Ltmp5:
0x12e: {  	_ = 	snop;
	(pc) =	sbr.rel @!p0 .LBB2_5-.Ltmp5, $1  }
0x12f: {  	_ =	sdelay $0x3  }
0x130: {  	_ =	swait.ge [sflag:s23], $0x7D0  }
0x131: {  	s10 =	smul.u32 $0x7D0, s9;
	[sflag:s23] =	ssyncset.done $0x0  }
0x132: {  	[sflag:s23] =	ssyncadd.s32 $0xFFFFF830  }
0x133: {  	s10 =	sadd.s32 s10, s17;
	_ =	swait.ge [sflag:s23], $0x7D0  }
0x134: {  	s10 =	sshrl.u32 s10, $0x3;
	[sflag:s23] =	ssyncset.done $0x0  }
0x135: {  	s12 =	simm.s32 $0x0;
	s11 =	sadd.s32 s6, s10;
	[sflag:s23] =	ssyncadd.s32 $0xFFFFF830  }
0x136: {  	[tilespmem:s12], [sflag:$0x1] =	stream.linear.gather [hbm4b:s11+s12], $0x7D0, $0x38;
	[tilespmem:$0x1F400] =	vst v63  }
0x137: {  	s14 =	simm.s32 $0x0;
	s10 =	sadd.s32 s1, s10  }
0x138: {  	[tilespmem:s20], [sflag:$0x1] =	stream.linear.gather [hbm4b:s10+s12], $0x7D0, $0x38;
	[tilespmem:$0x1F400] =	vst v63  }
0x139: {  	v1 =	vld [tilespmem:s14+$0x1800];
	_ =	sdelay $0x3  }
0x13a: {  	s10 =	simm.s32 $0x3020  }
0x13b: {  	[tilespmem:s10+$0xFFFFFFE0] =	vst v1  }
0x13c: {  	v1 =	vld [tilespmem:s14+$0x1810];
	_ =	sdelay $0x4  }
0x13d: {  	[tilespmem:s10+$0xFFFFFFF0] =	vst v1  }
0x13e: {  	v1 =	vld [tilespmem:s14+$0x1820];
	_ =	sdelay $0x4  }
0x13f: {  	[tilespmem:s10+$0x0] =	vst v1  }
0x140: {  	v1 =	vld [tilespmem:s14+$0x1830];
	_ =	sdelay $0x4  }
0x141: {  	[tilespmem:s10+$0x10] =	vst v1  }
0x142: {  	v1 =	vld [tilespmem:s14+$0x1840];
	_ =	sdelay $0x4  }
0x143: {  	s11 =	simm.s32 $0x50;
	s12 =	simm.s32 $0x280;
	[tilespmem:s10+$0x20] =	vst v1  }
.LBB2_12:
0x144: {  	p0 =	sne.s32 s12, $0x1E00;
	v1 =	vld [tilespmem:s11+$0x1800];
	_ =	sdelay $0x3  }
0x145: {  	s10 =	sadd.s32 $0x80, s10  }
0x146: {  	[tilespmem:s10+$0xFFFFFFE0] =	vst v1  }
0x147: {  	v1 =	vld [tilespmem:s11+$0x1810];
	_ =	sdelay $0x4  }
0x148: {  	[tilespmem:s10+$0xFFFFFFF0] =	vst v1  }
0x149: {  	v1 =	vld [tilespmem:s11+$0x1820];
	_ =	sdelay $0x4  }
0x14a: {  	[tilespmem:s10+$0x0] =	vst v1  }
0x14b: {  	v1 =	vld [tilespmem:s11+$0x1830];
	_ =	sdelay $0x4  }
0x14c: {  	[tilespmem:s10+$0x10] =	vst v1  }
0x14d: {  	v1 =	vld [tilespmem:s11+$0x1840]  }
.Ltmp6:
0x14e: {  	(pc) =	sbr.rel @p0 .LBB2_12-.Ltmp6, $2  }
0x14f: {  	_ =	sdelay $0x2  }
0x150: {  	s11 =	sshra.s32 s12, $0x2;
	s12 =	sadd.s32 $0x140, s12;
	[tilespmem:s10+$0x20] =	vst v1  }
0x151: {  	v1 =	vld [tilespmem:s11+$0x1800];
	_ =	sdelay $0x3  }
0x152: {  	s10 =	sadd.s32 $0x80, s10  }
0x153: {  	[tilespmem:s10+$0xFFFFFFE0] =	vst v1  }
0x154: {  	v1 =	vld [tilespmem:s11+$0x1810];
	_ =	sdelay $0x4  }
0x155: {  	[tilespmem:s10+$0xFFFFFFF0] =	vst v1  }
0x156: {  	v1 =	vld [tilespmem:s11+$0x1820];
	_ =	sdelay $0x4  }
0x157: {  	[tilespmem:s10+$0x0] =	vst v1  }
0x158: {  	v1 =	vld [tilespmem:s11+$0x1830];
	_ =	sdelay $0x4  }
0x159: {  	[tilespmem:s10+$0x10] =	vst v1  }
0x15a: {  	v1 =	vld [tilespmem:s11+$0x1840]  }
.Ltmp7:
0x15b: {  	_ = 	snop;
	(pc) =	sbr.rel .LBB2_14-.Ltmp7, $2  }
0x15c: {  	_ =	sdelay $0x2  }
0x15d: {  	s11 =	simm.s32 $0x3000;
	[tilespmem:s10+$0x20] =	vst v1;
	s10 =	simm.s32 $0x800  }
.LBB2_5:
0x15e: {  	_ =	swait.ge [sflag:s4], $0x7D0;
	p0 =	seq.s32 s9, $0x4  }
0x15f: {  	[sflag:s4] =	ssyncset.done $0x0;
	s10 =	smul.u32 @!p0 $0x7D0, s9  }
0x160: {  	[sflag:s4] =	ssyncadd.s32 $0xFFFFF830  }
0x161: {  	p1 =	por $0x0, $0x0;
	_ =	swait.ge [sflag:s4], $0x7D0;
	s10 =	sadd.s32 @!p0 s10, s17  }
0x162: {  	s12 =	simm.s32 @!p0 $0x0;
	[sflag:s4] =	ssyncset.done $0x0;
	s10 =	sshrl.u32 @!p0 s10, $0x3  }
0x163: {  	s13 =	simm.s32 @!p0 $0x800;
	[sflag:s4] =	ssyncadd.s32 $0xFFFFF830;
	s11 =	sadd.s32 @!p0 s6, s10  }
0x164: {  	[tilespmem:s13], [sflag:$0x2] =	stream.linear.gather @!p0 [hbm4b:s11+s12], $0x7D0, $0x38;
	[tilespmem:$0x1F400] =	vst v63  }
.Ltmp8:
0x165: {  	_ = 	snop;
	(pc) =	sbr.rel @p1 .LBB2_6-.Ltmp8, $4  }
0x166: {  	s10 =	sadd.s32 @!p0 s1, s10;
	s11 =	simm.s32 @!p0 $0x1800  }
0x167: {  	[tilespmem:s11], [sflag:$0x2] =	stream.linear.gather @!p0 [hbm4b:s10+s12], $0x7D0, $0x38;
	[tilespmem:$0x1F400] =	vst v63  }
0x168: {  	s10 =	simm.s32 $0x0  }
0x169: {  	s11 =	simm.s32 $0x2020;
	s12 =	simm.s32 $0x0;
	p0 =	por $0x0, $0x0  }
0x16a: {  	v1 =	vld [tilespmem:s12+$0x1000];
	_ =	sdelay $0x4  }
0x16b: {  	[tilespmem:s11+$0xFFFFFFE0] =	vst v1  }
0x16c: {  	v1 =	vld [tilespmem:s12+$0x1010];
	_ =	sdelay $0x4  }
0x16d: {  	[tilespmem:s11+$0xFFFFFFF0] =	vst v1  }
0x16e: {  	v1 =	vld [tilespmem:s12+$0x1020];
	_ =	sdelay $0x4  }
0x16f: {  	[tilespmem:s11+$0x0] =	vst v1  }
0x170: {  	v1 =	vld [tilespmem:s12+$0x1030];
	_ =	sdelay $0x4  }
0x171: {  	[tilespmem:s11+$0x10] =	vst v1  }
0x172: {  	p1 =	por $0x0, $0x0;
	v1 =	vld [tilespmem:s12+$0x1040]  }
.Ltmp9:
0x173: {  	_ = 	snop;
	(pc) =	sbr.rel @p1 .LBB2_8-.Ltmp9, $3  }
0x174: {  	_ =	sdelay $0x1  }
0x175: {  	s14 =	simm.s32 $0x280  }
0x176: {  	p0 =	por $0x1, $0x1;
	s13 =	simm.s32 $0x2020;
	s12 =	simm.s32 $0x50;
	[tilespmem:s11+$0x20] =	vst v1  }
.LBB2_9:
0x177: {  	p1 =	seq.s32 s14, $0x1E00;
	v1 =	vld [tilespmem:s12+$0x1000];
	_ =	sdelay $0x3  }
0x178: {  	s13 =	sadd.s32 $0x80, s13  }
0x179: {  	[tilespmem:s13+$0xFFFFFFE0] =	vst v1  }
0x17a: {  	v1 =	vld [tilespmem:s12+$0x1010];
	_ =	sdelay $0x4  }
0x17b: {  	[tilespmem:s13+$0xFFFFFFF0] =	vst v1  }
0x17c: {  	v1 =	vld [tilespmem:s12+$0x1020];
	_ =	sdelay $0x4  }
0x17d: {  	[tilespmem:s13+$0x0] =	vst v1  }
0x17e: {  	v1 =	vld [tilespmem:s12+$0x1030];
	_ =	sdelay $0x4  }
0x17f: {  	[tilespmem:s13+$0x10] =	vst v1  }
0x180: {  	v1 =	vld [tilespmem:s12+$0x1040]  }
.Ltmp10:
0x181: {  	(pc) =	sbr.rel @!p1 .LBB2_9-.Ltmp10, $2  }
0x182: {  	_ =	sdelay $0x2  }
0x183: {  	s12 =	sshra.s32 s14, $0x2;
	s14 =	sadd.s32 $0x140, s14;
	[tilespmem:s13+$0x20] =	vst v1  }
.Ltmp11:
0x184: {  	_ = 	snop;
	(pc) =	sbr.rel .LBB2_10-.Ltmp11, $1  }
0x185: {  	_ =	sdelay $0x3  }
.LBB2_8:
.Ltmp12:
0x186: {  	(pc) =	sbr.rel .LBB2_10-.Ltmp12, $2  }
0x187: {  	_ =	sdelay $0x2  }
0x188: {  	s13 =	simm.s32 $0x2020  }
.LBB2_16:
0x189: {  	_ =	sfence.sel $0x180000  }
0x18a: {  	[bflag:$0x0] =	sbarrier.arrive $0xFFFF  }
0x18b: {  	_ =	strace $0x90000047  }
0x18c: {  	s0 =	stileid.u32;
	[bflag:$0x2] =	sbarrier.arrive $0xFFFF  }
0x18d: {  	p0 =	sne.s32 s0, $0x0;
	s0 =	rddreg [dreg:$0x3]  }
0x18e: {  	s0 =	sadd.s32 @!p0 $0x100000, s0  }
0x18f: {  	[sflag:s0] =	ssyncadd.tile.s32 @!p0 $0x1;
	_ =	shalt  }
.Lfunc_end2:
_tile_overlayer_lowered:
.L_overlay_start_2:
0x190: {  	(tag) =	ssettag $0x2  }
0x191: {  	s0 =	rddreg [dreg:$0x0];
	s2 =	stileid.u32  }
0x192: {  	s1 =	rddreg [dreg:$0x1];
	p0 =	sne.s32 s2, $0x0  }
0x193: {  	s3 =	rddreg [dreg:$0x2];
	[bflag:$0x3] =	sbarrier.arrive $0xFFFF;
	s2 =	simm.s32 @!p0 $0x1C09  }
0x194: {  	[timem:s3], [sflag:s2] =	dma.local @!p0 [hbm:s0], s1  }
0x195: {  	s0 =	simm.s32 @!p0 $0x9  }
0x196: {  	_ =	swait.ge @!p0 [sflag:s0], s1  }
0x197: {  	s1 =	ssub.s32 @!p0 $0x0, s1;
	[sflag:s0] =	ssyncset.done @!p0 $0x0  }
0x198: {  	[sflag:s0] =	ssyncadd.s32 @!p0 s1  }
0x199: {  	[bflag:$0x3] =	sbarrier.arrive $0xFFFF  }
0x19a: {  	_ =	shalt  }

</sc_bundles>
